<compile_context>
chip_gen: v7x
topology: tpu7x:2x2x1
jax: 0.10.2.dev20260603
libtpu: 0.0.44.dev20260713+nightly
codegen_flags: <defaults>
</compile_context>

<pallas_src>
import jax
import jax.numpy as jnp
from jax import lax
from jax.experimental import pallas as pl
from jax.experimental.pallas import tpu as pltpu
from jax.experimental.pallas import tpu_sc as plsc

B, T, D = 16, 4096, 512
L = 16
NW = 32
W_PER_ROW = NW // B
ROWS_PER_W = B * T // NW
CH = 32
NCHUNK = ROWS_PER_W // CH
NBUF = 6
NSEG = T // L
U = 8


def _lr_body(x_hbm, dur_hbm, out_hbm, d_v, mark_v, seg_s, buf_v, sem_in, sem_out):
    cid = lax.axis_index("c")
    sid = lax.axis_index("s")
    wid = sid * 2 + cid
    row = wid // W_PER_ROW
    t0 = (wid % W_PER_ROW) * ROWS_PER_W
    base = row * T

    pltpu.async_copy(dur_hbm.at[pl.ds(base, T)], d_v, sem_in)

    def init_mark(g, carry):
        for u in range(U):
            mark_v[pl.ds((g * U + u) * L, L)] = jnp.full((L,), -1, jnp.int32)
        return carry

    lax.fori_loop(0, NSEG // U, init_mark, jnp.int32(0))
    pltpu.make_async_copy(dur_hbm.at[pl.ds(base, T)], d_v, sem_in).wait()

    def seg_sums(g, carry):
        for u in range(U):
            s = g * U + u
            seg_s[s] = jnp.sum(d_v[pl.ds(s * L, L)])
        return carry

    lax.fori_loop(0, NSEG // U, seg_sums, jnp.int32(0))

    def seg_prefix(g, carry):
        for u in range(U):
            s = g * U + u
            v = seg_s[s]
            seg_s[s] = carry
            carry = carry + v
        return carry

    lax.fori_loop(0, NSEG // U, seg_prefix, jnp.int32(0))

    def pass_a(g, carry):
        for u in range(U):
            s = g * U + u
            dv = d_v[pl.ds(s * L, L)]
            e = plsc.cumsum(dv) - dv + seg_s[s]
            j = lax.iota(jnp.int32, L) + s * L
            mask = (e < T) & ((dv > 0) | (j == T - 1))
            plsc.store_scatter(mark_v, [e], j, mask=mask)
        return carry

    lax.fori_loop(0, NSEG // U, pass_a, jnp.int32(0))

    def seg_maxes(g, carry):
        for u in range(U):
            s = g * U + u
            seg_s[s] = jnp.max(mark_v[pl.ds(s * L, L)])
        return carry

    lax.fori_loop(0, NSEG // U, seg_maxes, jnp.int32(0))

    def segmax_prefix(g, carry):
        for u in range(U):
            s = g * U + u
            carry = jnp.maximum(carry, seg_s[s])
            seg_s[s] = carry
        return carry

    lax.fori_loop(0, NSEG // U, segmax_prefix, jnp.int32(-1))

    s0 = t0 // L

    def pass_b(g, carry):
        for u in range(U):
            s = s0 + g * U + u
            mv = mark_v[pl.ds(s * L, L)]
            prev = jnp.where(s > 0, seg_s[jnp.maximum(s - 1, 0)], jnp.int32(-1))
            cm = jnp.maximum(plsc.cummax(mv), prev)
            mark_v[pl.ds(s * L, L)] = cm + base
        return carry

    WSEG = ROWS_PER_W // L
    SEG_PER_CH = CH // L
    HEAD = max(1, -(-4 * SEG_PER_CH) // U)
    assert HEAD * U >= 4 * SEG_PER_CH
    lax.fori_loop(0, HEAD, pass_b, jnp.int32(0))

    def start_gather(k, slot):
        idx_ref = mark_v.at[pl.ds(t0 + k * CH, CH)]
        return pltpu.async_copy(x_hbm.at[idx_ref], buf_v.at[slot], sem_in)

    def wait_gather(k, slot):
        pltpu.make_async_copy(
            x_hbm.at[mark_v.at[pl.ds(t0 + k * CH, CH)]],
            buf_v.at[slot],
            sem_in,
        ).wait()

    def start_write(k, slot):
        return pltpu.async_copy(
            buf_v.at[slot], out_hbm.at[pl.ds(base + t0 + k * CH, CH)], sem_out
        )

    def wait_write(k, slot):
        pltpu.make_async_copy(
            buf_v.at[slot], out_hbm.at[pl.ds(base + t0 + k * CH, CH)], sem_out
        ).wait()

    for kk in range(4):
        start_gather(kk, kk)
    lax.fori_loop(HEAD, WSEG // U, pass_b, jnp.int32(0))

    def gather_loop(k, carry):
        @pl.when(k >= 2)
        def _():
            wait_write(k - 2, (k - 2) % NBUF)

        @pl.when(k + 4 < NCHUNK)
        def _():
            start_gather(k + 4, (k + 4) % NBUF)

        wait_gather(k, k % NBUF)
        start_write(k, k % NBUF)
        return carry

    lax.fori_loop(0, NCHUNK, gather_loop, jnp.int32(0))
    for kk in range(NCHUNK - 2, NCHUNK):
        wait_write(kk, kk % NBUF)


@jax.jit
def _length_regulate(x2, dur_flat):
    mesh = plsc.VectorSubcoreMesh(
        core_axis_name="c", subcore_axis_name="s", num_cores=2, num_subcores=16
    )
    return pl.kernel(
        _lr_body,
        out_type=jax.ShapeDtypeStruct((B * T, D), jnp.float32),
        mesh=mesh,
        compiler_params=pltpu.CompilerParams(needs_layout_passes=False),
        scratch_types=[
            pltpu.VMEM((T,), jnp.int32),
            pltpu.VMEM((T,), jnp.int32),
            pltpu.SMEM((NSEG,), jnp.int32),
            pltpu.VMEM((NBUF, CH, D), jnp.float32),
            pltpu.SemaphoreType.DMA,
            pltpu.SemaphoreType.DMA,
        ],
    )(x2, dur_flat)


def kernel(x, durations):
    x2 = x.reshape(B * T, D)
    dur_flat = durations.reshape(B * T).astype(jnp.int32)
    out2 = _length_regulate(x2, dur_flat)
    return out2.reshape(B, T, D)

# --- scband reference (transcript-rebuilt; emitter-appended) ---
"""Pipeline reference for scband-length-regulator-6373731467703 (READ-ONLY COPY).

The authoritative reference and input builder live on the scoring server;
editing this copy changes nothing except your own understanding.
"""

import jax, jax.numpy as jnp
import numpy as np


def setup_inputs(seed: int = 0) -> dict:
    key = jax.random.key(seed)
    x = jax.random.normal(key, (16, 4096, 512), dtype=jnp.float32)
    # durations must sum to the same total per batch row for torch.stack to work;
    # use all-ones durations (int), matching fill=ones.
    durations = jnp.ones((16, 4096), dtype=jnp.int32)
    return {"x": x, "durations": durations}


def reference(x, durations):
    # Faithful translation of LengthRegulator.forward: each frame x[i, j] is
    # repeated durations[i, j] times along the time axis, per batch element,
    # then the per-batch expanded sequences are stacked.
    batch_size = x.shape[0]
    total_len = durations.shape[1]
    expanded = []
    for i in range(batch_size):
        # jnp.repeat with a per-row repeats vector == torch cat of per-frame repeats
        seq = jnp.repeat(x[i], durations[i], axis=0, total_repeat_length=total_len)
        expanded.append(seq)
    return jnp.stack(expanded, axis=0)

if __name__ == "__main__":
    import jax
    _d = setup_inputs()
    print(jax.jit(kernel)(*tuple(_d.values())))

</pallas_src>

<mosaic_0001>
#map = affine_map<(d0, d1) -> (0, 0)>
#map1 = affine_map<(d0, d1) -> (0)>
module attributes {stable_mosaic.version = 14 : i64} {
  func.func @_lr_body(%arg0: i32, %arg1: i32, %arg2: memref<65536x512xf32, #tpu.memory_space<hbm>>, %arg3: memref<65536xi32, #tpu.memory_space<hbm>>, %arg4: memref<65536x512xf32, #tpu.memory_space<hbm>>, %arg5: memref<4096xi32, #tpu.memory_space<vmem>>, %arg6: memref<4096xi32, #tpu.memory_space<vmem>>, %arg7: memref<256xi32, #tpu.memory_space<smem>>, %arg8: memref<6x32x512xf32, #tpu.memory_space<vmem>>, %arg9: memref<!tpu.dma_semaphore, #tpu.memory_space<semaphore_mem>>, %arg10: memref<!tpu.dma_semaphore, #tpu.memory_space<semaphore_mem>>) attributes {dimension_semantics = [#tpu.dimension_semantics<core_parallel>, #tpu.dimension_semantics<subcore_parallel>], iteration_bounds = array<i64: 2, 16>, scalar_prefetch = 0 : i64, scratch_operands = 6 : i64, tpu.core_type = #tpu.core_type<sc_vector_subcore>, window_params = [{transform_indices = #map}, {transform_indices = #map1}, {transform_indices = #map}]} {
    %mul3A = arith.constant 2 : i32
    %mul3A_0 = arith.muli %arg1, %mul3A : i32
    %add3A = arith.addi %mul3A_0, %arg0 : i32
    %jit3A = arith.constant 2 : i32
    %div3A = arith.divsi %add3A, %jit3A : i32
    %sign3A = arith.constant 0 : i32
    %sign3A_1 = arith.cmpi sgt, %add3A, %sign3A : i32
    %sign3A_2 = arith.extui %sign3A_1 : i1 to i32
    %sign3A_3 = arith.constant 0 : i32
    %sign3A_4 = arith.cmpi slt, %add3A, %sign3A_3 : i32
    %sign3A_5 = arith.extui %sign3A_4 : i1 to i32
    %sign3A_6 = arith.subi %sign3A_2, %sign3A_5 : i32
    %sign3A_7 = arith.constant 0 : i32
    %sign3A_8 = arith.cmpi sgt, %jit3A, %sign3A_7 : i32
    %sign3A_9 = arith.extui %sign3A_8 : i1 to i32
    %sign3A_10 = arith.constant 0 : i32
    %sign3A_11 = arith.cmpi slt, %jit3A, %sign3A_10 : i32
    %sign3A_12 = arith.extui %sign3A_11 : i1 to i32
    %sign3A_13 = arith.subi %sign3A_9, %sign3A_12 : i32
    %ne3A = arith.cmpi ne, %sign3A_6, %sign3A_13 : i32
    %rem3A = arith.remsi %add3A, %jit3A : i32
    %ne3A_14 = arith.constant 0 : i32
    %ne3A_15 = arith.cmpi ne, %rem3A, %ne3A_14 : i32
    %and3A = arith.andi %ne3A, %ne3A_15 : i1
    %sub3A = arith.constant 1 : i32
    %sub3A_16 = arith.subi %div3A, %sub3A : i32
    %select_n3A = arith.select %and3A, %sub3A_16, %div3A : i32
    %jit3A_17 = arith.constant 2 : i32
    %eq3A = arith.constant 0 : i32
    %eq3A_18 = arith.cmpi eq, %jit3A_17, %eq3A : i32
    %jit3A_19 = arith.constant 1 : i32
    %select_n3A_20 = arith.select %eq3A_18, %jit3A_19, %jit3A_17 : i32
    %rem3A_21 = arith.remsi %add3A, %select_n3A_20 : i32
    %ne3A_22 = arith.constant 0 : i32
    %ne3A_23 = arith.cmpi ne, %rem3A_21, %ne3A_22 : i32
    %lt3A = arith.constant 0 : i32
    %lt3A_24 = arith.cmpi slt, %rem3A_21, %lt3A : i32
    %lt3A_25 = arith.constant 0 : i32
    %lt3A_26 = arith.cmpi slt, %select_n3A_20, %lt3A_25 : i32
    %ne3A_27 = arith.xori %lt3A_24, %lt3A_26 : i1
    %and3A_28 = arith.andi %ne3A_27, %ne3A_23 : i1
    %add3A_29 = arith.addi %rem3A_21, %select_n3A_20 : i32
    %select_n3A_30 = arith.select %and3A_28, %add3A_29, %rem3A_21 : i32
    %mul3A_31 = arith.constant 2048 : i32
    %mul3A_32 = arith.muli %select_n3A_30, %mul3A_31 : i32
    %mul3A_33 = arith.constant 4096 : i32
    %mul3A_34 = arith.muli %select_n3A, %mul3A_33 : i32
    %dma_start3A = tpu.memref_slice %arg3[%mul3A_34] : memref<65536xi32, #tpu.memory_space<hbm>> -> memref<4096xi32, #tpu.memory_space<hbm>>
    %dma_start3A_35 = tpu.memref_slice %arg3[%mul3A_34] : memref<65536xi32, #tpu.memory_space<hbm>> -> memref<4096xi32, #tpu.memory_space<hbm>>
    tpu.enqueue_dma source(%dma_start3A_35 : memref<4096xi32, #tpu.memory_space<hbm>>) target(%arg5 : memref<4096xi32, #tpu.memory_space<vmem>>) target_semaphore(%arg9 : memref<!tpu.dma_semaphore, #tpu.memory_space<semaphore_mem>>)
    %scan3A = arith.constant 0 : i32
    %scan3A_36 = arith.constant 0 : i32
    %scan3A_37 = arith.constant 32 : i32
    %scan3A_38 = arith.addi %scan3A_36, %scan3A_37 : i32
    %scan3A_39 = arith.constant 1 : i32
    scf.for %scan3A_455 = %scan3A_36 to %scan3A_38 step %scan3A_39  : i32 {
      %broadcast_in_dim3A_456 = arith.constant -1 : i32
      %broadcast_in_dim3A_457 = vector.broadcast %broadcast_in_dim3A_456 : i32 to vector<16xi32>
      %mul3A_458 = arith.constant 8 : i32
      %mul3A_459 = arith.muli %scan3A_455, %mul3A_458 : i32
      %add3A_460 = arith.constant 0 : i32
      %add3A_461 = arith.addi %mul3A_459, %add3A_460 : i32
      %mul3A_462 = arith.constant 16 : i32
      %mul3A_463 = arith.muli %add3A_461, %mul3A_462 : i32
      %swap3A_464 = arith.index_cast %mul3A_463 : i32 to index
      %swap3A_465 = tpu.vector_load %arg6[%swap3A_464] {strides = array<i32>} : memref<4096xi32, #tpu.memory_space<vmem>>, vector<16xi32>,
      tpu.vector_store %arg6[%swap3A_464], %broadcast_in_dim3A_457 {strides = array<i32>} : memref<4096xi32, #tpu.memory_space<vmem>>, vector<16xi32>,
      %broadcast_in_dim3A_466 = arith.constant -1 : i32
      %broadcast_in_dim3A_467 = vector.broadcast %broadcast_in_dim3A_466 : i32 to vector<16xi32>
      %mul3A_468 = arith.constant 8 : i32
      %mul3A_469 = arith.muli %scan3A_455, %mul3A_468 : i32
      %add3A_470 = arith.constant 1 : i32
      %add3A_471 = arith.addi %mul3A_469, %add3A_470 : i32
      %mul3A_472 = arith.constant 16 : i32
      %mul3A_473 = arith.muli %add3A_471, %mul3A_472 : i32
      %swap3A_474 = arith.index_cast %mul3A_473 : i32 to index
      %swap3A_475 = tpu.vector_load %arg6[%swap3A_474] {strides = array<i32>} : memref<4096xi32, #tpu.memory_space<vmem>>, vector<16xi32>,
      tpu.vector_store %arg6[%swap3A_474], %broadcast_in_dim3A_467 {strides = array<i32>} : memref<4096xi32, #tpu.memory_space<vmem>>, vector<16xi32>,
      %broadcast_in_dim3A_476 = arith.constant -1 : i32
      %broadcast_in_dim3A_477 = vector.broadcast %broadcast_in_dim3A_476 : i32 to vector<16xi32>
      %mul3A_478 = arith.constant 8 : i32
      %mul3A_479 = arith.muli %scan3A_455, %mul3A_478 : i32
      %add3A_480 = arith.constant 2 : i32
      %add3A_481 = arith.addi %mul3A_479, %add3A_480 : i32
      %mul3A_482 = arith.constant 16 : i32
      %mul3A_483 = arith.muli %add3A_481, %mul3A_482 : i32
      %swap3A_484 = arith.index_cast %mul3A_483 : i32 to index
      %swap3A_485 = tpu.vector_load %arg6[%swap3A_484] {strides = array<i32>} : memref<4096xi32, #tpu.memory_space<vmem>>, vector<16xi32>,
      tpu.vector_store %arg6[%swap3A_484], %broadcast_in_dim3A_477 {strides = array<i32>} : memref<4096xi32, #tpu.memory_space<vmem>>, vector<16xi32>,
      %broadcast_in_dim3A_486 = arith.constant -1 : i32
      %broadcast_in_dim3A_487 = vector.broadcast %broadcast_in_dim3A_486 : i32 to vector<16xi32>
      %mul3A_488 = arith.constant 8 : i32
      %mul3A_489 = arith.muli %scan3A_455, %mul3A_488 : i32
      %add3A_490 = arith.constant 3 : i32
      %add3A_491 = arith.addi %mul3A_489, %add3A_490 : i32
      %mul3A_492 = arith.constant 16 : i32
      %mul3A_493 = arith.muli %add3A_491, %mul3A_492 : i32
      %swap3A_494 = arith.index_cast %mul3A_493 : i32 to index
      %swap3A_495 = tpu.vector_load %arg6[%swap3A_494] {strides = array<i32>} : memref<4096xi32, #tpu.memory_space<vmem>>, vector<16xi32>,
      tpu.vector_store %arg6[%swap3A_494], %broadcast_in_dim3A_487 {strides = array<i32>} : memref<4096xi32, #tpu.memory_space<vmem>>, vector<16xi32>,
      %broadcast_in_dim3A_496 = arith.constant -1 : i32
      %broadcast_in_dim3A_497 = vector.broadcast %broadcast_in_dim3A_496 : i32 to vector<16xi32>
      %mul3A_498 = arith.constant 8 : i32
      %mul3A_499 = arith.muli %scan3A_455, %mul3A_498 : i32
      %add3A_500 = arith.constant 4 : i32
      %add3A_501 = arith.addi %mul3A_499, %add3A_500 : i32
      %mul3A_502 = arith.constant 16 : i32
      %mul3A_503 = arith.muli %add3A_501, %mul3A_502 : i32
      %swap3A_504 = arith.index_cast %mul3A_503 : i32 to index
      %swap3A_505 = tpu.vector_load %arg6[%swap3A_504] {strides = array<i32>} : memref<4096xi32, #tpu.memory_space<vmem>>, vector<16xi32>,
      tpu.vector_store %arg6[%swap3A_504], %broadcast_in_dim3A_497 {strides = array<i32>} : memref<4096xi32, #tpu.memory_space<vmem>>, vector<16xi32>,
      %broadcast_in_dim3A_506 = arith.constant -1 : i32
      %broadcast_in_dim3A_507 = vector.broadcast %broadcast_in_dim3A_506 : i32 to vector<16xi32>
      %mul3A_508 = arith.constant 8 : i32
      %mul3A_509 = arith.muli %scan3A_455, %mul3A_508 : i32
      %add3A_510 = arith.constant 5 : i32
      %add3A_511 = arith.addi %mul3A_509, %add3A_510 : i32
      %mul3A_512 = arith.constant 16 : i32
      %mul3A_513 = arith.muli %add3A_511, %mul3A_512 : i32
      %swap3A_514 = arith.index_cast %mul3A_513 : i32 to index
      %swap3A_515 = tpu.vector_load %arg6[%swap3A_514] {strides = array<i32>} : memref<4096xi32, #tpu.memory_space<vmem>>, vector<16xi32>,
      tpu.vector_store %arg6[%swap3A_514], %broadcast_in_dim3A_507 {strides = array<i32>} : memref<4096xi32, #tpu.memory_space<vmem>>, vector<16xi32>,
      %broadcast_in_dim3A_516 = arith.constant -1 : i32
      %broadcast_in_dim3A_517 = vector.broadcast %broadcast_in_dim3A_516 : i32 to vector<16xi32>
      %mul3A_518 = arith.constant 8 : i32
      %mul3A_519 = arith.muli %scan3A_455, %mul3A_518 : i32
      %add3A_520 = arith.constant 6 : i32
      %add3A_521 = arith.addi %mul3A_519, %add3A_520 : i32
      %mul3A_522 = arith.constant 16 : i32
      %mul3A_523 = arith.muli %add3A_521, %mul3A_522 : i32
      %swap3A_524 = arith.index_cast %mul3A_523 : i32 to index
      %swap3A_525 = tpu.vector_load %arg6[%swap3A_524] {strides = array<i32>} : memref<4096xi32, #tpu.memory_space<vmem>>, vector<16xi32>,
      tpu.vector_store %arg6[%swap3A_524], %broadcast_in_dim3A_517 {strides = array<i32>} : memref<4096xi32, #tpu.memory_space<vmem>>, vector<16xi32>,
      %broadcast_in_dim3A_526 = arith.constant -1 : i32
      %broadcast_in_dim3A_527 = vector.broadcast %broadcast_in_dim3A_526 : i32 to vector<16xi32>
      %mul3A_528 = arith.constant 8 : i32
      %mul3A_529 = arith.muli %scan3A_455, %mul3A_528 : i32
      %add3A_530 = arith.constant 7 : i32
      %add3A_531 = arith.addi %mul3A_529, %add3A_530 : i32
      %mul3A_532 = arith.constant 16 : i32
      %mul3A_533 = arith.muli %add3A_531, %mul3A_532 : i32
      %swap3A_534 = arith.index_cast %mul3A_533 : i32 to index
      %swap3A_535 = tpu.vector_load %arg6[%swap3A_534] {strides = array<i32>} : memref<4096xi32, #tpu.memory_space<vmem>>, vector<16xi32>,
      tpu.vector_store %arg6[%swap3A_534], %broadcast_in_dim3A_527 {strides = array<i32>} : memref<4096xi32, #tpu.memory_space<vmem>>, vector<16xi32>,
    }
    %scan3A_40 = arith.constant 32 : i32
    %dma_wait3A = tpu.memref_slice %arg3[%mul3A_34] : memref<65536xi32, #tpu.memory_space<hbm>> -> memref<4096xi32, #tpu.memory_space<hbm>>
    %dma_wait3A_41 = tpu.memref_slice %arg3[%mul3A_34] : memref<65536xi32, #tpu.memory_space<hbm>> -> memref<4096xi32, #tpu.memory_space<hbm>>
    tpu.wait_dma2 semaphore(%arg9 : memref<!tpu.dma_semaphore, #tpu.memory_space<semaphore_mem>>) src(%dma_wait3A_41 : memref<4096xi32, #tpu.memory_space<hbm>>) dst(%arg5 : memref<4096xi32, #tpu.memory_space<vmem>>)
    %scan3A_42 = arith.constant 0 : i32
    %scan3A_43 = arith.constant 0 : i32
    %scan3A_44 = arith.constant 32 : i32
    %scan3A_45 = arith.addi %scan3A_43, %scan3A_44 : i32
    %scan3A_46 = arith.constant 1 : i32
    scf.for %scan3A_455 = %scan3A_43 to %scan3A_45 step %scan3A_46  : i32 {
      %mul3A_456 = arith.constant 8 : i32
      %mul3A_457 = arith.muli %scan3A_455, %mul3A_456 : i32
      %add3A_458 = arith.constant 0 : i32
      %add3A_459 = arith.addi %mul3A_457, %add3A_458 : i32
      %mul3A_460 = arith.constant 16 : i32
      %mul3A_461 = arith.muli %add3A_459, %mul3A_460 : i32
      %get3A_462 = arith.index_cast %mul3A_461 : i32 to index
      %get3A_463 = tpu.vector_load %arg5[%get3A_462] {strides = array<i32>} : memref<4096xi32, #tpu.memory_space<vmem>>, vector<16xi32>,
      %reduce_sum3A = arith.constant true
      %reduce_sum3A_464 = vector.broadcast %reduce_sum3A : i1 to vector<16xi1>
      %reduce_sum3A_465 = tpu.scan <sum>, %get3A_463 masked %reduce_sum3A_464 : vector<16xi32>, vector<16xi1> -> vector<16xi32>
      %reduce_sum3A_466 = vector.extract %reduce_sum3A_465[15] : i32 from vector<16xi32>
      %swap3A_467 = arith.index_cast %add3A_459 : i32 to index
      %swap3A_468 = memref.load %arg7[%swap3A_467] : memref<256xi32, #tpu.memory_space<smem>>
      memref.store %reduce_sum3A_466, %arg7[%swap3A_467] : memref<256xi32, #tpu.memory_space<smem>>
      %mul3A_469 = arith.constant 8 : i32
      %mul3A_470 = arith.muli %scan3A_455, %mul3A_469 : i32
      %add3A_471 = arith.constant 1 : i32
      %add3A_472 = arith.addi %mul3A_470, %add3A_471 : i32
      %mul3A_473 = arith.constant 16 : i32
      %mul3A_474 = arith.muli %add3A_472, %mul3A_473 : i32
      %get3A_475 = arith.index_cast %mul3A_474 : i32 to index
      %get3A_476 = tpu.vector_load %arg5[%get3A_475] {strides = array<i32>} : memref<4096xi32, #tpu.memory_space<vmem>>, vector<16xi32>,
      %reduce_sum3A_477 = arith.constant true
      %reduce_sum3A_478 = vector.broadcast %reduce_sum3A_477 : i1 to vector<16xi1>
      %reduce_sum3A_479 = tpu.scan <sum>, %get3A_476 masked %reduce_sum3A_478 : vector<16xi32>, vector<16xi1> -> vector<16xi32>
      %reduce_sum3A_480 = vector.extract %reduce_sum3A_479[15] : i32 from vector<16xi32>
      %swap3A_481 = arith.index_cast %add3A_472 : i32 to index
      %swap3A_482 = memref.load %arg7[%swap3A_481] : memref<256xi32, #tpu.memory_space<smem>>
      memref.store %reduce_sum3A_480, %arg7[%swap3A_481] : memref<256xi32, #tpu.memory_space<smem>>
      %mul3A_483 = arith.constant 8 : i32
      %mul3A_484 = arith.muli %scan3A_455, %mul3A_483 : i32
      %add3A_485 = arith.constant 2 : i32
      %add3A_486 = arith.addi %mul3A_484, %add3A_485 : i32
      %mul3A_487 = arith.constant 16 : i32
      %mul3A_488 = arith.muli %add3A_486, %mul3A_487 : i32
      %get3A_489 = arith.index_cast %mul3A_488 : i32 to index
      %get3A_490 = tpu.vector_load %arg5[%get3A_489] {strides = array<i32>} : memref<4096xi32, #tpu.memory_space<vmem>>, vector<16xi32>,
      %reduce_sum3A_491 = arith.constant true
      %reduce_sum3A_492 = vector.broadcast %reduce_sum3A_491 : i1 to vector<16xi1>
      %reduce_sum3A_493 = tpu.scan <sum>, %get3A_490 masked %reduce_sum3A_492 : vector<16xi32>, vector<16xi1> -> vector<16xi32>
      %reduce_sum3A_494 = vector.extract %reduce_sum3A_493[15] : i32 from vector<16xi32>
      %swap3A_495 = arith.index_cast %add3A_486 : i32 to index
      %swap3A_496 = memref.load %arg7[%swap3A_495] : memref<256xi32, #tpu.memory_space<smem>>
      memref.store %reduce_sum3A_494, %arg7[%swap3A_495] : memref<256xi32, #tpu.memory_space<smem>>
      %mul3A_497 = arith.constant 8 : i32
      %mul3A_498 = arith.muli %scan3A_455, %mul3A_497 : i32
      %add3A_499 = arith.constant 3 : i32
      %add3A_500 = arith.addi %mul3A_498, %add3A_499 : i32
      %mul3A_501 = arith.constant 16 : i32
      %mul3A_502 = arith.muli %add3A_500, %mul3A_501 : i32
      %get3A_503 = arith.index_cast %mul3A_502 : i32 to index
      %get3A_504 = tpu.vector_load %arg5[%get3A_503] {strides = array<i32>} : memref<4096xi32, #tpu.memory_space<vmem>>, vector<16xi32>,
      %reduce_sum3A_505 = arith.constant true
      %reduce_sum3A_506 = vector.broadcast %reduce_sum3A_505 : i1 to vector<16xi1>
      %reduce_sum3A_507 = tpu.scan <sum>, %get3A_504 masked %reduce_sum3A_506 : vector<16xi32>, vector<16xi1> -> vector<16xi32>
      %reduce_sum3A_508 = vector.extract %reduce_sum3A_507[15] : i32 from vector<16xi32>
      %swap3A_509 = arith.index_cast %add3A_500 : i32 to index
      %swap3A_510 = memref.load %arg7[%swap3A_509] : memref<256xi32, #tpu.memory_space<smem>>
      memref.store %reduce_sum3A_508, %arg7[%swap3A_509] : memref<256xi32, #tpu.memory_space<smem>>
      %mul3A_511 = arith.constant 8 : i32
      %mul3A_512 = arith.muli %scan3A_455, %mul3A_511 : i32
      %add3A_513 = arith.constant 4 : i32
      %add3A_514 = arith.addi %mul3A_512, %add3A_513 : i32
      %mul3A_515 = arith.constant 16 : i32
      %mul3A_516 = arith.muli %add3A_514, %mul3A_515 : i32
      %get3A_517 = arith.index_cast %mul3A_516 : i32 to index
      %get3A_518 = tpu.vector_load %arg5[%get3A_517] {strides = array<i32>} : memref<4096xi32, #tpu.memory_space<vmem>>, vector<16xi32>,
      %reduce_sum3A_519 = arith.constant true
      %reduce_sum3A_520 = vector.broadcast %reduce_sum3A_519 : i1 to vector<16xi1>
      %reduce_sum3A_521 = tpu.scan <sum>, %get3A_518 masked %reduce_sum3A_520 : vector<16xi32>, vector<16xi1> -> vector<16xi32>
      %reduce_sum3A_522 = vector.extract %reduce_sum3A_521[15] : i32 from vector<16xi32>
      %swap3A_523 = arith.index_cast %add3A_514 : i32 to index
      %swap3A_524 = memref.load %arg7[%swap3A_523] : memref<256xi32, #tpu.memory_space<smem>>
      memref.store %reduce_sum3A_522, %arg7[%swap3A_523] : memref<256xi32, #tpu.memory_space<smem>>
      %mul3A_525 = arith.constant 8 : i32
      %mul3A_526 = arith.muli %scan3A_455, %mul3A_525 : i32
      %add3A_527 = arith.constant 5 : i32
      %add3A_528 = arith.addi %mul3A_526, %add3A_527 : i32
      %mul3A_529 = arith.constant 16 : i32
      %mul3A_530 = arith.muli %add3A_528, %mul3A_529 : i32
      %get3A_531 = arith.index_cast %mul3A_530 : i32 to index
      %get3A_532 = tpu.vector_load %arg5[%get3A_531] {strides = array<i32>} : memref<4096xi32, #tpu.memory_space<vmem>>, vector<16xi32>,
      %reduce_sum3A_533 = arith.constant true
      %reduce_sum3A_534 = vector.broadcast %reduce_sum3A_533 : i1 to vector<16xi1>
      %reduce_sum3A_535 = tpu.scan <sum>, %get3A_532 masked %reduce_sum3A_534 : vector<16xi32>, vector<16xi1> -> vector<16xi32>
      %reduce_sum3A_536 = vector.extract %reduce_sum3A_535[15] : i32 from vector<16xi32>
      %swap3A_537 = arith.index_cast %add3A_528 : i32 to index
      %swap3A_538 = memref.load %arg7[%swap3A_537] : memref<256xi32, #tpu.memory_space<smem>>
      memref.store %reduce_sum3A_536, %arg7[%swap3A_537] : memref<256xi32, #tpu.memory_space<smem>>
      %mul3A_539 = arith.constant 8 : i32
      %mul3A_540 = arith.muli %scan3A_455, %mul3A_539 : i32
      %add3A_541 = arith.constant 6 : i32
      %add3A_542 = arith.addi %mul3A_540, %add3A_541 : i32
      %mul3A_543 = arith.constant 16 : i32
      %mul3A_544 = arith.muli %add3A_542, %mul3A_543 : i32
      %get3A_545 = arith.index_cast %mul3A_544 : i32 to index
      %get3A_546 = tpu.vector_load %arg5[%get3A_545] {strides = array<i32>} : memref<4096xi32, #tpu.memory_space<vmem>>, vector<16xi32>,
      %reduce_sum3A_547 = arith.constant true
      %reduce_sum3A_548 = vector.broadcast %reduce_sum3A_547 : i1 to vector<16xi1>
      %reduce_sum3A_549 = tpu.scan <sum>, %get3A_546 masked %reduce_sum3A_548 : vector<16xi32>, vector<16xi1> -> vector<16xi32>
      %reduce_sum3A_550 = vector.extract %reduce_sum3A_549[15] : i32 from vector<16xi32>
      %swap3A_551 = arith.index_cast %add3A_542 : i32 to index
      %swap3A_552 = memref.load %arg7[%swap3A_551] : memref<256xi32, #tpu.memory_space<smem>>
      memref.store %reduce_sum3A_550, %arg7[%swap3A_551] : memref<256xi32, #tpu.memory_space<smem>>
      %mul3A_553 = arith.constant 8 : i32
      %mul3A_554 = arith.muli %scan3A_455, %mul3A_553 : i32
      %add3A_555 = arith.constant 7 : i32
      %add3A_556 = arith.addi %mul3A_554, %add3A_555 : i32
      %mul3A_557 = arith.constant 16 : i32
      %mul3A_558 = arith.muli %add3A_556, %mul3A_557 : i32
      %get3A_559 = arith.index_cast %mul3A_558 : i32 to index
      %get3A_560 = tpu.vector_load %arg5[%get3A_559] {strides = array<i32>} : memref<4096xi32, #tpu.memory_space<vmem>>, vector<16xi32>,
      %reduce_sum3A_561 = arith.constant true
      %reduce_sum3A_562 = vector.broadcast %reduce_sum3A_561 : i1 to vector<16xi1>
      %reduce_sum3A_563 = tpu.scan <sum>, %get3A_560 masked %reduce_sum3A_562 : vector<16xi32>, vector<16xi1> -> vector<16xi32>
      %reduce_sum3A_564 = vector.extract %reduce_sum3A_563[15] : i32 from vector<16xi32>
      %swap3A_565 = arith.index_cast %add3A_556 : i32 to index
      %swap3A_566 = memref.load %arg7[%swap3A_565] : memref<256xi32, #tpu.memory_space<smem>>
      memref.store %reduce_sum3A_564, %arg7[%swap3A_565] : memref<256xi32, #tpu.memory_space<smem>>
    }
    %scan3A_47 = arith.constant 32 : i32
    %scan3A_48 = arith.constant 0 : i32
    %scan3A_49 = arith.constant 0 : i32
    %scan3A_50 = arith.constant 32 : i32
    %scan3A_51 = arith.addi %scan3A_49, %scan3A_50 : i32
    %scan3A_52 = arith.constant 1 : i32
    %scan3A_53 = scf.for %scan3A_455 = %scan3A_49 to %scan3A_51 step %scan3A_52 iter_args(%scan3A_456 = %scan3A_48) -> (i32)  : i32 {
      %mul3A_457 = arith.constant 8 : i32
      %mul3A_458 = arith.muli %scan3A_455, %mul3A_457 : i32
      %add3A_459 = arith.constant 0 : i32
      %add3A_460 = arith.addi %mul3A_458, %add3A_459 : i32
      %get3A_461 = arith.index_cast %add3A_460 : i32 to index
      %get3A_462 = memref.load %arg7[%get3A_461] : memref<256xi32, #tpu.memory_space<smem>>
      %swap3A_463 = arith.index_cast %add3A_460 : i32 to index
      %swap3A_464 = memref.load %arg7[%swap3A_463] : memref<256xi32, #tpu.memory_space<smem>>
      memref.store %scan3A_456, %arg7[%swap3A_463] : memref<256xi32, #tpu.memory_space<smem>>
      %add3A_465 = arith.addi %scan3A_456, %get3A_462 : i32
      %mul3A_466 = arith.constant 8 : i32
      %mul3A_467 = arith.muli %scan3A_455, %mul3A_466 : i32
      %add3A_468 = arith.constant 1 : i32
      %add3A_469 = arith.addi %mul3A_467, %add3A_468 : i32
      %get3A_470 = arith.index_cast %add3A_469 : i32 to index
      %get3A_471 = memref.load %arg7[%get3A_470] : memref<256xi32, #tpu.memory_space<smem>>
      %swap3A_472 = arith.index_cast %add3A_469 : i32 to index
      %swap3A_473 = memref.load %arg7[%swap3A_472] : memref<256xi32, #tpu.memory_space<smem>>
      memref.store %add3A_465, %arg7[%swap3A_472] : memref<256xi32, #tpu.memory_space<smem>>
      %add3A_474 = arith.addi %add3A_465, %get3A_471 : i32
      %mul3A_475 = arith.constant 8 : i32
      %mul3A_476 = arith.muli %scan3A_455, %mul3A_475 : i32
      %add3A_477 = arith.constant 2 : i32
      %add3A_478 = arith.addi %mul3A_476, %add3A_477 : i32
      %get3A_479 = arith.index_cast %add3A_478 : i32 to index
      %get3A_480 = memref.load %arg7[%get3A_479] : memref<256xi32, #tpu.memory_space<smem>>
      %swap3A_481 = arith.index_cast %add3A_478 : i32 to index
      %swap3A_482 = memref.load %arg7[%swap3A_481] : memref<256xi32, #tpu.memory_space<smem>>
      memref.store %add3A_474, %arg7[%swap3A_481] : memref<256xi32, #tpu.memory_space<smem>>
      %add3A_483 = arith.addi %add3A_474, %get3A_480 : i32
      %mul3A_484 = arith.constant 8 : i32
      %mul3A_485 = arith.muli %scan3A_455, %mul3A_484 : i32
      %add3A_486 = arith.constant 3 : i32
      %add3A_487 = arith.addi %mul3A_485, %add3A_486 : i32
      %get3A_488 = arith.index_cast %add3A_487 : i32 to index
      %get3A_489 = memref.load %arg7[%get3A_488] : memref<256xi32, #tpu.memory_space<smem>>
      %swap3A_490 = arith.index_cast %add3A_487 : i32 to index
      %swap3A_491 = memref.load %arg7[%swap3A_490] : memref<256xi32, #tpu.memory_space<smem>>
      memref.store %add3A_483, %arg7[%swap3A_490] : memref<256xi32, #tpu.memory_space<smem>>
      %add3A_492 = arith.addi %add3A_483, %get3A_489 : i32
      %mul3A_493 = arith.constant 8 : i32
      %mul3A_494 = arith.muli %scan3A_455, %mul3A_493 : i32
      %add3A_495 = arith.constant 4 : i32
      %add3A_496 = arith.addi %mul3A_494, %add3A_495 : i32
      %get3A_497 = arith.index_cast %add3A_496 : i32 to index
      %get3A_498 = memref.load %arg7[%get3A_497] : memref<256xi32, #tpu.memory_space<smem>>
      %swap3A_499 = arith.index_cast %add3A_496 : i32 to index
      %swap3A_500 = memref.load %arg7[%swap3A_499] : memref<256xi32, #tpu.memory_space<smem>>
      memref.store %add3A_492, %arg7[%swap3A_499] : memref<256xi32, #tpu.memory_space<smem>>
      %add3A_501 = arith.addi %add3A_492, %get3A_498 : i32
      %mul3A_502 = arith.constant 8 : i32
      %mul3A_503 = arith.muli %scan3A_455, %mul3A_502 : i32
      %add3A_504 = arith.constant 5 : i32
      %add3A_505 = arith.addi %mul3A_503, %add3A_504 : i32
      %get3A_506 = arith.index_cast %add3A_505 : i32 to index
      %get3A_507 = memref.load %arg7[%get3A_506] : memref<256xi32, #tpu.memory_space<smem>>
      %swap3A_508 = arith.index_cast %add3A_505 : i32 to index
      %swap3A_509 = memref.load %arg7[%swap3A_508] : memref<256xi32, #tpu.memory_space<smem>>
      memref.store %add3A_501, %arg7[%swap3A_508] : memref<256xi32, #tpu.memory_space<smem>>
      %add3A_510 = arith.addi %add3A_501, %get3A_507 : i32
      %mul3A_511 = arith.constant 8 : i32
      %mul3A_512 = arith.muli %scan3A_455, %mul3A_511 : i32
      %add3A_513 = arith.constant 6 : i32
      %add3A_514 = arith.addi %mul3A_512, %add3A_513 : i32
      %get3A_515 = arith.index_cast %add3A_514 : i32 to index
      %get3A_516 = memref.load %arg7[%get3A_515] : memref<256xi32, #tpu.memory_space<smem>>
      %swap3A_517 = arith.index_cast %add3A_514 : i32 to index
      %swap3A_518 = memref.load %arg7[%swap3A_517] : memref<256xi32, #tpu.memory_space<smem>>
      memref.store %add3A_510, %arg7[%swap3A_517] : memref<256xi32, #tpu.memory_space<smem>>
      %add3A_519 = arith.addi %add3A_510, %get3A_516 : i32
      %mul3A_520 = arith.constant 8 : i32
      %mul3A_521 = arith.muli %scan3A_455, %mul3A_520 : i32
      %add3A_522 = arith.constant 7 : i32
      %add3A_523 = arith.addi %mul3A_521, %add3A_522 : i32
      %get3A_524 = arith.index_cast %add3A_523 : i32 to index
      %get3A_525 = memref.load %arg7[%get3A_524] : memref<256xi32, #tpu.memory_space<smem>>
      %swap3A_526 = arith.index_cast %add3A_523 : i32 to index
      %swap3A_527 = memref.load %arg7[%swap3A_526] : memref<256xi32, #tpu.memory_space<smem>>
      memref.store %add3A_519, %arg7[%swap3A_526] : memref<256xi32, #tpu.memory_space<smem>>
      %add3A_528 = arith.addi %add3A_519, %get3A_525 : i32
      scf.yield %add3A_528 : i32
    }
    %scan3A_54 = arith.constant 32 : i32
    %scan3A_55 = arith.constant 0 : i32
    %scan3A_56 = arith.constant 0 : i32
    %scan3A_57 = arith.constant 32 : i32
    %scan3A_58 = arith.addi %scan3A_56, %scan3A_57 : i32
    %scan3A_59 = arith.constant 1 : i32
    scf.for %scan3A_455 = %scan3A_56 to %scan3A_58 step %scan3A_59  : i32 {
      %mul3A_456 = arith.constant 8 : i32
      %mul3A_457 = arith.muli %scan3A_455, %mul3A_456 : i32
      %add3A_458 = arith.constant 0 : i32
      %add3A_459 = arith.addi %mul3A_457, %add3A_458 : i32
      %mul3A_460 = arith.constant 16 : i32
      %mul3A_461 = arith.muli %add3A_459, %mul3A_460 : i32
      %get3A_462 = arith.index_cast %mul3A_461 : i32 to index
      %get3A_463 = tpu.vector_load %arg5[%get3A_462] {strides = array<i32>} : memref<4096xi32, #tpu.memory_space<vmem>>, vector<16xi32>,
      %broadcast_in_dim3A_464 = arith.constant true
      %broadcast_in_dim3A_465 = vector.broadcast %broadcast_in_dim3A_464 : i1 to vector<16xi1>
      %masked_cumsum3A = tpu.scan <sum>, %get3A_463 masked %broadcast_in_dim3A_465 : vector<16xi32>, vector<16xi1> -> vector<16xi32>
      %sub3A_466 = arith.subi %masked_cumsum3A, %get3A_463 : vector<16xi32>
      %get3A_467 = arith.index_cast %add3A_459 : i32 to index
      %get3A_468 = memref.load %arg7[%get3A_467] : memref<256xi32, #tpu.memory_space<smem>>
      %add3A_469 = vector.broadcast %get3A_468 : i32 to vector<16xi32>
      %add3A_470 = arith.addi %sub3A_466, %add3A_469 : vector<16xi32>
      %iota3A = tpu.iota {dimensions = array<i32: 0>} : vector<16xi32>
      %mul3A_471 = arith.constant 16 : i32
      %mul3A_472 = arith.muli %add3A_459, %mul3A_471 : i32
      %add3A_473 = vector.broadcast %mul3A_472 : i32 to vector<16xi32>
      %add3A_474 = arith.addi %iota3A, %add3A_473 : vector<16xi32>
      %lt3A_475 = arith.constant 4096 : i32
      %lt3A_476 = vector.broadcast %lt3A_475 : i32 to vector<16xi32>
      %lt3A_477 = arith.cmpi slt, %add3A_470, %lt3A_476 : vector<16xi32>
      %gt3A_478 = arith.constant 0 : i32
      %gt3A_479 = vector.broadcast %gt3A_478 : i32 to vector<16xi32>
      %gt3A_480 = arith.cmpi sgt, %get3A_463, %gt3A_479 : vector<16xi32>
      %eq3A_481 = arith.constant 4095 : i32
      %eq3A_482 = vector.broadcast %eq3A_481 : i32 to vector<16xi32>
      %eq3A_483 = arith.cmpi eq, %add3A_474, %eq3A_482 : vector<16xi32>
      %or3A = arith.ori %gt3A_480, %eq3A_483 : vector<16xi1>
      %and3A_484 = arith.andi %lt3A_477, %or3A : vector<16xi1>
      tpu.vector_store_idx %arg6[%add3A_470], %add3A_474 masked %and3A_484 : memref<4096xi32, #tpu.memory_space<vmem>>[vector<16xi32>], vector<16xi32>, vector<16xi1>
      %mul3A_485 = arith.constant 8 : i32
      %mul3A_486 = arith.muli %scan3A_455, %mul3A_485 : i32
      %add3A_487 = arith.constant 1 : i32
      %add3A_488 = arith.addi %mul3A_486, %add3A_487 : i32
      %mul3A_489 = arith.constant 16 : i32
      %mul3A_490 = arith.muli %add3A_488, %mul3A_489 : i32
      %get3A_491 = arith.index_cast %mul3A_490 : i32 to index
      %get3A_492 = tpu.vector_load %arg5[%get3A_491] {strides = array<i32>} : memref<4096xi32, #tpu.memory_space<vmem>>, vector<16xi32>,
      %broadcast_in_dim3A_493 = arith.constant true
      %broadcast_in_dim3A_494 = vector.broadcast %broadcast_in_dim3A_493 : i1 to vector<16xi1>
      %masked_cumsum3A_495 = tpu.scan <sum>, %get3A_492 masked %broadcast_in_dim3A_494 : vector<16xi32>, vector<16xi1> -> vector<16xi32>
      %sub3A_496 = arith.subi %masked_cumsum3A_495, %get3A_492 : vector<16xi32>
      %get3A_497 = arith.index_cast %add3A_488 : i32 to index
      %get3A_498 = memref.load %arg7[%get3A_497] : memref<256xi32, #tpu.memory_space<smem>>
      %add3A_499 = vector.broadcast %get3A_498 : i32 to vector<16xi32>
      %add3A_500 = arith.addi %sub3A_496, %add3A_499 : vector<16xi32>
      %iota3A_501 = tpu.iota {dimensions = array<i32: 0>} : vector<16xi32>
      %mul3A_502 = arith.constant 16 : i32
      %mul3A_503 = arith.muli %add3A_488, %mul3A_502 : i32
      %add3A_504 = vector.broadcast %mul3A_503 : i32 to vector<16xi32>
      %add3A_505 = arith.addi %iota3A_501, %add3A_504 : vector<16xi32>
      %lt3A_506 = arith.constant 4096 : i32
      %lt3A_507 = vector.broadcast %lt3A_506 : i32 to vector<16xi32>
      %lt3A_508 = arith.cmpi slt, %add3A_500, %lt3A_507 : vector<16xi32>
      %gt3A_509 = arith.constant 0 : i32
      %gt3A_510 = vector.broadcast %gt3A_509 : i32 to vector<16xi32>
      %gt3A_511 = arith.cmpi sgt, %get3A_492, %gt3A_510 : vector<16xi32>
      %eq3A_512 = arith.constant 4095 : i32
      %eq3A_513 = vector.broadcast %eq3A_512 : i32 to vector<16xi32>
      %eq3A_514 = arith.cmpi eq, %add3A_505, %eq3A_513 : vector<16xi32>
      %or3A_515 = arith.ori %gt3A_511, %eq3A_514 : vector<16xi1>
      %and3A_516 = arith.andi %lt3A_508, %or3A_515 : vector<16xi1>
      tpu.vector_store_idx %arg6[%add3A_500], %add3A_505 masked %and3A_516 : memref<4096xi32, #tpu.memory_space<vmem>>[vector<16xi32>], vector<16xi32>, vector<16xi1>
      %mul3A_517 = arith.constant 8 : i32
      %mul3A_518 = arith.muli %scan3A_455, %mul3A_517 : i32
      %add3A_519 = arith.constant 2 : i32
      %add3A_520 = arith.addi %mul3A_518, %add3A_519 : i32
      %mul3A_521 = arith.constant 16 : i32
      %mul3A_522 = arith.muli %add3A_520, %mul3A_521 : i32
      %get3A_523 = arith.index_cast %mul3A_522 : i32 to index
      %get3A_524 = tpu.vector_load %arg5[%get3A_523] {strides = array<i32>} : memref<4096xi32, #tpu.memory_space<vmem>>, vector<16xi32>,
      %broadcast_in_dim3A_525 = arith.constant true
      %broadcast_in_dim3A_526 = vector.broadcast %broadcast_in_dim3A_525 : i1 to vector<16xi1>
      %masked_cumsum3A_527 = tpu.scan <sum>, %get3A_524 masked %broadcast_in_dim3A_526 : vector<16xi32>, vector<16xi1> -> vector<16xi32>
      %sub3A_528 = arith.subi %masked_cumsum3A_527, %get3A_524 : vector<16xi32>
      %get3A_529 = arith.index_cast %add3A_520 : i32 to index
      %get3A_530 = memref.load %arg7[%get3A_529] : memref<256xi32, #tpu.memory_space<smem>>
      %add3A_531 = vector.broadcast %get3A_530 : i32 to vector<16xi32>
      %add3A_532 = arith.addi %sub3A_528, %add3A_531 : vector<16xi32>
      %iota3A_533 = tpu.iota {dimensions = array<i32: 0>} : vector<16xi32>
      %mul3A_534 = arith.constant 16 : i32
      %mul3A_535 = arith.muli %add3A_520, %mul3A_534 : i32
      %add3A_536 = vector.broadcast %mul3A_535 : i32 to vector<16xi32>
      %add3A_537 = arith.addi %iota3A_533, %add3A_536 : vector<16xi32>
      %lt3A_538 = arith.constant 4096 : i32
      %lt3A_539 = vector.broadcast %lt3A_538 : i32 to vector<16xi32>
      %lt3A_540 = arith.cmpi slt, %add3A_532, %lt3A_539 : vector<16xi32>
      %gt3A_541 = arith.constant 0 : i32
      %gt3A_542 = vector.broadcast %gt3A_541 : i32 to vector<16xi32>
      %gt3A_543 = arith.cmpi sgt, %get3A_524, %gt3A_542 : vector<16xi32>
      %eq3A_544 = arith.constant 4095 : i32
      %eq3A_545 = vector.broadcast %eq3A_544 : i32 to vector<16xi32>
      %eq3A_546 = arith.cmpi eq, %add3A_537, %eq3A_545 : vector<16xi32>
      %or3A_547 = arith.ori %gt3A_543, %eq3A_546 : vector<16xi1>
      %and3A_548 = arith.andi %lt3A_540, %or3A_547 : vector<16xi1>
      tpu.vector_store_idx %arg6[%add3A_532], %add3A_537 masked %and3A_548 : memref<4096xi32, #tpu.memory_space<vmem>>[vector<16xi32>], vector<16xi32>, vector<16xi1>
      %mul3A_549 = arith.constant 8 : i32
      %mul3A_550 = arith.muli %scan3A_455, %mul3A_549 : i32
      %add3A_551 = arith.constant 3 : i32
      %add3A_552 = arith.addi %mul3A_550, %add3A_551 : i32
      %mul3A_553 = arith.constant 16 : i32
      %mul3A_554 = arith.muli %add3A_552, %mul3A_553 : i32
      %get3A_555 = arith.index_cast %mul3A_554 : i32 to index
      %get3A_556 = tpu.vector_load %arg5[%get3A_555] {strides = array<i32>} : memref<4096xi32, #tpu.memory_space<vmem>>, vector<16xi32>,
      %broadcast_in_dim3A_557 = arith.constant true
      %broadcast_in_dim3A_558 = vector.broadcast %broadcast_in_dim3A_557 : i1 to vector<16xi1>
      %masked_cumsum3A_559 = tpu.scan <sum>, %get3A_556 masked %broadcast_in_dim3A_558 : vector<16xi32>, vector<16xi1> -> vector<16xi32>
      %sub3A_560 = arith.subi %masked_cumsum3A_559, %get3A_556 : vector<16xi32>
      %get3A_561 = arith.index_cast %add3A_552 : i32 to index
      %get3A_562 = memref.load %arg7[%get3A_561] : memref<256xi32, #tpu.memory_space<smem>>
      %add3A_563 = vector.broadcast %get3A_562 : i32 to vector<16xi32>
      %add3A_564 = arith.addi %sub3A_560, %add3A_563 : vector<16xi32>
      %iota3A_565 = tpu.iota {dimensions = array<i32: 0>} : vector<16xi32>
      %mul3A_566 = arith.constant 16 : i32
      %mul3A_567 = arith.muli %add3A_552, %mul3A_566 : i32
      %add3A_568 = vector.broadcast %mul3A_567 : i32 to vector<16xi32>
      %add3A_569 = arith.addi %iota3A_565, %add3A_568 : vector<16xi32>
      %lt3A_570 = arith.constant 4096 : i32
      %lt3A_571 = vector.broadcast %lt3A_570 : i32 to vector<16xi32>
      %lt3A_572 = arith.cmpi slt, %add3A_564, %lt3A_571 : vector<16xi32>
      %gt3A_573 = arith.constant 0 : i32
      %gt3A_574 = vector.broadcast %gt3A_573 : i32 to vector<16xi32>
      %gt3A_575 = arith.cmpi sgt, %get3A_556, %gt3A_574 : vector<16xi32>
      %eq3A_576 = arith.constant 4095 : i32
      %eq3A_577 = vector.broadcast %eq3A_576 : i32 to vector<16xi32>
      %eq3A_578 = arith.cmpi eq, %add3A_569, %eq3A_577 : vector<16xi32>
      %or3A_579 = arith.ori %gt3A_575, %eq3A_578 : vector<16xi1>
      %and3A_580 = arith.andi %lt3A_572, %or3A_579 : vector<16xi1>
      tpu.vector_store_idx %arg6[%add3A_564], %add3A_569 masked %and3A_580 : memref<4096xi32, #tpu.memory_space<vmem>>[vector<16xi32>], vector<16xi32>, vector<16xi1>
      %mul3A_581 = arith.constant 8 : i32
      %mul3A_582 = arith.muli %scan3A_455, %mul3A_581 : i32
      %add3A_583 = arith.constant 4 : i32
      %add3A_584 = arith.addi %mul3A_582, %add3A_583 : i32
      %mul3A_585 = arith.constant 16 : i32
      %mul3A_586 = arith.muli %add3A_584, %mul3A_585 : i32
      %get3A_587 = arith.index_cast %mul3A_586 : i32 to index
      %get3A_588 = tpu.vector_load %arg5[%get3A_587] {strides = array<i32>} : memref<4096xi32, #tpu.memory_space<vmem>>, vector<16xi32>,
      %broadcast_in_dim3A_589 = arith.constant true
      %broadcast_in_dim3A_590 = vector.broadcast %broadcast_in_dim3A_589 : i1 to vector<16xi1>
      %masked_cumsum3A_591 = tpu.scan <sum>, %get3A_588 masked %broadcast_in_dim3A_590 : vector<16xi32>, vector<16xi1> -> vector<16xi32>
      %sub3A_592 = arith.subi %masked_cumsum3A_591, %get3A_588 : vector<16xi32>
      %get3A_593 = arith.index_cast %add3A_584 : i32 to index
      %get3A_594 = memref.load %arg7[%get3A_593] : memref<256xi32, #tpu.memory_space<smem>>
      %add3A_595 = vector.broadcast %get3A_594 : i32 to vector<16xi32>
      %add3A_596 = arith.addi %sub3A_592, %add3A_595 : vector<16xi32>
      %iota3A_597 = tpu.iota {dimensions = array<i32: 0>} : vector<16xi32>
      %mul3A_598 = arith.constant 16 : i32
      %mul3A_599 = arith.muli %add3A_584, %mul3A_598 : i32
      %add3A_600 = vector.broadcast %mul3A_599 : i32 to vector<16xi32>
      %add3A_601 = arith.addi %iota3A_597, %add3A_600 : vector<16xi32>
      %lt3A_602 = arith.constant 4096 : i32
      %lt3A_603 = vector.broadcast %lt3A_602 : i32 to vector<16xi32>
      %lt3A_604 = arith.cmpi slt, %add3A_596, %lt3A_603 : vector<16xi32>
      %gt3A_605 = arith.constant 0 : i32
      %gt3A_606 = vector.broadcast %gt3A_605 : i32 to vector<16xi32>
      %gt3A_607 = arith.cmpi sgt, %get3A_588, %gt3A_606 : vector<16xi32>
      %eq3A_608 = arith.constant 4095 : i32
      %eq3A_609 = vector.broadcast %eq3A_608 : i32 to vector<16xi32>
      %eq3A_610 = arith.cmpi eq, %add3A_601, %eq3A_609 : vector<16xi32>
      %or3A_611 = arith.ori %gt3A_607, %eq3A_610 : vector<16xi1>
      %and3A_612 = arith.andi %lt3A_604, %or3A_611 : vector<16xi1>
      tpu.vector_store_idx %arg6[%add3A_596], %add3A_601 masked %and3A_612 : memref<4096xi32, #tpu.memory_space<vmem>>[vector<16xi32>], vector<16xi32>, vector<16xi1>
      %mul3A_613 = arith.constant 8 : i32
      %mul3A_614 = arith.muli %scan3A_455, %mul3A_613 : i32
      %add3A_615 = arith.constant 5 : i32
      %add3A_616 = arith.addi %mul3A_614, %add3A_615 : i32
      %mul3A_617 = arith.constant 16 : i32
      %mul3A_618 = arith.muli %add3A_616, %mul3A_617 : i32
      %get3A_619 = arith.index_cast %mul3A_618 : i32 to index
      %get3A_620 = tpu.vector_load %arg5[%get3A_619] {strides = array<i32>} : memref<4096xi32, #tpu.memory_space<vmem>>, vector<16xi32>,
      %broadcast_in_dim3A_621 = arith.constant true
      %broadcast_in_dim3A_622 = vector.broadcast %broadcast_in_dim3A_621 : i1 to vector<16xi1>
      %masked_cumsum3A_623 = tpu.scan <sum>, %get3A_620 masked %broadcast_in_dim3A_622 : vector<16xi32>, vector<16xi1> -> vector<16xi32>
      %sub3A_624 = arith.subi %masked_cumsum3A_623, %get3A_620 : vector<16xi32>
      %get3A_625 = arith.index_cast %add3A_616 : i32 to index
      %get3A_626 = memref.load %arg7[%get3A_625] : memref<256xi32, #tpu.memory_space<smem>>
      %add3A_627 = vector.broadcast %get3A_626 : i32 to vector<16xi32>
      %add3A_628 = arith.addi %sub3A_624, %add3A_627 : vector<16xi32>
      %iota3A_629 = tpu.iota {dimensions = array<i32: 0>} : vector<16xi32>
      %mul3A_630 = arith.constant 16 : i32
      %mul3A_631 = arith.muli %add3A_616, %mul3A_630 : i32
      %add3A_632 = vector.broadcast %mul3A_631 : i32 to vector<16xi32>
      %add3A_633 = arith.addi %iota3A_629, %add3A_632 : vector<16xi32>
      %lt3A_634 = arith.constant 4096 : i32
      %lt3A_635 = vector.broadcast %lt3A_634 : i32 to vector<16xi32>
      %lt3A_636 = arith.cmpi slt, %add3A_628, %lt3A_635 : vector<16xi32>
      %gt3A_637 = arith.constant 0 : i32
      %gt3A_638 = vector.broadcast %gt3A_637 : i32 to vector<16xi32>
      %gt3A_639 = arith.cmpi sgt, %get3A_620, %gt3A_638 : vector<16xi32>
      %eq3A_640 = arith.constant 4095 : i32
      %eq3A_641 = vector.broadcast %eq3A_640 : i32 to vector<16xi32>
      %eq3A_642 = arith.cmpi eq, %add3A_633, %eq3A_641 : vector<16xi32>
      %or3A_643 = arith.ori %gt3A_639, %eq3A_642 : vector<16xi1>
      %and3A_644 = arith.andi %lt3A_636, %or3A_643 : vector<16xi1>
      tpu.vector_store_idx %arg6[%add3A_628], %add3A_633 masked %and3A_644 : memref<4096xi32, #tpu.memory_space<vmem>>[vector<16xi32>], vector<16xi32>, vector<16xi1>
      %mul3A_645 = arith.constant 8 : i32
      %mul3A_646 = arith.muli %scan3A_455, %mul3A_645 : i32
      %add3A_647 = arith.constant 6 : i32
      %add3A_648 = arith.addi %mul3A_646, %add3A_647 : i32
      %mul3A_649 = arith.constant 16 : i32
      %mul3A_650 = arith.muli %add3A_648, %mul3A_649 : i32
      %get3A_651 = arith.index_cast %mul3A_650 : i32 to index
      %get3A_652 = tpu.vector_load %arg5[%get3A_651] {strides = array<i32>} : memref<4096xi32, #tpu.memory_space<vmem>>, vector<16xi32>,
      %broadcast_in_dim3A_653 = arith.constant true
      %broadcast_in_dim3A_654 = vector.broadcast %broadcast_in_dim3A_653 : i1 to vector<16xi1>
      %masked_cumsum3A_655 = tpu.scan <sum>, %get3A_652 masked %broadcast_in_dim3A_654 : vector<16xi32>, vector<16xi1> -> vector<16xi32>
      %sub3A_656 = arith.subi %masked_cumsum3A_655, %get3A_652 : vector<16xi32>
      %get3A_657 = arith.index_cast %add3A_648 : i32 to index
      %get3A_658 = memref.load %arg7[%get3A_657] : memref<256xi32, #tpu.memory_space<smem>>
      %add3A_659 = vector.broadcast %get3A_658 : i32 to vector<16xi32>
      %add3A_660 = arith.addi %sub3A_656, %add3A_659 : vector<16xi32>
      %iota3A_661 = tpu.iota {dimensions = array<i32: 0>} : vector<16xi32>
      %mul3A_662 = arith.constant 16 : i32
      %mul3A_663 = arith.muli %add3A_648, %mul3A_662 : i32
      %add3A_664 = vector.broadcast %mul3A_663 : i32 to vector<16xi32>
      %add3A_665 = arith.addi %iota3A_661, %add3A_664 : vector<16xi32>
      %lt3A_666 = arith.constant 4096 : i32
      %lt3A_667 = vector.broadcast %lt3A_666 : i32 to vector<16xi32>
      %lt3A_668 = arith.cmpi slt, %add3A_660, %lt3A_667 : vector<16xi32>
      %gt3A_669 = arith.constant 0 : i32
      %gt3A_670 = vector.broadcast %gt3A_669 : i32 to vector<16xi32>
      %gt3A_671 = arith.cmpi sgt, %get3A_652, %gt3A_670 : vector<16xi32>
      %eq3A_672 = arith.constant 4095 : i32
      %eq3A_673 = vector.broadcast %eq3A_672 : i32 to vector<16xi32>
      %eq3A_674 = arith.cmpi eq, %add3A_665, %eq3A_673 : vector<16xi32>
      %or3A_675 = arith.ori %gt3A_671, %eq3A_674 : vector<16xi1>
      %and3A_676 = arith.andi %lt3A_668, %or3A_675 : vector<16xi1>
      tpu.vector_store_idx %arg6[%add3A_660], %add3A_665 masked %and3A_676 : memref<4096xi32, #tpu.memory_space<vmem>>[vector<16xi32>], vector<16xi32>, vector<16xi1>
      %mul3A_677 = arith.constant 8 : i32
      %mul3A_678 = arith.muli %scan3A_455, %mul3A_677 : i32
      %add3A_679 = arith.constant 7 : i32
      %add3A_680 = arith.addi %mul3A_678, %add3A_679 : i32
      %mul3A_681 = arith.constant 16 : i32
      %mul3A_682 = arith.muli %add3A_680, %mul3A_681 : i32
      %get3A_683 = arith.index_cast %mul3A_682 : i32 to index
      %get3A_684 = tpu.vector_load %arg5[%get3A_683] {strides = array<i32>} : memref<4096xi32, #tpu.memory_space<vmem>>, vector<16xi32>,
      %broadcast_in_dim3A_685 = arith.constant true
      %broadcast_in_dim3A_686 = vector.broadcast %broadcast_in_dim3A_685 : i1 to vector<16xi1>
      %masked_cumsum3A_687 = tpu.scan <sum>, %get3A_684 masked %broadcast_in_dim3A_686 : vector<16xi32>, vector<16xi1> -> vector<16xi32>
      %sub3A_688 = arith.subi %masked_cumsum3A_687, %get3A_684 : vector<16xi32>
      %get3A_689 = arith.index_cast %add3A_680 : i32 to index
      %get3A_690 = memref.load %arg7[%get3A_689] : memref<256xi32, #tpu.memory_space<smem>>
      %add3A_691 = vector.broadcast %get3A_690 : i32 to vector<16xi32>
      %add3A_692 = arith.addi %sub3A_688, %add3A_691 : vector<16xi32>
      %iota3A_693 = tpu.iota {dimensions = array<i32: 0>} : vector<16xi32>
      %mul3A_694 = arith.constant 16 : i32
      %mul3A_695 = arith.muli %add3A_680, %mul3A_694 : i32
      %add3A_696 = vector.broadcast %mul3A_695 : i32 to vector<16xi32>
      %add3A_697 = arith.addi %iota3A_693, %add3A_696 : vector<16xi32>
      %lt3A_698 = arith.constant 4096 : i32
      %lt3A_699 = vector.broadcast %lt3A_698 : i32 to vector<16xi32>
      %lt3A_700 = arith.cmpi slt, %add3A_692, %lt3A_699 : vector<16xi32>
      %gt3A_701 = arith.constant 0 : i32
      %gt3A_702 = vector.broadcast %gt3A_701 : i32 to vector<16xi32>
      %gt3A_703 = arith.cmpi sgt, %get3A_684, %gt3A_702 : vector<16xi32>
      %eq3A_704 = arith.constant 4095 : i32
      %eq3A_705 = vector.broadcast %eq3A_704 : i32 to vector<16xi32>
      %eq3A_706 = arith.cmpi eq, %add3A_697, %eq3A_705 : vector<16xi32>
      %or3A_707 = arith.ori %gt3A_703, %eq3A_706 : vector<16xi1>
      %and3A_708 = arith.andi %lt3A_700, %or3A_707 : vector<16xi1>
      tpu.vector_store_idx %arg6[%add3A_692], %add3A_697 masked %and3A_708 : memref<4096xi32, #tpu.memory_space<vmem>>[vector<16xi32>], vector<16xi32>, vector<16xi1>
    }
    %scan3A_60 = arith.constant 32 : i32
    %scan3A_61 = arith.constant 0 : i32
    %scan3A_62 = arith.constant 0 : i32
    %scan3A_63 = arith.constant 32 : i32
    %scan3A_64 = arith.addi %scan3A_62, %scan3A_63 : i32
    %scan3A_65 = arith.constant 1 : i32
    scf.for %scan3A_455 = %scan3A_62 to %scan3A_64 step %scan3A_65  : i32 {
      %mul3A_456 = arith.constant 8 : i32
      %mul3A_457 = arith.muli %scan3A_455, %mul3A_456 : i32
      %add3A_458 = arith.constant 0 : i32
      %add3A_459 = arith.addi %mul3A_457, %add3A_458 : i32
      %mul3A_460 = arith.constant 16 : i32
      %mul3A_461 = arith.muli %add3A_459, %mul3A_460 : i32
      %get3A_462 = arith.index_cast %mul3A_461 : i32 to index
      %get3A_463 = tpu.vector_load %arg6[%get3A_462] {strides = array<i32>} : memref<4096xi32, #tpu.memory_space<vmem>>, vector<16xi32>,
      %reduce_max3A = arith.constant true
      %reduce_max3A_464 = vector.broadcast %reduce_max3A : i1 to vector<16xi1>
      %reduce_max3A_465 = arith.constant -2147483648 : i32
      %reduce_max3A_466 = vector.broadcast %reduce_max3A_465 : i32 to vector<16xi32>
      %reduce_max3A_467 = arith.xori %get3A_463, %reduce_max3A_466 : vector<16xi32>
      %reduce_max3A_468 = tpu.scan <max>, %reduce_max3A_467 masked %reduce_max3A_464 : vector<16xi32>, vector<16xi1> -> vector<16xi32>
      %reduce_max3A_469 = arith.xori %reduce_max3A_468, %reduce_max3A_466 : vector<16xi32>
      %reduce_max3A_470 = vector.extract %reduce_max3A_469[15] : i32 from vector<16xi32>
      %swap3A_471 = arith.index_cast %add3A_459 : i32 to index
      %swap3A_472 = memref.load %arg7[%swap3A_471] : memref<256xi32, #tpu.memory_space<smem>>
      memref.store %reduce_max3A_470, %arg7[%swap3A_471] : memref<256xi32, #tpu.memory_space<smem>>
      %mul3A_473 = arith.constant 8 : i32
      %mul3A_474 = arith.muli %scan3A_455, %mul3A_473 : i32
      %add3A_475 = arith.constant 1 : i32
      %add3A_476 = arith.addi %mul3A_474, %add3A_475 : i32
      %mul3A_477 = arith.constant 16 : i32
      %mul3A_478 = arith.muli %add3A_476, %mul3A_477 : i32
      %get3A_479 = arith.index_cast %mul3A_478 : i32 to index
      %get3A_480 = tpu.vector_load %arg6[%get3A_479] {strides = array<i32>} : memref<4096xi32, #tpu.memory_space<vmem>>, vector<16xi32>,
      %reduce_max3A_481 = arith.constant true
      %reduce_max3A_482 = vector.broadcast %reduce_max3A_481 : i1 to vector<16xi1>
      %reduce_max3A_483 = arith.constant -2147483648 : i32
      %reduce_max3A_484 = vector.broadcast %reduce_max3A_483 : i32 to vector<16xi32>
      %reduce_max3A_485 = arith.xori %get3A_480, %reduce_max3A_484 : vector<16xi32>
      %reduce_max3A_486 = tpu.scan <max>, %reduce_max3A_485 masked %reduce_max3A_482 : vector<16xi32>, vector<16xi1> -> vector<16xi32>
      %reduce_max3A_487 = arith.xori %reduce_max3A_486, %reduce_max3A_484 : vector<16xi32>
      %reduce_max3A_488 = vector.extract %reduce_max3A_487[15] : i32 from vector<16xi32>
      %swap3A_489 = arith.index_cast %add3A_476 : i32 to index
      %swap3A_490 = memref.load %arg7[%swap3A_489] : memref<256xi32, #tpu.memory_space<smem>>
      memref.store %reduce_max3A_488, %arg7[%swap3A_489] : memref<256xi32, #tpu.memory_space<smem>>
      %mul3A_491 = arith.constant 8 : i32
      %mul3A_492 = arith.muli %scan3A_455, %mul3A_491 : i32
      %add3A_493 = arith.constant 2 : i32
      %add3A_494 = arith.addi %mul3A_492, %add3A_493 : i32
      %mul3A_495 = arith.constant 16 : i32
      %mul3A_496 = arith.muli %add3A_494, %mul3A_495 : i32
      %get3A_497 = arith.index_cast %mul3A_496 : i32 to index
      %get3A_498 = tpu.vector_load %arg6[%get3A_497] {strides = array<i32>} : memref<4096xi32, #tpu.memory_space<vmem>>, vector<16xi32>,
      %reduce_max3A_499 = arith.constant true
      %reduce_max3A_500 = vector.broadcast %reduce_max3A_499 : i1 to vector<16xi1>
      %reduce_max3A_501 = arith.constant -2147483648 : i32
      %reduce_max3A_502 = vector.broadcast %reduce_max3A_501 : i32 to vector<16xi32>
      %reduce_max3A_503 = arith.xori %get3A_498, %reduce_max3A_502 : vector<16xi32>
      %reduce_max3A_504 = tpu.scan <max>, %reduce_max3A_503 masked %reduce_max3A_500 : vector<16xi32>, vector<16xi1> -> vector<16xi32>
      %reduce_max3A_505 = arith.xori %reduce_max3A_504, %reduce_max3A_502 : vector<16xi32>
      %reduce_max3A_506 = vector.extract %reduce_max3A_505[15] : i32 from vector<16xi32>
      %swap3A_507 = arith.index_cast %add3A_494 : i32 to index
      %swap3A_508 = memref.load %arg7[%swap3A_507] : memref<256xi32, #tpu.memory_space<smem>>
      memref.store %reduce_max3A_506, %arg7[%swap3A_507] : memref<256xi32, #tpu.memory_space<smem>>
      %mul3A_509 = arith.constant 8 : i32
      %mul3A_510 = arith.muli %scan3A_455, %mul3A_509 : i32
      %add3A_511 = arith.constant 3 : i32
      %add3A_512 = arith.addi %mul3A_510, %add3A_511 : i32
      %mul3A_513 = arith.constant 16 : i32
      %mul3A_514 = arith.muli %add3A_512, %mul3A_513 : i32
      %get3A_515 = arith.index_cast %mul3A_514 : i32 to index
      %get3A_516 = tpu.vector_load %arg6[%get3A_515] {strides = array<i32>} : memref<4096xi32, #tpu.memory_space<vmem>>, vector<16xi32>,
      %reduce_max3A_517 = arith.constant true
      %reduce_max3A_518 = vector.broadcast %reduce_max3A_517 : i1 to vector<16xi1>
      %reduce_max3A_519 = arith.constant -2147483648 : i32
      %reduce_max3A_520 = vector.broadcast %reduce_max3A_519 : i32 to vector<16xi32>
      %reduce_max3A_521 = arith.xori %get3A_516, %reduce_max3A_520 : vector<16xi32>
      %reduce_max3A_522 = tpu.scan <max>, %reduce_max3A_521 masked %reduce_max3A_518 : vector<16xi32>, vector<16xi1> -> vector<16xi32>
      %reduce_max3A_523 = arith.xori %reduce_max3A_522, %reduce_max3A_520 : vector<16xi32>
      %reduce_max3A_524 = vector.extract %reduce_max3A_523[15] : i32 from vector<16xi32>
      %swap3A_525 = arith.index_cast %add3A_512 : i32 to index
      %swap3A_526 = memref.load %arg7[%swap3A_525] : memref<256xi32, #tpu.memory_space<smem>>
      memref.store %reduce_max3A_524, %arg7[%swap3A_525] : memref<256xi32, #tpu.memory_space<smem>>
      %mul3A_527 = arith.constant 8 : i32
      %mul3A_528 = arith.muli %scan3A_455, %mul3A_527 : i32
      %add3A_529 = arith.constant 4 : i32
      %add3A_530 = arith.addi %mul3A_528, %add3A_529 : i32
      %mul3A_531 = arith.constant 16 : i32
      %mul3A_532 = arith.muli %add3A_530, %mul3A_531 : i32
      %get3A_533 = arith.index_cast %mul3A_532 : i32 to index
      %get3A_534 = tpu.vector_load %arg6[%get3A_533] {strides = array<i32>} : memref<4096xi32, #tpu.memory_space<vmem>>, vector<16xi32>,
      %reduce_max3A_535 = arith.constant true
      %reduce_max3A_536 = vector.broadcast %reduce_max3A_535 : i1 to vector<16xi1>
      %reduce_max3A_537 = arith.constant -2147483648 : i32
      %reduce_max3A_538 = vector.broadcast %reduce_max3A_537 : i32 to vector<16xi32>
      %reduce_max3A_539 = arith.xori %get3A_534, %reduce_max3A_538 : vector<16xi32>
      %reduce_max3A_540 = tpu.scan <max>, %reduce_max3A_539 masked %reduce_max3A_536 : vector<16xi32>, vector<16xi1> -> vector<16xi32>
      %reduce_max3A_541 = arith.xori %reduce_max3A_540, %reduce_max3A_538 : vector<16xi32>
      %reduce_max3A_542 = vector.extract %reduce_max3A_541[15] : i32 from vector<16xi32>
      %swap3A_543 = arith.index_cast %add3A_530 : i32 to index
      %swap3A_544 = memref.load %arg7[%swap3A_543] : memref<256xi32, #tpu.memory_space<smem>>
      memref.store %reduce_max3A_542, %arg7[%swap3A_543] : memref<256xi32, #tpu.memory_space<smem>>
      %mul3A_545 = arith.constant 8 : i32
      %mul3A_546 = arith.muli %scan3A_455, %mul3A_545 : i32
      %add3A_547 = arith.constant 5 : i32
      %add3A_548 = arith.addi %mul3A_546, %add3A_547 : i32
      %mul3A_549 = arith.constant 16 : i32
      %mul3A_550 = arith.muli %add3A_548, %mul3A_549 : i32
      %get3A_551 = arith.index_cast %mul3A_550 : i32 to index
      %get3A_552 = tpu.vector_load %arg6[%get3A_551] {strides = array<i32>} : memref<4096xi32, #tpu.memory_space<vmem>>, vector<16xi32>,
      %reduce_max3A_553 = arith.constant true
      %reduce_max3A_554 = vector.broadcast %reduce_max3A_553 : i1 to vector<16xi1>
      %reduce_max3A_555 = arith.constant -2147483648 : i32
      %reduce_max3A_556 = vector.broadcast %reduce_max3A_555 : i32 to vector<16xi32>
      %reduce_max3A_557 = arith.xori %get3A_552, %reduce_max3A_556 : vector<16xi32>
      %reduce_max3A_558 = tpu.scan <max>, %reduce_max3A_557 masked %reduce_max3A_554 : vector<16xi32>, vector<16xi1> -> vector<16xi32>
      %reduce_max3A_559 = arith.xori %reduce_max3A_558, %reduce_max3A_556 : vector<16xi32>
      %reduce_max3A_560 = vector.extract %reduce_max3A_559[15] : i32 from vector<16xi32>
      %swap3A_561 = arith.index_cast %add3A_548 : i32 to index
      %swap3A_562 = memref.load %arg7[%swap3A_561] : memref<256xi32, #tpu.memory_space<smem>>
      memref.store %reduce_max3A_560, %arg7[%swap3A_561] : memref<256xi32, #tpu.memory_space<smem>>
      %mul3A_563 = arith.constant 8 : i32
      %mul3A_564 = arith.muli %scan3A_455, %mul3A_563 : i32
      %add3A_565 = arith.constant 6 : i32
      %add3A_566 = arith.addi %mul3A_564, %add3A_565 : i32
      %mul3A_567 = arith.constant 16 : i32
      %mul3A_568 = arith.muli %add3A_566, %mul3A_567 : i32
      %get3A_569 = arith.index_cast %mul3A_568 : i32 to index
      %get3A_570 = tpu.vector_load %arg6[%get3A_569] {strides = array<i32>} : memref<4096xi32, #tpu.memory_space<vmem>>, vector<16xi32>,
      %reduce_max3A_571 = arith.constant true
      %reduce_max3A_572 = vector.broadcast %reduce_max3A_571 : i1 to vector<16xi1>
      %reduce_max3A_573 = arith.constant -2147483648 : i32
      %reduce_max3A_574 = vector.broadcast %reduce_max3A_573 : i32 to vector<16xi32>
      %reduce_max3A_575 = arith.xori %get3A_570, %reduce_max3A_574 : vector<16xi32>
      %reduce_max3A_576 = tpu.scan <max>, %reduce_max3A_575 masked %reduce_max3A_572 : vector<16xi32>, vector<16xi1> -> vector<16xi32>
      %reduce_max3A_577 = arith.xori %reduce_max3A_576, %reduce_max3A_574 : vector<16xi32>
      %reduce_max3A_578 = vector.extract %reduce_max3A_577[15] : i32 from vector<16xi32>
      %swap3A_579 = arith.index_cast %add3A_566 : i32 to index
      %swap3A_580 = memref.load %arg7[%swap3A_579] : memref<256xi32, #tpu.memory_space<smem>>
      memref.store %reduce_max3A_578, %arg7[%swap3A_579] : memref<256xi32, #tpu.memory_space<smem>>
      %mul3A_581 = arith.constant 8 : i32
      %mul3A_582 = arith.muli %scan3A_455, %mul3A_581 : i32
      %add3A_583 = arith.constant 7 : i32
      %add3A_584 = arith.addi %mul3A_582, %add3A_583 : i32
      %mul3A_585 = arith.constant 16 : i32
      %mul3A_586 = arith.muli %add3A_584, %mul3A_585 : i32
      %get3A_587 = arith.index_cast %mul3A_586 : i32 to index
      %get3A_588 = tpu.vector_load %arg6[%get3A_587] {strides = array<i32>} : memref<4096xi32, #tpu.memory_space<vmem>>, vector<16xi32>,
      %reduce_max3A_589 = arith.constant true
      %reduce_max3A_590 = vector.broadcast %reduce_max3A_589 : i1 to vector<16xi1>
      %reduce_max3A_591 = arith.constant -2147483648 : i32
      %reduce_max3A_592 = vector.broadcast %reduce_max3A_591 : i32 to vector<16xi32>
      %reduce_max3A_593 = arith.xori %get3A_588, %reduce_max3A_592 : vector<16xi32>
      %reduce_max3A_594 = tpu.scan <max>, %reduce_max3A_593 masked %reduce_max3A_590 : vector<16xi32>, vector<16xi1> -> vector<16xi32>
      %reduce_max3A_595 = arith.xori %reduce_max3A_594, %reduce_max3A_592 : vector<16xi32>
      %reduce_max3A_596 = vector.extract %reduce_max3A_595[15] : i32 from vector<16xi32>
      %swap3A_597 = arith.index_cast %add3A_584 : i32 to index
      %swap3A_598 = memref.load %arg7[%swap3A_597] : memref<256xi32, #tpu.memory_space<smem>>
      memref.store %reduce_max3A_596, %arg7[%swap3A_597] : memref<256xi32, #tpu.memory_space<smem>>
    }
    %scan3A_66 = arith.constant 32 : i32
    %scan3A_67 = arith.constant -1 : i32
    %scan3A_68 = arith.constant 0 : i32
    %scan3A_69 = arith.constant 32 : i32
    %scan3A_70 = arith.addi %scan3A_68, %scan3A_69 : i32
    %scan3A_71 = arith.constant 1 : i32
    %scan3A_72 = scf.for %scan3A_455 = %scan3A_68 to %scan3A_70 step %scan3A_71 iter_args(%scan3A_456 = %scan3A_67) -> (i32)  : i32 {
      %mul3A_457 = arith.constant 8 : i32
      %mul3A_458 = arith.muli %scan3A_455, %mul3A_457 : i32
      %add3A_459 = arith.constant 0 : i32
      %add3A_460 = arith.addi %mul3A_458, %add3A_459 : i32
      %get3A_461 = arith.index_cast %add3A_460 : i32 to index
      %get3A_462 = memref.load %arg7[%get3A_461] : memref<256xi32, #tpu.memory_space<smem>>
      %max3A_463 = arith.maxsi %scan3A_456, %get3A_462 : i32
      %swap3A_464 = arith.index_cast %add3A_460 : i32 to index
      %swap3A_465 = memref.load %arg7[%swap3A_464] : memref<256xi32, #tpu.memory_space<smem>>
      memref.store %max3A_463, %arg7[%swap3A_464] : memref<256xi32, #tpu.memory_space<smem>>
      %mul3A_466 = arith.constant 8 : i32
      %mul3A_467 = arith.muli %scan3A_455, %mul3A_466 : i32
      %add3A_468 = arith.constant 1 : i32
      %add3A_469 = arith.addi %mul3A_467, %add3A_468 : i32
      %get3A_470 = arith.index_cast %add3A_469 : i32 to index
      %get3A_471 = memref.load %arg7[%get3A_470] : memref<256xi32, #tpu.memory_space<smem>>
      %max3A_472 = arith.maxsi %max3A_463, %get3A_471 : i32
      %swap3A_473 = arith.index_cast %add3A_469 : i32 to index
      %swap3A_474 = memref.load %arg7[%swap3A_473] : memref<256xi32, #tpu.memory_space<smem>>
      memref.store %max3A_472, %arg7[%swap3A_473] : memref<256xi32, #tpu.memory_space<smem>>
      %mul3A_475 = arith.constant 8 : i32
      %mul3A_476 = arith.muli %scan3A_455, %mul3A_475 : i32
      %add3A_477 = arith.constant 2 : i32
      %add3A_478 = arith.addi %mul3A_476, %add3A_477 : i32
      %get3A_479 = arith.index_cast %add3A_478 : i32 to index
      %get3A_480 = memref.load %arg7[%get3A_479] : memref<256xi32, #tpu.memory_space<smem>>
      %max3A_481 = arith.maxsi %max3A_472, %get3A_480 : i32
      %swap3A_482 = arith.index_cast %add3A_478 : i32 to index
      %swap3A_483 = memref.load %arg7[%swap3A_482] : memref<256xi32, #tpu.memory_space<smem>>
      memref.store %max3A_481, %arg7[%swap3A_482] : memref<256xi32, #tpu.memory_space<smem>>
      %mul3A_484 = arith.constant 8 : i32
      %mul3A_485 = arith.muli %scan3A_455, %mul3A_484 : i32
      %add3A_486 = arith.constant 3 : i32
      %add3A_487 = arith.addi %mul3A_485, %add3A_486 : i32
      %get3A_488 = arith.index_cast %add3A_487 : i32 to index
      %get3A_489 = memref.load %arg7[%get3A_488] : memref<256xi32, #tpu.memory_space<smem>>
      %max3A_490 = arith.maxsi %max3A_481, %get3A_489 : i32
      %swap3A_491 = arith.index_cast %add3A_487 : i32 to index
      %swap3A_492 = memref.load %arg7[%swap3A_491] : memref<256xi32, #tpu.memory_space<smem>>
      memref.store %max3A_490, %arg7[%swap3A_491] : memref<256xi32, #tpu.memory_space<smem>>
      %mul3A_493 = arith.constant 8 : i32
      %mul3A_494 = arith.muli %scan3A_455, %mul3A_493 : i32
      %add3A_495 = arith.constant 4 : i32
      %add3A_496 = arith.addi %mul3A_494, %add3A_495 : i32
      %get3A_497 = arith.index_cast %add3A_496 : i32 to index
      %get3A_498 = memref.load %arg7[%get3A_497] : memref<256xi32, #tpu.memory_space<smem>>
      %max3A_499 = arith.maxsi %max3A_490, %get3A_498 : i32
      %swap3A_500 = arith.index_cast %add3A_496 : i32 to index
      %swap3A_501 = memref.load %arg7[%swap3A_500] : memref<256xi32, #tpu.memory_space<smem>>
      memref.store %max3A_499, %arg7[%swap3A_500] : memref<256xi32, #tpu.memory_space<smem>>
      %mul3A_502 = arith.constant 8 : i32
      %mul3A_503 = arith.muli %scan3A_455, %mul3A_502 : i32
      %add3A_504 = arith.constant 5 : i32
      %add3A_505 = arith.addi %mul3A_503, %add3A_504 : i32
      %get3A_506 = arith.index_cast %add3A_505 : i32 to index
      %get3A_507 = memref.load %arg7[%get3A_506] : memref<256xi32, #tpu.memory_space<smem>>
      %max3A_508 = arith.maxsi %max3A_499, %get3A_507 : i32
      %swap3A_509 = arith.index_cast %add3A_505 : i32 to index
      %swap3A_510 = memref.load %arg7[%swap3A_509] : memref<256xi32, #tpu.memory_space<smem>>
      memref.store %max3A_508, %arg7[%swap3A_509] : memref<256xi32, #tpu.memory_space<smem>>
      %mul3A_511 = arith.constant 8 : i32
      %mul3A_512 = arith.muli %scan3A_455, %mul3A_511 : i32
      %add3A_513 = arith.constant 6 : i32
      %add3A_514 = arith.addi %mul3A_512, %add3A_513 : i32
      %get3A_515 = arith.index_cast %add3A_514 : i32 to index
      %get3A_516 = memref.load %arg7[%get3A_515] : memref<256xi32, #tpu.memory_space<smem>>
      %max3A_517 = arith.maxsi %max3A_508, %get3A_516 : i32
      %swap3A_518 = arith.index_cast %add3A_514 : i32 to index
      %swap3A_519 = memref.load %arg7[%swap3A_518] : memref<256xi32, #tpu.memory_space<smem>>
      memref.store %max3A_517, %arg7[%swap3A_518] : memref<256xi32, #tpu.memory_space<smem>>
      %mul3A_520 = arith.constant 8 : i32
      %mul3A_521 = arith.muli %scan3A_455, %mul3A_520 : i32
      %add3A_522 = arith.constant 7 : i32
      %add3A_523 = arith.addi %mul3A_521, %add3A_522 : i32
      %get3A_524 = arith.index_cast %add3A_523 : i32 to index
      %get3A_525 = memref.load %arg7[%get3A_524] : memref<256xi32, #tpu.memory_space<smem>>
      %max3A_526 = arith.maxsi %max3A_517, %get3A_525 : i32
      %swap3A_527 = arith.index_cast %add3A_523 : i32 to index
      %swap3A_528 = memref.load %arg7[%swap3A_527] : memref<256xi32, #tpu.memory_space<smem>>
      memref.store %max3A_526, %arg7[%swap3A_527] : memref<256xi32, #tpu.memory_space<smem>>
      scf.yield %max3A_526 : i32
    }
    %scan3A_73 = arith.constant 32 : i32
    %jit3A_74 = arith.constant 16 : i32
    %div3A_75 = arith.divsi %mul3A_32, %jit3A_74 : i32
    %sign3A_76 = arith.constant 0 : i32
    %sign3A_77 = arith.cmpi sgt, %mul3A_32, %sign3A_76 : i32
    %sign3A_78 = arith.extui %sign3A_77 : i1 to i32
    %sign3A_79 = arith.constant 0 : i32
    %sign3A_80 = arith.cmpi slt, %mul3A_32, %sign3A_79 : i32
    %sign3A_81 = arith.extui %sign3A_80 : i1 to i32
    %sign3A_82 = arith.subi %sign3A_78, %sign3A_81 : i32
    %sign3A_83 = arith.constant 0 : i32
    %sign3A_84 = arith.cmpi sgt, %jit3A_74, %sign3A_83 : i32
    %sign3A_85 = arith.extui %sign3A_84 : i1 to i32
    %sign3A_86 = arith.constant 0 : i32
    %sign3A_87 = arith.cmpi slt, %jit3A_74, %sign3A_86 : i32
    %sign3A_88 = arith.extui %sign3A_87 : i1 to i32
    %sign3A_89 = arith.subi %sign3A_85, %sign3A_88 : i32
    %ne3A_90 = arith.cmpi ne, %sign3A_82, %sign3A_89 : i32
    %rem3A_91 = arith.remsi %mul3A_32, %jit3A_74 : i32
    %ne3A_92 = arith.constant 0 : i32
    %ne3A_93 = arith.cmpi ne, %rem3A_91, %ne3A_92 : i32
    %and3A_94 = arith.andi %ne3A_90, %ne3A_93 : i1
    %sub3A_95 = arith.constant 1 : i32
    %sub3A_96 = arith.subi %div3A_75, %sub3A_95 : i32
    %select_n3A_97 = arith.select %and3A_94, %sub3A_96, %div3A_75 : i32
    %scan3A_98 = arith.constant 0 : i32
    %scan3A_99 = arith.constant 0 : i32
    %mul3A_100 = arith.constant 8 : i32
    %mul3A_101 = arith.muli %scan3A_99, %mul3A_100 : i32
    %add3A_102 = arith.addi %select_n3A_97, %mul3A_101 : i32
    %add3A_103 = arith.constant 0 : i32
    %add3A_104 = arith.addi %add3A_102, %add3A_103 : i32
    %mul3A_105 = arith.constant 16 : i32
    %mul3A_106 = arith.muli %add3A_104, %mul3A_105 : i32
    %get3A = arith.index_cast %mul3A_106 : i32 to index
    %get3A_107 = tpu.vector_load %arg6[%get3A] {strides = array<i32>} : memref<4096xi32, #tpu.memory_space<vmem>>, vector<16xi32>,
    %gt3A = arith.constant 0 : i32
    %gt3A_108 = arith.cmpi sgt, %add3A_104, %gt3A : i32
    %sub3A_109 = arith.constant 1 : i32
    %sub3A_110 = arith.subi %add3A_104, %sub3A_109 : i32
    %max3A = arith.constant 0 : i32
    %max3A_111 = arith.maxsi %sub3A_110, %max3A : i32
    %get3A_112 = arith.index_cast %max3A_111 : i32 to index
    %get3A_113 = memref.load %arg7[%get3A_112] : memref<256xi32, #tpu.memory_space<smem>>
    %jit3A_114 = arith.constant -1 : i32
    %select_n3A_115 = arith.select %gt3A_108, %get3A_113, %jit3A_114 : i32
    %broadcast_in_dim3A = arith.constant true
    %broadcast_in_dim3A_116 = vector.broadcast %broadcast_in_dim3A : i1 to vector<16xi1>
    %masked_cummax3A = arith.constant -2147483648 : i32
    %masked_cummax3A_117 = vector.broadcast %masked_cummax3A : i32 to vector<16xi32>
    %masked_cummax3A_118 = arith.xori %get3A_107, %masked_cummax3A_117 : vector<16xi32>
    %masked_cummax3A_119 = tpu.scan <max>, %masked_cummax3A_118 masked %broadcast_in_dim3A_116 : vector<16xi32>, vector<16xi1> -> vector<16xi32>
    %masked_cummax3A_120 = arith.xori %masked_cummax3A_119, %masked_cummax3A_117 : vector<16xi32>
    %max3A_121 = vector.broadcast %select_n3A_115 : i32 to vector<16xi32>
    %max3A_122 = arith.maxsi %masked_cummax3A_120, %max3A_121 : vector<16xi32>
    %add3A_123 = vector.broadcast %mul3A_34 : i32 to vector<16xi32>
    %add3A_124 = arith.addi %max3A_122, %add3A_123 : vector<16xi32>
    %mul3A_125 = arith.constant 16 : i32
    %mul3A_126 = arith.muli %add3A_104, %mul3A_125 : i32
    %swap3A = arith.index_cast %mul3A_126 : i32 to index
    %swap3A_127 = tpu.vector_load %arg6[%swap3A] {strides = array<i32>} : memref<4096xi32, #tpu.memory_space<vmem>>, vector<16xi32>,
    tpu.vector_store %arg6[%swap3A], %add3A_124 {strides = array<i32>} : memref<4096xi32, #tpu.memory_space<vmem>>, vector<16xi32>,
    %mul3A_128 = arith.constant 8 : i32
    %mul3A_129 = arith.muli %scan3A_99, %mul3A_128 : i32
    %add3A_130 = arith.addi %select_n3A_97, %mul3A_129 : i32
    %add3A_131 = arith.constant 1 : i32
    %add3A_132 = arith.addi %add3A_130, %add3A_131 : i32
    %mul3A_133 = arith.constant 16 : i32
    %mul3A_134 = arith.muli %add3A_132, %mul3A_133 : i32
    %get3A_135 = arith.index_cast %mul3A_134 : i32 to index
    %get3A_136 = tpu.vector_load %arg6[%get3A_135] {strides = array<i32>} : memref<4096xi32, #tpu.memory_space<vmem>>, vector<16xi32>,
    %gt3A_137 = arith.constant 0 : i32
    %gt3A_138 = arith.cmpi sgt, %add3A_132, %gt3A_137 : i32
    %sub3A_139 = arith.constant 1 : i32
    %sub3A_140 = arith.subi %add3A_132, %sub3A_139 : i32
    %max3A_141 = arith.constant 0 : i32
    %max3A_142 = arith.maxsi %sub3A_140, %max3A_141 : i32
    %get3A_143 = arith.index_cast %max3A_142 : i32 to index
    %get3A_144 = memref.load %arg7[%get3A_143] : memref<256xi32, #tpu.memory_space<smem>>
    %jit3A_145 = arith.constant -1 : i32
    %select_n3A_146 = arith.select %gt3A_138, %get3A_144, %jit3A_145 : i32
    %broadcast_in_dim3A_147 = arith.constant true
    %broadcast_in_dim3A_148 = vector.broadcast %broadcast_in_dim3A_147 : i1 to vector<16xi1>
    %masked_cummax3A_149 = arith.constant -2147483648 : i32
    %masked_cummax3A_150 = vector.broadcast %masked_cummax3A_149 : i32 to vector<16xi32>
    %masked_cummax3A_151 = arith.xori %get3A_136, %masked_cummax3A_150 : vector<16xi32>
    %masked_cummax3A_152 = tpu.scan <max>, %masked_cummax3A_151 masked %broadcast_in_dim3A_148 : vector<16xi32>, vector<16xi1> -> vector<16xi32>
    %masked_cummax3A_153 = arith.xori %masked_cummax3A_152, %masked_cummax3A_150 : vector<16xi32>
    %max3A_154 = vector.broadcast %select_n3A_146 : i32 to vector<16xi32>
    %max3A_155 = arith.maxsi %masked_cummax3A_153, %max3A_154 : vector<16xi32>
    %add3A_156 = vector.broadcast %mul3A_34 : i32 to vector<16xi32>
    %add3A_157 = arith.addi %max3A_155, %add3A_156 : vector<16xi32>
    %mul3A_158 = arith.constant 16 : i32
    %mul3A_159 = arith.muli %add3A_132, %mul3A_158 : i32
    %swap3A_160 = arith.index_cast %mul3A_159 : i32 to index
    %swap3A_161 = tpu.vector_load %arg6[%swap3A_160] {strides = array<i32>} : memref<4096xi32, #tpu.memory_space<vmem>>, vector<16xi32>,
    tpu.vector_store %arg6[%swap3A_160], %add3A_157 {strides = array<i32>} : memref<4096xi32, #tpu.memory_space<vmem>>, vector<16xi32>,
    %mul3A_162 = arith.constant 8 : i32
    %mul3A_163 = arith.muli %scan3A_99, %mul3A_162 : i32
    %add3A_164 = arith.addi %select_n3A_97, %mul3A_163 : i32
    %add3A_165 = arith.constant 2 : i32
    %add3A_166 = arith.addi %add3A_164, %add3A_165 : i32
    %mul3A_167 = arith.constant 16 : i32
    %mul3A_168 = arith.muli %add3A_166, %mul3A_167 : i32
    %get3A_169 = arith.index_cast %mul3A_168 : i32 to index
    %get3A_170 = tpu.vector_load %arg6[%get3A_169] {strides = array<i32>} : memref<4096xi32, #tpu.memory_space<vmem>>, vector<16xi32>,
    %gt3A_171 = arith.constant 0 : i32
    %gt3A_172 = arith.cmpi sgt, %add3A_166, %gt3A_171 : i32
    %sub3A_173 = arith.constant 1 : i32
    %sub3A_174 = arith.subi %add3A_166, %sub3A_173 : i32
    %max3A_175 = arith.constant 0 : i32
    %max3A_176 = arith.maxsi %sub3A_174, %max3A_175 : i32
    %get3A_177 = arith.index_cast %max3A_176 : i32 to index
    %get3A_178 = memref.load %arg7[%get3A_177] : memref<256xi32, #tpu.memory_space<smem>>
    %jit3A_179 = arith.constant -1 : i32
    %select_n3A_180 = arith.select %gt3A_172, %get3A_178, %jit3A_179 : i32
    %broadcast_in_dim3A_181 = arith.constant true
    %broadcast_in_dim3A_182 = vector.broadcast %broadcast_in_dim3A_181 : i1 to vector<16xi1>
    %masked_cummax3A_183 = arith.constant -2147483648 : i32
    %masked_cummax3A_184 = vector.broadcast %masked_cummax3A_183 : i32 to vector<16xi32>
    %masked_cummax3A_185 = arith.xori %get3A_170, %masked_cummax3A_184 : vector<16xi32>
    %masked_cummax3A_186 = tpu.scan <max>, %masked_cummax3A_185 masked %broadcast_in_dim3A_182 : vector<16xi32>, vector<16xi1> -> vector<16xi32>
    %masked_cummax3A_187 = arith.xori %masked_cummax3A_186, %masked_cummax3A_184 : vector<16xi32>
    %max3A_188 = vector.broadcast %select_n3A_180 : i32 to vector<16xi32>
    %max3A_189 = arith.maxsi %masked_cummax3A_187, %max3A_188 : vector<16xi32>
    %add3A_190 = vector.broadcast %mul3A_34 : i32 to vector<16xi32>
    %add3A_191 = arith.addi %max3A_189, %add3A_190 : vector<16xi32>
    %mul3A_192 = arith.constant 16 : i32
    %mul3A_193 = arith.muli %add3A_166, %mul3A_192 : i32
    %swap3A_194 = arith.index_cast %mul3A_193 : i32 to index
    %swap3A_195 = tpu.vector_load %arg6[%swap3A_194] {strides = array<i32>} : memref<4096xi32, #tpu.memory_space<vmem>>, vector<16xi32>,
    tpu.vector_store %arg6[%swap3A_194], %add3A_191 {strides = array<i32>} : memref<4096xi32, #tpu.memory_space<vmem>>, vector<16xi32>,
    %mul3A_196 = arith.constant 8 : i32
    %mul3A_197 = arith.muli %scan3A_99, %mul3A_196 : i32
    %add3A_198 = arith.addi %select_n3A_97, %mul3A_197 : i32
    %add3A_199 = arith.constant 3 : i32
    %add3A_200 = arith.addi %add3A_198, %add3A_199 : i32
    %mul3A_201 = arith.constant 16 : i32
    %mul3A_202 = arith.muli %add3A_200, %mul3A_201 : i32
    %get3A_203 = arith.index_cast %mul3A_202 : i32 to index
    %get3A_204 = tpu.vector_load %arg6[%get3A_203] {strides = array<i32>} : memref<4096xi32, #tpu.memory_space<vmem>>, vector<16xi32>,
    %gt3A_205 = arith.constant 0 : i32
    %gt3A_206 = arith.cmpi sgt, %add3A_200, %gt3A_205 : i32
    %sub3A_207 = arith.constant 1 : i32
    %sub3A_208 = arith.subi %add3A_200, %sub3A_207 : i32
    %max3A_209 = arith.constant 0 : i32
    %max3A_210 = arith.maxsi %sub3A_208, %max3A_209 : i32
    %get3A_211 = arith.index_cast %max3A_210 : i32 to index
    %get3A_212 = memref.load %arg7[%get3A_211] : memref<256xi32, #tpu.memory_space<smem>>
    %jit3A_213 = arith.constant -1 : i32
    %select_n3A_214 = arith.select %gt3A_206, %get3A_212, %jit3A_213 : i32
    %broadcast_in_dim3A_215 = arith.constant true
    %broadcast_in_dim3A_216 = vector.broadcast %broadcast_in_dim3A_215 : i1 to vector<16xi1>
    %masked_cummax3A_217 = arith.constant -2147483648 : i32
    %masked_cummax3A_218 = vector.broadcast %masked_cummax3A_217 : i32 to vector<16xi32>
    %masked_cummax3A_219 = arith.xori %get3A_204, %masked_cummax3A_218 : vector<16xi32>
    %masked_cummax3A_220 = tpu.scan <max>, %masked_cummax3A_219 masked %broadcast_in_dim3A_216 : vector<16xi32>, vector<16xi1> -> vector<16xi32>
    %masked_cummax3A_221 = arith.xori %masked_cummax3A_220, %masked_cummax3A_218 : vector<16xi32>
    %max3A_222 = vector.broadcast %select_n3A_214 : i32 to vector<16xi32>
    %max3A_223 = arith.maxsi %masked_cummax3A_221, %max3A_222 : vector<16xi32>
    %add3A_224 = vector.broadcast %mul3A_34 : i32 to vector<16xi32>
    %add3A_225 = arith.addi %max3A_223, %add3A_224 : vector<16xi32>
    %mul3A_226 = arith.constant 16 : i32
    %mul3A_227 = arith.muli %add3A_200, %mul3A_226 : i32
    %swap3A_228 = arith.index_cast %mul3A_227 : i32 to index
    %swap3A_229 = tpu.vector_load %arg6[%swap3A_228] {strides = array<i32>} : memref<4096xi32, #tpu.memory_space<vmem>>, vector<16xi32>,
    tpu.vector_store %arg6[%swap3A_228], %add3A_225 {strides = array<i32>} : memref<4096xi32, #tpu.memory_space<vmem>>, vector<16xi32>,
    %mul3A_230 = arith.constant 8 : i32
    %mul3A_231 = arith.muli %scan3A_99, %mul3A_230 : i32
    %add3A_232 = arith.addi %select_n3A_97, %mul3A_231 : i32
    %add3A_233 = arith.constant 4 : i32
    %add3A_234 = arith.addi %add3A_232, %add3A_233 : i32
    %mul3A_235 = arith.constant 16 : i32
    %mul3A_236 = arith.muli %add3A_234, %mul3A_235 : i32
    %get3A_237 = arith.index_cast %mul3A_236 : i32 to index
    %get3A_238 = tpu.vector_load %arg6[%get3A_237] {strides = array<i32>} : memref<4096xi32, #tpu.memory_space<vmem>>, vector<16xi32>,
    %gt3A_239 = arith.constant 0 : i32
    %gt3A_240 = arith.cmpi sgt, %add3A_234, %gt3A_239 : i32
    %sub3A_241 = arith.constant 1 : i32
    %sub3A_242 = arith.subi %add3A_234, %sub3A_241 : i32
    %max3A_243 = arith.constant 0 : i32
    %max3A_244 = arith.maxsi %sub3A_242, %max3A_243 : i32
    %get3A_245 = arith.index_cast %max3A_244 : i32 to index
    %get3A_246 = memref.load %arg7[%get3A_245] : memref<256xi32, #tpu.memory_space<smem>>
    %jit3A_247 = arith.constant -1 : i32
    %select_n3A_248 = arith.select %gt3A_240, %get3A_246, %jit3A_247 : i32
    %broadcast_in_dim3A_249 = arith.constant true
    %broadcast_in_dim3A_250 = vector.broadcast %broadcast_in_dim3A_249 : i1 to vector<16xi1>
    %masked_cummax3A_251 = arith.constant -2147483648 : i32
    %masked_cummax3A_252 = vector.broadcast %masked_cummax3A_251 : i32 to vector<16xi32>
    %masked_cummax3A_253 = arith.xori %get3A_238, %masked_cummax3A_252 : vector<16xi32>
    %masked_cummax3A_254 = tpu.scan <max>, %masked_cummax3A_253 masked %broadcast_in_dim3A_250 : vector<16xi32>, vector<16xi1> -> vector<16xi32>
    %masked_cummax3A_255 = arith.xori %masked_cummax3A_254, %masked_cummax3A_252 : vector<16xi32>
    %max3A_256 = vector.broadcast %select_n3A_248 : i32 to vector<16xi32>
    %max3A_257 = arith.maxsi %masked_cummax3A_255, %max3A_256 : vector<16xi32>
    %add3A_258 = vector.broadcast %mul3A_34 : i32 to vector<16xi32>
    %add3A_259 = arith.addi %max3A_257, %add3A_258 : vector<16xi32>
    %mul3A_260 = arith.constant 16 : i32
    %mul3A_261 = arith.muli %add3A_234, %mul3A_260 : i32
    %swap3A_262 = arith.index_cast %mul3A_261 : i32 to index
    %swap3A_263 = tpu.vector_load %arg6[%swap3A_262] {strides = array<i32>} : memref<4096xi32, #tpu.memory_space<vmem>>, vector<16xi32>,
    tpu.vector_store %arg6[%swap3A_262], %add3A_259 {strides = array<i32>} : memref<4096xi32, #tpu.memory_space<vmem>>, vector<16xi32>,
    %mul3A_264 = arith.constant 8 : i32
    %mul3A_265 = arith.muli %scan3A_99, %mul3A_264 : i32
    %add3A_266 = arith.addi %select_n3A_97, %mul3A_265 : i32
    %add3A_267 = arith.constant 5 : i32
    %add3A_268 = arith.addi %add3A_266, %add3A_267 : i32
    %mul3A_269 = arith.constant 16 : i32
    %mul3A_270 = arith.muli %add3A_268, %mul3A_269 : i32
    %get3A_271 = arith.index_cast %mul3A_270 : i32 to index
    %get3A_272 = tpu.vector_load %arg6[%get3A_271] {strides = array<i32>} : memref<4096xi32, #tpu.memory_space<vmem>>, vector<16xi32>,
    %gt3A_273 = arith.constant 0 : i32
    %gt3A_274 = arith.cmpi sgt, %add3A_268, %gt3A_273 : i32
    %sub3A_275 = arith.constant 1 : i32
    %sub3A_276 = arith.subi %add3A_268, %sub3A_275 : i32
    %max3A_277 = arith.constant 0 : i32
    %max3A_278 = arith.maxsi %sub3A_276, %max3A_277 : i32
    %get3A_279 = arith.index_cast %max3A_278 : i32 to index
    %get3A_280 = memref.load %arg7[%get3A_279] : memref<256xi32, #tpu.memory_space<smem>>
    %jit3A_281 = arith.constant -1 : i32
    %select_n3A_282 = arith.select %gt3A_274, %get3A_280, %jit3A_281 : i32
    %broadcast_in_dim3A_283 = arith.constant true
    %broadcast_in_dim3A_284 = vector.broadcast %broadcast_in_dim3A_283 : i1 to vector<16xi1>
    %masked_cummax3A_285 = arith.constant -2147483648 : i32
    %masked_cummax3A_286 = vector.broadcast %masked_cummax3A_285 : i32 to vector<16xi32>
    %masked_cummax3A_287 = arith.xori %get3A_272, %masked_cummax3A_286 : vector<16xi32>
    %masked_cummax3A_288 = tpu.scan <max>, %masked_cummax3A_287 masked %broadcast_in_dim3A_284 : vector<16xi32>, vector<16xi1> -> vector<16xi32>
    %masked_cummax3A_289 = arith.xori %masked_cummax3A_288, %masked_cummax3A_286 : vector<16xi32>
    %max3A_290 = vector.broadcast %select_n3A_282 : i32 to vector<16xi32>
    %max3A_291 = arith.maxsi %masked_cummax3A_289, %max3A_290 : vector<16xi32>
    %add3A_292 = vector.broadcast %mul3A_34 : i32 to vector<16xi32>
    %add3A_293 = arith.addi %max3A_291, %add3A_292 : vector<16xi32>
    %mul3A_294 = arith.constant 16 : i32
    %mul3A_295 = arith.muli %add3A_268, %mul3A_294 : i32
    %swap3A_296 = arith.index_cast %mul3A_295 : i32 to index
    %swap3A_297 = tpu.vector_load %arg6[%swap3A_296] {strides = array<i32>} : memref<4096xi32, #tpu.memory_space<vmem>>, vector<16xi32>,
    tpu.vector_store %arg6[%swap3A_296], %add3A_293 {strides = array<i32>} : memref<4096xi32, #tpu.memory_space<vmem>>, vector<16xi32>,
    %mul3A_298 = arith.constant 8 : i32
    %mul3A_299 = arith.muli %scan3A_99, %mul3A_298 : i32
    %add3A_300 = arith.addi %select_n3A_97, %mul3A_299 : i32
    %add3A_301 = arith.constant 6 : i32
    %add3A_302 = arith.addi %add3A_300, %add3A_301 : i32
    %mul3A_303 = arith.constant 16 : i32
    %mul3A_304 = arith.muli %add3A_302, %mul3A_303 : i32
    %get3A_305 = arith.index_cast %mul3A_304 : i32 to index
    %get3A_306 = tpu.vector_load %arg6[%get3A_305] {strides = array<i32>} : memref<4096xi32, #tpu.memory_space<vmem>>, vector<16xi32>,
    %gt3A_307 = arith.constant 0 : i32
    %gt3A_308 = arith.cmpi sgt, %add3A_302, %gt3A_307 : i32
    %sub3A_309 = arith.constant 1 : i32
    %sub3A_310 = arith.subi %add3A_302, %sub3A_309 : i32
    %max3A_311 = arith.constant 0 : i32
    %max3A_312 = arith.maxsi %sub3A_310, %max3A_311 : i32
    %get3A_313 = arith.index_cast %max3A_312 : i32 to index
    %get3A_314 = memref.load %arg7[%get3A_313] : memref<256xi32, #tpu.memory_space<smem>>
    %jit3A_315 = arith.constant -1 : i32
    %select_n3A_316 = arith.select %gt3A_308, %get3A_314, %jit3A_315 : i32
    %broadcast_in_dim3A_317 = arith.constant true
    %broadcast_in_dim3A_318 = vector.broadcast %broadcast_in_dim3A_317 : i1 to vector<16xi1>
    %masked_cummax3A_319 = arith.constant -2147483648 : i32
    %masked_cummax3A_320 = vector.broadcast %masked_cummax3A_319 : i32 to vector<16xi32>
    %masked_cummax3A_321 = arith.xori %get3A_306, %masked_cummax3A_320 : vector<16xi32>
    %masked_cummax3A_322 = tpu.scan <max>, %masked_cummax3A_321 masked %broadcast_in_dim3A_318 : vector<16xi32>, vector<16xi1> -> vector<16xi32>
    %masked_cummax3A_323 = arith.xori %masked_cummax3A_322, %masked_cummax3A_320 : vector<16xi32>
    %max3A_324 = vector.broadcast %select_n3A_316 : i32 to vector<16xi32>
    %max3A_325 = arith.maxsi %masked_cummax3A_323, %max3A_324 : vector<16xi32>
    %add3A_326 = vector.broadcast %mul3A_34 : i32 to vector<16xi32>
    %add3A_327 = arith.addi %max3A_325, %add3A_326 : vector<16xi32>
    %mul3A_328 = arith.constant 16 : i32
    %mul3A_329 = arith.muli %add3A_302, %mul3A_328 : i32
    %swap3A_330 = arith.index_cast %mul3A_329 : i32 to index
    %swap3A_331 = tpu.vector_load %arg6[%swap3A_330] {strides = array<i32>} : memref<4096xi32, #tpu.memory_space<vmem>>, vector<16xi32>,
    tpu.vector_store %arg6[%swap3A_330], %add3A_327 {strides = array<i32>} : memref<4096xi32, #tpu.memory_space<vmem>>, vector<16xi32>,
    %mul3A_332 = arith.constant 8 : i32
    %mul3A_333 = arith.muli %scan3A_99, %mul3A_332 : i32
    %add3A_334 = arith.addi %select_n3A_97, %mul3A_333 : i32
    %add3A_335 = arith.constant 7 : i32
    %add3A_336 = arith.addi %add3A_334, %add3A_335 : i32
    %mul3A_337 = arith.constant 16 : i32
    %mul3A_338 = arith.muli %add3A_336, %mul3A_337 : i32
    %get3A_339 = arith.index_cast %mul3A_338 : i32 to index
    %get3A_340 = tpu.vector_load %arg6[%get3A_339] {strides = array<i32>} : memref<4096xi32, #tpu.memory_space<vmem>>, vector<16xi32>,
    %gt3A_341 = arith.constant 0 : i32
    %gt3A_342 = arith.cmpi sgt, %add3A_336, %gt3A_341 : i32
    %sub3A_343 = arith.constant 1 : i32
    %sub3A_344 = arith.subi %add3A_336, %sub3A_343 : i32
    %max3A_345 = arith.constant 0 : i32
    %max3A_346 = arith.maxsi %sub3A_344, %max3A_345 : i32
    %get3A_347 = arith.index_cast %max3A_346 : i32 to index
    %get3A_348 = memref.load %arg7[%get3A_347] : memref<256xi32, #tpu.memory_space<smem>>
    %jit3A_349 = arith.constant -1 : i32
    %select_n3A_350 = arith.select %gt3A_342, %get3A_348, %jit3A_349 : i32
    %broadcast_in_dim3A_351 = arith.constant true
    %broadcast_in_dim3A_352 = vector.broadcast %broadcast_in_dim3A_351 : i1 to vector<16xi1>
    %masked_cummax3A_353 = arith.constant -2147483648 : i32
    %masked_cummax3A_354 = vector.broadcast %masked_cummax3A_353 : i32 to vector<16xi32>
    %masked_cummax3A_355 = arith.xori %get3A_340, %masked_cummax3A_354 : vector<16xi32>
    %masked_cummax3A_356 = tpu.scan <max>, %masked_cummax3A_355 masked %broadcast_in_dim3A_352 : vector<16xi32>, vector<16xi1> -> vector<16xi32>
    %masked_cummax3A_357 = arith.xori %masked_cummax3A_356, %masked_cummax3A_354 : vector<16xi32>
    %max3A_358 = vector.broadcast %select_n3A_350 : i32 to vector<16xi32>
    %max3A_359 = arith.maxsi %masked_cummax3A_357, %max3A_358 : vector<16xi32>
    %add3A_360 = vector.broadcast %mul3A_34 : i32 to vector<16xi32>
    %add3A_361 = arith.addi %max3A_359, %add3A_360 : vector<16xi32>
    %mul3A_362 = arith.constant 16 : i32
    %mul3A_363 = arith.muli %add3A_336, %mul3A_362 : i32
    %swap3A_364 = arith.index_cast %mul3A_363 : i32 to index
    %swap3A_365 = tpu.vector_load %arg6[%swap3A_364] {strides = array<i32>} : memref<4096xi32, #tpu.memory_space<vmem>>, vector<16xi32>,
    tpu.vector_store %arg6[%swap3A_364], %add3A_361 {strides = array<i32>} : memref<4096xi32, #tpu.memory_space<vmem>>, vector<16xi32>,
    %scan3A_366 = arith.constant 1 : i32
    %add3A_367 = arith.constant 0 : i32
    %add3A_368 = arith.addi %mul3A_32, %add3A_367 : i32
    %dma_start3A_369 = arith.constant 0 : i32
    %dma_start3A_370 = arith.constant 0 : i32
    %dma_start3A_371 = arith.constant 0 : i32
    %dma_start3A_372 = tpu.memref_slice %arg8[%dma_start3A_369, %dma_start3A_370, %dma_start3A_371] : memref<6x32x512xf32, #tpu.memory_space<vmem>> -> memref<1x32x512xf32, #tpu.memory_space<vmem>>
    %dma_start3A_373 = tpu.memref_squeeze %dma_start3A_372 : memref<1x32x512xf32, #tpu.memory_space<vmem>> -> memref<32x512xf32, #tpu.memory_space<vmem>>
    %dma_start3A_374 = tpu.memref_slice %arg6[%add3A_368] : memref<4096xi32, #tpu.memory_space<vmem>> -> memref<32xi32, #tpu.memory_space<vmem>>
    %dma_start3A_375 = arith.constant 0 : i32
    %dma_start3A_376 = arith.constant 0 : i32
    %dma_start3A_377 = tpu.memref_slice %arg2[%dma_start3A_375, %dma_start3A_376] : memref<65536x512xf32, #tpu.memory_space<hbm>> -> memref<65536x512xf32, #tpu.memory_space<hbm>>
    tpu.enqueue_indirect_dma source(%dma_start3A_377 : memref<65536x512xf32, #tpu.memory_space<hbm>>) target(%dma_start3A_373 : memref<32x512xf32, #tpu.memory_space<vmem>>) offsets(%dma_start3A_374 : memref<32xi32, #tpu.memory_space<vmem>>) semaphore(%arg9 : memref<!tpu.dma_semaphore, #tpu.memory_space<semaphore_mem>>)
    %add3A_378 = arith.constant 32 : i32
    %add3A_379 = arith.addi %mul3A_32, %add3A_378 : i32
    %dma_start3A_380 = arith.constant 1 : i32
    %dma_start3A_381 = arith.constant 0 : i32
    %dma_start3A_382 = arith.constant 0 : i32
    %dma_start3A_383 = tpu.memref_slice %arg8[%dma_start3A_380, %dma_start3A_381, %dma_start3A_382] : memref<6x32x512xf32, #tpu.memory_space<vmem>> -> memref<1x32x512xf32, #tpu.memory_space<vmem>>
    %dma_start3A_384 = tpu.memref_squeeze %dma_start3A_383 : memref<1x32x512xf32, #tpu.memory_space<vmem>> -> memref<32x512xf32, #tpu.memory_space<vmem>>
    %dma_start3A_385 = tpu.memref_slice %arg6[%add3A_379] : memref<4096xi32, #tpu.memory_space<vmem>> -> memref<32xi32, #tpu.memory_space<vmem>>
    %dma_start3A_386 = arith.constant 0 : i32
    %dma_start3A_387 = arith.constant 0 : i32
    %dma_start3A_388 = tpu.memref_slice %arg2[%dma_start3A_386, %dma_start3A_387] : memref<65536x512xf32, #tpu.memory_space<hbm>> -> memref<65536x512xf32, #tpu.memory_space<hbm>>
    tpu.enqueue_indirect_dma source(%dma_start3A_388 : memref<65536x512xf32, #tpu.memory_space<hbm>>) target(%dma_start3A_384 : memref<32x512xf32, #tpu.memory_space<vmem>>) offsets(%dma_start3A_385 : memref<32xi32, #tpu.memory_space<vmem>>) semaphore(%arg9 : memref<!tpu.dma_semaphore, #tpu.memory_space<semaphore_mem>>)
    %add3A_389 = arith.constant 64 : i32
    %add3A_390 = arith.addi %mul3A_32, %add3A_389 : i32
    %dma_start3A_391 = arith.constant 2 : i32
    %dma_start3A_392 = arith.constant 0 : i32
    %dma_start3A_393 = arith.constant 0 : i32
    %dma_start3A_394 = tpu.memref_slice %arg8[%dma_start3A_391, %dma_start3A_392, %dma_start3A_393] : memref<6x32x512xf32, #tpu.memory_space<vmem>> -> memref<1x32x512xf32, #tpu.memory_space<vmem>>
    %dma_start3A_395 = tpu.memref_squeeze %dma_start3A_394 : memref<1x32x512xf32, #tpu.memory_space<vmem>> -> memref<32x512xf32, #tpu.memory_space<vmem>>
    %dma_start3A_396 = tpu.memref_slice %arg6[%add3A_390] : memref<4096xi32, #tpu.memory_space<vmem>> -> memref<32xi32, #tpu.memory_space<vmem>>
    %dma_start3A_397 = arith.constant 0 : i32
    %dma_start3A_398 = arith.constant 0 : i32
    %dma_start3A_399 = tpu.memref_slice %arg2[%dma_start3A_397, %dma_start3A_398] : memref<65536x512xf32, #tpu.memory_space<hbm>> -> memref<65536x512xf32, #tpu.memory_space<hbm>>
    tpu.enqueue_indirect_dma source(%dma_start3A_399 : memref<65536x512xf32, #tpu.memory_space<hbm>>) target(%dma_start3A_395 : memref<32x512xf32, #tpu.memory_space<vmem>>) offsets(%dma_start3A_396 : memref<32xi32, #tpu.memory_space<vmem>>) semaphore(%arg9 : memref<!tpu.dma_semaphore, #tpu.memory_space<semaphore_mem>>)
    %add3A_400 = arith.constant 96 : i32
    %add3A_401 = arith.addi %mul3A_32, %add3A_400 : i32
    %dma_start3A_402 = arith.constant 3 : i32
    %dma_start3A_403 = arith.constant 0 : i32
    %dma_start3A_404 = arith.constant 0 : i32
    %dma_start3A_405 = tpu.memref_slice %arg8[%dma_start3A_402, %dma_start3A_403, %dma_start3A_404] : memref<6x32x512xf32, #tpu.memory_space<vmem>> -> memref<1x32x512xf32, #tpu.memory_space<vmem>>
    %dma_start3A_406 = tpu.memref_squeeze %dma_start3A_405 : memref<1x32x512xf32, #tpu.memory_space<vmem>> -> memref<32x512xf32, #tpu.memory_space<vmem>>
    %dma_start3A_407 = tpu.memref_slice %arg6[%add3A_401] : memref<4096xi32, #tpu.memory_space<vmem>> -> memref<32xi32, #tpu.memory_space<vmem>>
    %dma_start3A_408 = arith.constant 0 : i32
    %dma_start3A_409 = arith.constant 0 : i32
    %dma_start3A_410 = tpu.memref_slice %arg2[%dma_start3A_408, %dma_start3A_409] : memref<65536x512xf32, #tpu.memory_space<hbm>> -> memref<65536x512xf32, #tpu.memory_space<hbm>>
    tpu.enqueue_indirect_dma source(%dma_start3A_410 : memref<65536x512xf32, #tpu.memory_space<hbm>>) target(%dma_start3A_406 : memref<32x512xf32, #tpu.memory_space<vmem>>) offsets(%dma_start3A_407 : memref<32xi32, #tpu.memory_space<vmem>>) semaphore(%arg9 : memref<!tpu.dma_semaphore, #tpu.memory_space<semaphore_mem>>)
    %scan3A_411 = arith.constant 0 : i32
    %scan3A_412 = arith.constant 1 : i32
    %scan3A_413 = arith.constant 15 : i32
    %scan3A_414 = arith.addi %scan3A_412, %scan3A_413 : i32
    %scan3A_415 = arith.constant 1 : i32
    scf.for %scan3A_455 = %scan3A_412 to %scan3A_414 step %scan3A_415  : i32 {
      %mul3A_456 = arith.constant 8 : i32
      %mul3A_457 = arith.muli %scan3A_455, %mul3A_456 : i32
      %add3A_458 = arith.addi %select_n3A_97, %mul3A_457 : i32
      %add3A_459 = arith.constant 0 : i32
      %add3A_460 = arith.addi %add3A_458, %add3A_459 : i32
      %mul3A_461 = arith.constant 16 : i32
      %mul3A_462 = arith.muli %add3A_460, %mul3A_461 : i32
      %get3A_463 = arith.index_cast %mul3A_462 : i32 to index
      %get3A_464 = tpu.vector_load %arg6[%get3A_463] {strides = array<i32>} : memref<4096xi32, #tpu.memory_space<vmem>>, vector<16xi32>,
      %gt3A_465 = arith.constant 0 : i32
      %gt3A_466 = arith.cmpi sgt, %add3A_460, %gt3A_465 : i32
      %sub3A_467 = arith.constant 1 : i32
      %sub3A_468 = arith.subi %add3A_460, %sub3A_467 : i32
      %max3A_469 = arith.constant 0 : i32
      %max3A_470 = arith.maxsi %sub3A_468, %max3A_469 : i32
      %get3A_471 = arith.index_cast %max3A_470 : i32 to index
      %get3A_472 = memref.load %arg7[%get3A_471] : memref<256xi32, #tpu.memory_space<smem>>
      %jit3A_473 = arith.constant -1 : i32
      %select_n3A_474 = arith.select %gt3A_466, %get3A_472, %jit3A_473 : i32
      %broadcast_in_dim3A_475 = arith.constant true
      %broadcast_in_dim3A_476 = vector.broadcast %broadcast_in_dim3A_475 : i1 to vector<16xi1>
      %masked_cummax3A_477 = arith.constant -2147483648 : i32
      %masked_cummax3A_478 = vector.broadcast %masked_cummax3A_477 : i32 to vector<16xi32>
      %masked_cummax3A_479 = arith.xori %get3A_464, %masked_cummax3A_478 : vector<16xi32>
      %masked_cummax3A_480 = tpu.scan <max>, %masked_cummax3A_479 masked %broadcast_in_dim3A_476 : vector<16xi32>, vector<16xi1> -> vector<16xi32>
      %masked_cummax3A_481 = arith.xori %masked_cummax3A_480, %masked_cummax3A_478 : vector<16xi32>
      %max3A_482 = vector.broadcast %select_n3A_474 : i32 to vector<16xi32>
      %max3A_483 = arith.maxsi %masked_cummax3A_481, %max3A_482 : vector<16xi32>
      %add3A_484 = vector.broadcast %mul3A_34 : i32 to vector<16xi32>
      %add3A_485 = arith.addi %max3A_483, %add3A_484 : vector<16xi32>
      %mul3A_486 = arith.constant 16 : i32
      %mul3A_487 = arith.muli %add3A_460, %mul3A_486 : i32
      %swap3A_488 = arith.index_cast %mul3A_487 : i32 to index
      %swap3A_489 = tpu.vector_load %arg6[%swap3A_488] {strides = array<i32>} : memref<4096xi32, #tpu.memory_space<vmem>>, vector<16xi32>,
      tpu.vector_store %arg6[%swap3A_488], %add3A_485 {strides = array<i32>} : memref<4096xi32, #tpu.memory_space<vmem>>, vector<16xi32>,
      %mul3A_490 = arith.constant 8 : i32
      %mul3A_491 = arith.muli %scan3A_455, %mul3A_490 : i32
      %add3A_492 = arith.addi %select_n3A_97, %mul3A_491 : i32
      %add3A_493 = arith.constant 1 : i32
      %add3A_494 = arith.addi %add3A_492, %add3A_493 : i32
      %mul3A_495 = arith.constant 16 : i32
      %mul3A_496 = arith.muli %add3A_494, %mul3A_495 : i32
      %get3A_497 = arith.index_cast %mul3A_496 : i32 to index
      %get3A_498 = tpu.vector_load %arg6[%get3A_497] {strides = array<i32>} : memref<4096xi32, #tpu.memory_space<vmem>>, vector<16xi32>,
      %gt3A_499 = arith.constant 0 : i32
      %gt3A_500 = arith.cmpi sgt, %add3A_494, %gt3A_499 : i32
      %sub3A_501 = arith.constant 1 : i32
      %sub3A_502 = arith.subi %add3A_494, %sub3A_501 : i32
      %max3A_503 = arith.constant 0 : i32
      %max3A_504 = arith.maxsi %sub3A_502, %max3A_503 : i32
      %get3A_505 = arith.index_cast %max3A_504 : i32 to index
      %get3A_506 = memref.load %arg7[%get3A_505] : memref<256xi32, #tpu.memory_space<smem>>
      %jit3A_507 = arith.constant -1 : i32
      %select_n3A_508 = arith.select %gt3A_500, %get3A_506, %jit3A_507 : i32
      %broadcast_in_dim3A_509 = arith.constant true
      %broadcast_in_dim3A_510 = vector.broadcast %broadcast_in_dim3A_509 : i1 to vector<16xi1>
      %masked_cummax3A_511 = arith.constant -2147483648 : i32
      %masked_cummax3A_512 = vector.broadcast %masked_cummax3A_511 : i32 to vector<16xi32>
      %masked_cummax3A_513 = arith.xori %get3A_498, %masked_cummax3A_512 : vector<16xi32>
      %masked_cummax3A_514 = tpu.scan <max>, %masked_cummax3A_513 masked %broadcast_in_dim3A_510 : vector<16xi32>, vector<16xi1> -> vector<16xi32>
      %masked_cummax3A_515 = arith.xori %masked_cummax3A_514, %masked_cummax3A_512 : vector<16xi32>
      %max3A_516 = vector.broadcast %select_n3A_508 : i32 to vector<16xi32>
      %max3A_517 = arith.maxsi %masked_cummax3A_515, %max3A_516 : vector<16xi32>
      %add3A_518 = vector.broadcast %mul3A_34 : i32 to vector<16xi32>
      %add3A_519 = arith.addi %max3A_517, %add3A_518 : vector<16xi32>
      %mul3A_520 = arith.constant 16 : i32
      %mul3A_521 = arith.muli %add3A_494, %mul3A_520 : i32
      %swap3A_522 = arith.index_cast %mul3A_521 : i32 to index
      %swap3A_523 = tpu.vector_load %arg6[%swap3A_522] {strides = array<i32>} : memref<4096xi32, #tpu.memory_space<vmem>>, vector<16xi32>,
      tpu.vector_store %arg6[%swap3A_522], %add3A_519 {strides = array<i32>} : memref<4096xi32, #tpu.memory_space<vmem>>, vector<16xi32>,
      %mul3A_524 = arith.constant 8 : i32
      %mul3A_525 = arith.muli %scan3A_455, %mul3A_524 : i32
      %add3A_526 = arith.addi %select_n3A_97, %mul3A_525 : i32
      %add3A_527 = arith.constant 2 : i32
      %add3A_528 = arith.addi %add3A_526, %add3A_527 : i32
      %mul3A_529 = arith.constant 16 : i32
      %mul3A_530 = arith.muli %add3A_528, %mul3A_529 : i32
      %get3A_531 = arith.index_cast %mul3A_530 : i32 to index
      %get3A_532 = tpu.vector_load %arg6[%get3A_531] {strides = array<i32>} : memref<4096xi32, #tpu.memory_space<vmem>>, vector<16xi32>,
      %gt3A_533 = arith.constant 0 : i32
      %gt3A_534 = arith.cmpi sgt, %add3A_528, %gt3A_533 : i32
      %sub3A_535 = arith.constant 1 : i32
      %sub3A_536 = arith.subi %add3A_528, %sub3A_535 : i32
      %max3A_537 = arith.constant 0 : i32
      %max3A_538 = arith.maxsi %sub3A_536, %max3A_537 : i32
      %get3A_539 = arith.index_cast %max3A_538 : i32 to index
      %get3A_540 = memref.load %arg7[%get3A_539] : memref<256xi32, #tpu.memory_space<smem>>
      %jit3A_541 = arith.constant -1 : i32
      %select_n3A_542 = arith.select %gt3A_534, %get3A_540, %jit3A_541 : i32
      %broadcast_in_dim3A_543 = arith.constant true
      %broadcast_in_dim3A_544 = vector.broadcast %broadcast_in_dim3A_543 : i1 to vector<16xi1>
      %masked_cummax3A_545 = arith.constant -2147483648 : i32
      %masked_cummax3A_546 = vector.broadcast %masked_cummax3A_545 : i32 to vector<16xi32>
      %masked_cummax3A_547 = arith.xori %get3A_532, %masked_cummax3A_546 : vector<16xi32>
      %masked_cummax3A_548 = tpu.scan <max>, %masked_cummax3A_547 masked %broadcast_in_dim3A_544 : vector<16xi32>, vector<16xi1> -> vector<16xi32>
      %masked_cummax3A_549 = arith.xori %masked_cummax3A_548, %masked_cummax3A_546 : vector<16xi32>
      %max3A_550 = vector.broadcast %select_n3A_542 : i32 to vector<16xi32>
      %max3A_551 = arith.maxsi %masked_cummax3A_549, %max3A_550 : vector<16xi32>
      %add3A_552 = vector.broadcast %mul3A_34 : i32 to vector<16xi32>
      %add3A_553 = arith.addi %max3A_551, %add3A_552 : vector<16xi32>
      %mul3A_554 = arith.constant 16 : i32
      %mul3A_555 = arith.muli %add3A_528, %mul3A_554 : i32
      %swap3A_556 = arith.index_cast %mul3A_555 : i32 to index
      %swap3A_557 = tpu.vector_load %arg6[%swap3A_556] {strides = array<i32>} : memref<4096xi32, #tpu.memory_space<vmem>>, vector<16xi32>,
      tpu.vector_store %arg6[%swap3A_556], %add3A_553 {strides = array<i32>} : memref<4096xi32, #tpu.memory_space<vmem>>, vector<16xi32>,
      %mul3A_558 = arith.constant 8 : i32
      %mul3A_559 = arith.muli %scan3A_455, %mul3A_558 : i32
      %add3A_560 = arith.addi %select_n3A_97, %mul3A_559 : i32
      %add3A_561 = arith.constant 3 : i32
      %add3A_562 = arith.addi %add3A_560, %add3A_561 : i32
      %mul3A_563 = arith.constant 16 : i32
      %mul3A_564 = arith.muli %add3A_562, %mul3A_563 : i32
      %get3A_565 = arith.index_cast %mul3A_564 : i32 to index
      %get3A_566 = tpu.vector_load %arg6[%get3A_565] {strides = array<i32>} : memref<4096xi32, #tpu.memory_space<vmem>>, vector<16xi32>,
      %gt3A_567 = arith.constant 0 : i32
      %gt3A_568 = arith.cmpi sgt, %add3A_562, %gt3A_567 : i32
      %sub3A_569 = arith.constant 1 : i32
      %sub3A_570 = arith.subi %add3A_562, %sub3A_569 : i32
      %max3A_571 = arith.constant 0 : i32
      %max3A_572 = arith.maxsi %sub3A_570, %max3A_571 : i32
      %get3A_573 = arith.index_cast %max3A_572 : i32 to index
      %get3A_574 = memref.load %arg7[%get3A_573] : memref<256xi32, #tpu.memory_space<smem>>
      %jit3A_575 = arith.constant -1 : i32
      %select_n3A_576 = arith.select %gt3A_568, %get3A_574, %jit3A_575 : i32
      %broadcast_in_dim3A_577 = arith.constant true
      %broadcast_in_dim3A_578 = vector.broadcast %broadcast_in_dim3A_577 : i1 to vector<16xi1>
      %masked_cummax3A_579 = arith.constant -2147483648 : i32
      %masked_cummax3A_580 = vector.broadcast %masked_cummax3A_579 : i32 to vector<16xi32>
      %masked_cummax3A_581 = arith.xori %get3A_566, %masked_cummax3A_580 : vector<16xi32>
      %masked_cummax3A_582 = tpu.scan <max>, %masked_cummax3A_581 masked %broadcast_in_dim3A_578 : vector<16xi32>, vector<16xi1> -> vector<16xi32>
      %masked_cummax3A_583 = arith.xori %masked_cummax3A_582, %masked_cummax3A_580 : vector<16xi32>
      %max3A_584 = vector.broadcast %select_n3A_576 : i32 to vector<16xi32>
      %max3A_585 = arith.maxsi %masked_cummax3A_583, %max3A_584 : vector<16xi32>
      %add3A_586 = vector.broadcast %mul3A_34 : i32 to vector<16xi32>
      %add3A_587 = arith.addi %max3A_585, %add3A_586 : vector<16xi32>
      %mul3A_588 = arith.constant 16 : i32
      %mul3A_589 = arith.muli %add3A_562, %mul3A_588 : i32
      %swap3A_590 = arith.index_cast %mul3A_589 : i32 to index
      %swap3A_591 = tpu.vector_load %arg6[%swap3A_590] {strides = array<i32>} : memref<4096xi32, #tpu.memory_space<vmem>>, vector<16xi32>,
      tpu.vector_store %arg6[%swap3A_590], %add3A_587 {strides = array<i32>} : memref<4096xi32, #tpu.memory_space<vmem>>, vector<16xi32>,
      %mul3A_592 = arith.constant 8 : i32
      %mul3A_593 = arith.muli %scan3A_455, %mul3A_592 : i32
      %add3A_594 = arith.addi %select_n3A_97, %mul3A_593 : i32
      %add3A_595 = arith.constant 4 : i32
      %add3A_596 = arith.addi %add3A_594, %add3A_595 : i32
      %mul3A_597 = arith.constant 16 : i32
      %mul3A_598 = arith.muli %add3A_596, %mul3A_597 : i32
      %get3A_599 = arith.index_cast %mul3A_598 : i32 to index
      %get3A_600 = tpu.vector_load %arg6[%get3A_599] {strides = array<i32>} : memref<4096xi32, #tpu.memory_space<vmem>>, vector<16xi32>,
      %gt3A_601 = arith.constant 0 : i32
      %gt3A_602 = arith.cmpi sgt, %add3A_596, %gt3A_601 : i32
      %sub3A_603 = arith.constant 1 : i32
      %sub3A_604 = arith.subi %add3A_596, %sub3A_603 : i32
      %max3A_605 = arith.constant 0 : i32
      %max3A_606 = arith.maxsi %sub3A_604, %max3A_605 : i32
      %get3A_607 = arith.index_cast %max3A_606 : i32 to index
      %get3A_608 = memref.load %arg7[%get3A_607] : memref<256xi32, #tpu.memory_space<smem>>
      %jit3A_609 = arith.constant -1 : i32
      %select_n3A_610 = arith.select %gt3A_602, %get3A_608, %jit3A_609 : i32
      %broadcast_in_dim3A_611 = arith.constant true
      %broadcast_in_dim3A_612 = vector.broadcast %broadcast_in_dim3A_611 : i1 to vector<16xi1>
      %masked_cummax3A_613 = arith.constant -2147483648 : i32
      %masked_cummax3A_614 = vector.broadcast %masked_cummax3A_613 : i32 to vector<16xi32>
      %masked_cummax3A_615 = arith.xori %get3A_600, %masked_cummax3A_614 : vector<16xi32>
      %masked_cummax3A_616 = tpu.scan <max>, %masked_cummax3A_615 masked %broadcast_in_dim3A_612 : vector<16xi32>, vector<16xi1> -> vector<16xi32>
      %masked_cummax3A_617 = arith.xori %masked_cummax3A_616, %masked_cummax3A_614 : vector<16xi32>
      %max3A_618 = vector.broadcast %select_n3A_610 : i32 to vector<16xi32>
      %max3A_619 = arith.maxsi %masked_cummax3A_617, %max3A_618 : vector<16xi32>
      %add3A_620 = vector.broadcast %mul3A_34 : i32 to vector<16xi32>
      %add3A_621 = arith.addi %max3A_619, %add3A_620 : vector<16xi32>
      %mul3A_622 = arith.constant 16 : i32
      %mul3A_623 = arith.muli %add3A_596, %mul3A_622 : i32
      %swap3A_624 = arith.index_cast %mul3A_623 : i32 to index
      %swap3A_625 = tpu.vector_load %arg6[%swap3A_624] {strides = array<i32>} : memref<4096xi32, #tpu.memory_space<vmem>>, vector<16xi32>,
      tpu.vector_store %arg6[%swap3A_624], %add3A_621 {strides = array<i32>} : memref<4096xi32, #tpu.memory_space<vmem>>, vector<16xi32>,
      %mul3A_626 = arith.constant 8 : i32
      %mul3A_627 = arith.muli %scan3A_455, %mul3A_626 : i32
      %add3A_628 = arith.addi %select_n3A_97, %mul3A_627 : i32
      %add3A_629 = arith.constant 5 : i32
      %add3A_630 = arith.addi %add3A_628, %add3A_629 : i32
      %mul3A_631 = arith.constant 16 : i32
      %mul3A_632 = arith.muli %add3A_630, %mul3A_631 : i32
      %get3A_633 = arith.index_cast %mul3A_632 : i32 to index
      %get3A_634 = tpu.vector_load %arg6[%get3A_633] {strides = array<i32>} : memref<4096xi32, #tpu.memory_space<vmem>>, vector<16xi32>,
      %gt3A_635 = arith.constant 0 : i32
      %gt3A_636 = arith.cmpi sgt, %add3A_630, %gt3A_635 : i32
      %sub3A_637 = arith.constant 1 : i32
      %sub3A_638 = arith.subi %add3A_630, %sub3A_637 : i32
      %max3A_639 = arith.constant 0 : i32
      %max3A_640 = arith.maxsi %sub3A_638, %max3A_639 : i32
      %get3A_641 = arith.index_cast %max3A_640 : i32 to index
      %get3A_642 = memref.load %arg7[%get3A_641] : memref<256xi32, #tpu.memory_space<smem>>
      %jit3A_643 = arith.constant -1 : i32
      %select_n3A_644 = arith.select %gt3A_636, %get3A_642, %jit3A_643 : i32
      %broadcast_in_dim3A_645 = arith.constant true
      %broadcast_in_dim3A_646 = vector.broadcast %broadcast_in_dim3A_645 : i1 to vector<16xi1>
      %masked_cummax3A_647 = arith.constant -2147483648 : i32
      %masked_cummax3A_648 = vector.broadcast %masked_cummax3A_647 : i32 to vector<16xi32>
      %masked_cummax3A_649 = arith.xori %get3A_634, %masked_cummax3A_648 : vector<16xi32>
      %masked_cummax3A_650 = tpu.scan <max>, %masked_cummax3A_649 masked %broadcast_in_dim3A_646 : vector<16xi32>, vector<16xi1> -> vector<16xi32>
      %masked_cummax3A_651 = arith.xori %masked_cummax3A_650, %masked_cummax3A_648 : vector<16xi32>
      %max3A_652 = vector.broadcast %select_n3A_644 : i32 to vector<16xi32>
      %max3A_653 = arith.maxsi %masked_cummax3A_651, %max3A_652 : vector<16xi32>
      %add3A_654 = vector.broadcast %mul3A_34 : i32 to vector<16xi32>
      %add3A_655 = arith.addi %max3A_653, %add3A_654 : vector<16xi32>
      %mul3A_656 = arith.constant 16 : i32
      %mul3A_657 = arith.muli %add3A_630, %mul3A_656 : i32
      %swap3A_658 = arith.index_cast %mul3A_657 : i32 to index
      %swap3A_659 = tpu.vector_load %arg6[%swap3A_658] {strides = array<i32>} : memref<4096xi32, #tpu.memory_space<vmem>>, vector<16xi32>,
      tpu.vector_store %arg6[%swap3A_658], %add3A_655 {strides = array<i32>} : memref<4096xi32, #tpu.memory_space<vmem>>, vector<16xi32>,
      %mul3A_660 = arith.constant 8 : i32
      %mul3A_661 = arith.muli %scan3A_455, %mul3A_660 : i32
      %add3A_662 = arith.addi %select_n3A_97, %mul3A_661 : i32
      %add3A_663 = arith.constant 6 : i32
      %add3A_664 = arith.addi %add3A_662, %add3A_663 : i32
      %mul3A_665 = arith.constant 16 : i32
      %mul3A_666 = arith.muli %add3A_664, %mul3A_665 : i32
      %get3A_667 = arith.index_cast %mul3A_666 : i32 to index
      %get3A_668 = tpu.vector_load %arg6[%get3A_667] {strides = array<i32>} : memref<4096xi32, #tpu.memory_space<vmem>>, vector<16xi32>,
      %gt3A_669 = arith.constant 0 : i32
      %gt3A_670 = arith.cmpi sgt, %add3A_664, %gt3A_669 : i32
      %sub3A_671 = arith.constant 1 : i32
      %sub3A_672 = arith.subi %add3A_664, %sub3A_671 : i32
      %max3A_673 = arith.constant 0 : i32
      %max3A_674 = arith.maxsi %sub3A_672, %max3A_673 : i32
      %get3A_675 = arith.index_cast %max3A_674 : i32 to index
      %get3A_676 = memref.load %arg7[%get3A_675] : memref<256xi32, #tpu.memory_space<smem>>
      %jit3A_677 = arith.constant -1 : i32
      %select_n3A_678 = arith.select %gt3A_670, %get3A_676, %jit3A_677 : i32
      %broadcast_in_dim3A_679 = arith.constant true
      %broadcast_in_dim3A_680 = vector.broadcast %broadcast_in_dim3A_679 : i1 to vector<16xi1>
      %masked_cummax3A_681 = arith.constant -2147483648 : i32
      %masked_cummax3A_682 = vector.broadcast %masked_cummax3A_681 : i32 to vector<16xi32>
      %masked_cummax3A_683 = arith.xori %get3A_668, %masked_cummax3A_682 : vector<16xi32>
      %masked_cummax3A_684 = tpu.scan <max>, %masked_cummax3A_683 masked %broadcast_in_dim3A_680 : vector<16xi32>, vector<16xi1> -> vector<16xi32>
      %masked_cummax3A_685 = arith.xori %masked_cummax3A_684, %masked_cummax3A_682 : vector<16xi32>
      %max3A_686 = vector.broadcast %select_n3A_678 : i32 to vector<16xi32>
      %max3A_687 = arith.maxsi %masked_cummax3A_685, %max3A_686 : vector<16xi32>
      %add3A_688 = vector.broadcast %mul3A_34 : i32 to vector<16xi32>
      %add3A_689 = arith.addi %max3A_687, %add3A_688 : vector<16xi32>
      %mul3A_690 = arith.constant 16 : i32
      %mul3A_691 = arith.muli %add3A_664, %mul3A_690 : i32
      %swap3A_692 = arith.index_cast %mul3A_691 : i32 to index
      %swap3A_693 = tpu.vector_load %arg6[%swap3A_692] {strides = array<i32>} : memref<4096xi32, #tpu.memory_space<vmem>>, vector<16xi32>,
      tpu.vector_store %arg6[%swap3A_692], %add3A_689 {strides = array<i32>} : memref<4096xi32, #tpu.memory_space<vmem>>, vector<16xi32>,
      %mul3A_694 = arith.constant 8 : i32
      %mul3A_695 = arith.muli %scan3A_455, %mul3A_694 : i32
      %add3A_696 = arith.addi %select_n3A_97, %mul3A_695 : i32
      %add3A_697 = arith.constant 7 : i32
      %add3A_698 = arith.addi %add3A_696, %add3A_697 : i32
      %mul3A_699 = arith.constant 16 : i32
      %mul3A_700 = arith.muli %add3A_698, %mul3A_699 : i32
      %get3A_701 = arith.index_cast %mul3A_700 : i32 to index
      %get3A_702 = tpu.vector_load %arg6[%get3A_701] {strides = array<i32>} : memref<4096xi32, #tpu.memory_space<vmem>>, vector<16xi32>,
      %gt3A_703 = arith.constant 0 : i32
      %gt3A_704 = arith.cmpi sgt, %add3A_698, %gt3A_703 : i32
      %sub3A_705 = arith.constant 1 : i32
      %sub3A_706 = arith.subi %add3A_698, %sub3A_705 : i32
      %max3A_707 = arith.constant 0 : i32
      %max3A_708 = arith.maxsi %sub3A_706, %max3A_707 : i32
      %get3A_709 = arith.index_cast %max3A_708 : i32 to index
      %get3A_710 = memref.load %arg7[%get3A_709] : memref<256xi32, #tpu.memory_space<smem>>
      %jit3A_711 = arith.constant -1 : i32
      %select_n3A_712 = arith.select %gt3A_704, %get3A_710, %jit3A_711 : i32
      %broadcast_in_dim3A_713 = arith.constant true
      %broadcast_in_dim3A_714 = vector.broadcast %broadcast_in_dim3A_713 : i1 to vector<16xi1>
      %masked_cummax3A_715 = arith.constant -2147483648 : i32
      %masked_cummax3A_716 = vector.broadcast %masked_cummax3A_715 : i32 to vector<16xi32>
      %masked_cummax3A_717 = arith.xori %get3A_702, %masked_cummax3A_716 : vector<16xi32>
      %masked_cummax3A_718 = tpu.scan <max>, %masked_cummax3A_717 masked %broadcast_in_dim3A_714 : vector<16xi32>, vector<16xi1> -> vector<16xi32>
      %masked_cummax3A_719 = arith.xori %masked_cummax3A_718, %masked_cummax3A_716 : vector<16xi32>
      %max3A_720 = vector.broadcast %select_n3A_712 : i32 to vector<16xi32>
      %max3A_721 = arith.maxsi %masked_cummax3A_719, %max3A_720 : vector<16xi32>
      %add3A_722 = vector.broadcast %mul3A_34 : i32 to vector<16xi32>
      %add3A_723 = arith.addi %max3A_721, %add3A_722 : vector<16xi32>
      %mul3A_724 = arith.constant 16 : i32
      %mul3A_725 = arith.muli %add3A_698, %mul3A_724 : i32
      %swap3A_726 = arith.index_cast %mul3A_725 : i32 to index
      %swap3A_727 = tpu.vector_load %arg6[%swap3A_726] {strides = array<i32>} : memref<4096xi32, #tpu.memory_space<vmem>>, vector<16xi32>,
      tpu.vector_store %arg6[%swap3A_726], %add3A_723 {strides = array<i32>} : memref<4096xi32, #tpu.memory_space<vmem>>, vector<16xi32>,
    }
    %scan3A_416 = arith.constant 15 : i32
    %scan3A_417 = arith.constant 0 : i32
    %scan3A_418 = arith.constant 0 : i32
    %scan3A_419 = arith.constant 64 : i32
    %scan3A_420 = arith.addi %scan3A_418, %scan3A_419 : i32
    %scan3A_421 = arith.constant 1 : i32
    scf.for %scan3A_455 = %scan3A_418 to %scan3A_420 step %scan3A_421  : i32 {
      %ge3A = arith.constant 2 : i32
      %ge3A_456 = arith.cmpi sge, %scan3A_455, %ge3A : i32
      %convert_element_type3A = arith.extui %ge3A_456 : i1 to i32
      %cond3A = arith.constant 0 : i32
      %cond3A_457 = arith.cmpi ne, %convert_element_type3A, %cond3A : i32
      scf.if %cond3A_457 {
        %sub3A_524 = arith.constant 2 : i32
        %sub3A_525 = arith.subi %scan3A_455, %sub3A_524 : i32
        %sub3A_526 = arith.constant 2 : i32
        %sub3A_527 = arith.subi %scan3A_455, %sub3A_526 : i32
        %jit3A_528 = arith.constant 6 : i32
        %eq3A_529 = arith.constant 0 : i32
        %eq3A_530 = arith.cmpi eq, %jit3A_528, %eq3A_529 : i32
        %jit3A_531 = arith.constant 1 : i32
        %select_n3A_532 = arith.select %eq3A_530, %jit3A_531, %jit3A_528 : i32
        %rem3A_533 = arith.remsi %sub3A_527, %select_n3A_532 : i32
        %ne3A_534 = arith.constant 0 : i32
        %ne3A_535 = arith.cmpi ne, %rem3A_533, %ne3A_534 : i32
        %lt3A_536 = arith.constant 0 : i32
        %lt3A_537 = arith.cmpi slt, %rem3A_533, %lt3A_536 : i32
        %lt3A_538 = arith.constant 0 : i32
        %lt3A_539 = arith.cmpi slt, %select_n3A_532, %lt3A_538 : i32
        %ne3A_540 = arith.xori %lt3A_537, %lt3A_539 : i1
        %and3A_541 = arith.andi %ne3A_540, %ne3A_535 : i1
        %add3A_542 = arith.addi %rem3A_533, %select_n3A_532 : i32
        %select_n3A_543 = arith.select %and3A_541, %add3A_542, %rem3A_533 : i32
        %add3A_544 = arith.addi %mul3A_34, %mul3A_32 : i32
        %mul3A_545 = arith.constant 32 : i32
        %mul3A_546 = arith.muli %sub3A_525, %mul3A_545 : i32
        %add3A_547 = arith.addi %add3A_544, %mul3A_546 : i32
        %dma_wait3A_548 = arith.constant 0 : i32
        %dma_wait3A_549 = arith.constant 0 : i32
        %dma_wait3A_550 = tpu.memref_slice %arg8[%select_n3A_543, %dma_wait3A_548, %dma_wait3A_549] : memref<6x32x512xf32, #tpu.memory_space<vmem>> -> memref<1x32x512xf32, #tpu.memory_space<vmem>>
        %dma_wait3A_551 = tpu.memref_squeeze %dma_wait3A_550 : memref<1x32x512xf32, #tpu.memory_space<vmem>> -> memref<32x512xf32, #tpu.memory_space<vmem>>
        %dma_wait3A_552 = arith.constant 0 : i32
        %dma_wait3A_553 = tpu.memref_slice %arg4[%add3A_547, %dma_wait3A_552] : memref<65536x512xf32, #tpu.memory_space<hbm>> -> memref<32x512xf32, #tpu.memory_space<hbm>>
        %dma_wait3A_554 = arith.constant 0 : i32
        %dma_wait3A_555 = tpu.memref_slice %arg4[%add3A_547, %dma_wait3A_554] : memref<65536x512xf32, #tpu.memory_space<hbm>> -> memref<32x512xf32, #tpu.memory_space<hbm>>
        %dma_wait3A_556 = arith.constant 0 : i32
        %dma_wait3A_557 = arith.constant 0 : i32
        %dma_wait3A_558 = tpu.memref_slice %arg8[%select_n3A_543, %dma_wait3A_556, %dma_wait3A_557] : memref<6x32x512xf32, #tpu.memory_space<vmem>> -> memref<1x32x512xf32, #tpu.memory_space<vmem>>
        %dma_wait3A_559 = tpu.memref_squeeze %dma_wait3A_558 : memref<1x32x512xf32, #tpu.memory_space<vmem>> -> memref<32x512xf32, #tpu.memory_space<vmem>>
        tpu.wait_dma2 semaphore(%arg10 : memref<!tpu.dma_semaphore, #tpu.memory_space<semaphore_mem>>) src(%dma_wait3A_559 : memref<32x512xf32, #tpu.memory_space<vmem>>) dst(%dma_wait3A_555 : memref<32x512xf32, #tpu.memory_space<hbm>>)
      } else {
      }
      %add3A_458 = arith.constant 4 : i32
      %add3A_459 = arith.addi %scan3A_455, %add3A_458 : i32
      %lt3A_460 = arith.constant 64 : i32
      %lt3A_461 = arith.cmpi slt, %add3A_459, %lt3A_460 : i32
      %convert_element_type3A_462 = arith.extui %lt3A_461 : i1 to i32
      %cond3A_463 = arith.constant 0 : i32
      %cond3A_464 = arith.cmpi ne, %convert_element_type3A_462, %cond3A_463 : i32
      scf.if %cond3A_464 {
        %add3A_524 = arith.constant 4 : i32
        %add3A_525 = arith.addi %scan3A_455, %add3A_524 : i32
        %add3A_526 = arith.constant 4 : i32
        %add3A_527 = arith.addi %scan3A_455, %add3A_526 : i32
        %jit3A_528 = arith.constant 6 : i32
        %eq3A_529 = arith.constant 0 : i32
        %eq3A_530 = arith.cmpi eq, %jit3A_528, %eq3A_529 : i32
        %jit3A_531 = arith.constant 1 : i32
        %select_n3A_532 = arith.select %eq3A_530, %jit3A_531, %jit3A_528 : i32
        %rem3A_533 = arith.remsi %add3A_527, %select_n3A_532 : i32
        %ne3A_534 = arith.constant 0 : i32
        %ne3A_535 = arith.cmpi ne, %rem3A_533, %ne3A_534 : i32
        %lt3A_536 = arith.constant 0 : i32
        %lt3A_537 = arith.cmpi slt, %rem3A_533, %lt3A_536 : i32
        %lt3A_538 = arith.constant 0 : i32
        %lt3A_539 = arith.cmpi slt, %select_n3A_532, %lt3A_538 : i32
        %ne3A_540 = arith.xori %lt3A_537, %lt3A_539 : i1
        %and3A_541 = arith.andi %ne3A_540, %ne3A_535 : i1
        %add3A_542 = arith.addi %rem3A_533, %select_n3A_532 : i32
        %select_n3A_543 = arith.select %and3A_541, %add3A_542, %rem3A_533 : i32
        %mul3A_544 = arith.constant 32 : i32
        %mul3A_545 = arith.muli %add3A_525, %mul3A_544 : i32
        %add3A_546 = arith.addi %mul3A_32, %mul3A_545 : i32
        %dma_start3A_547 = arith.constant 0 : i32
        %dma_start3A_548 = arith.constant 0 : i32
        %dma_start3A_549 = tpu.memref_slice %arg8[%select_n3A_543, %dma_start3A_547, %dma_start3A_548] : memref<6x32x512xf32, #tpu.memory_space<vmem>> -> memref<1x32x512xf32, #tpu.memory_space<vmem>>
        %dma_start3A_550 = tpu.memref_squeeze %dma_start3A_549 : memref<1x32x512xf32, #tpu.memory_space<vmem>> -> memref<32x512xf32, #tpu.memory_space<vmem>>
        %dma_start3A_551 = tpu.memref_slice %arg6[%add3A_546] : memref<4096xi32, #tpu.memory_space<vmem>> -> memref<32xi32, #tpu.memory_space<vmem>>
        %dma_start3A_552 = arith.constant 0 : i32
        %dma_start3A_553 = arith.constant 0 : i32
        %dma_start3A_554 = tpu.memref_slice %arg2[%dma_start3A_552, %dma_start3A_553] : memref<65536x512xf32, #tpu.memory_space<hbm>> -> memref<65536x512xf32, #tpu.memory_space<hbm>>
        tpu.enqueue_indirect_dma source(%dma_start3A_554 : memref<65536x512xf32, #tpu.memory_space<hbm>>) target(%dma_start3A_550 : memref<32x512xf32, #tpu.memory_space<vmem>>) offsets(%dma_start3A_551 : memref<32xi32, #tpu.memory_space<vmem>>) semaphore(%arg9 : memref<!tpu.dma_semaphore, #tpu.memory_space<semaphore_mem>>)
      } else {
      }
      %jit3A_465 = arith.constant 6 : i32
      %eq3A_466 = arith.constant 0 : i32
      %eq3A_467 = arith.cmpi eq, %jit3A_465, %eq3A_466 : i32
      %jit3A_468 = arith.constant 1 : i32
      %select_n3A_469 = arith.select %eq3A_467, %jit3A_468, %jit3A_465 : i32
      %rem3A_470 = arith.remsi %scan3A_455, %select_n3A_469 : i32
      %ne3A_471 = arith.constant 0 : i32
      %ne3A_472 = arith.cmpi ne, %rem3A_470, %ne3A_471 : i32
      %lt3A_473 = arith.constant 0 : i32
      %lt3A_474 = arith.cmpi slt, %rem3A_470, %lt3A_473 : i32
      %lt3A_475 = arith.constant 0 : i32
      %lt3A_476 = arith.cmpi slt, %select_n3A_469, %lt3A_475 : i32
      %ne3A_477 = arith.xori %lt3A_474, %lt3A_476 : i1
      %and3A_478 = arith.andi %ne3A_477, %ne3A_472 : i1
      %add3A_479 = arith.addi %rem3A_470, %select_n3A_469 : i32
      %select_n3A_480 = arith.select %and3A_478, %add3A_479, %rem3A_470 : i32
      %mul3A_481 = arith.constant 32 : i32
      %mul3A_482 = arith.muli %scan3A_455, %mul3A_481 : i32
      %add3A_483 = arith.addi %mul3A_32, %mul3A_482 : i32
      %dma_wait3A_484 = arith.constant 0 : i32
      %dma_wait3A_485 = arith.constant 0 : i32
      %dma_wait3A_486 = tpu.memref_slice %arg8[%select_n3A_480, %dma_wait3A_484, %dma_wait3A_485] : memref<6x32x512xf32, #tpu.memory_space<vmem>> -> memref<1x32x512xf32, #tpu.memory_space<vmem>>
      %dma_wait3A_487 = tpu.memref_squeeze %dma_wait3A_486 : memref<1x32x512xf32, #tpu.memory_space<vmem>> -> memref<32x512xf32, #tpu.memory_space<vmem>>
      %dma_wait3A_488 = tpu.memref_slice %arg6[%add3A_483] : memref<4096xi32, #tpu.memory_space<vmem>> -> memref<32xi32, #tpu.memory_space<vmem>>
      %dma_wait3A_489 = arith.constant 0 : i32
      %dma_wait3A_490 = arith.constant 0 : i32
      %dma_wait3A_491 = tpu.memref_slice %arg2[%dma_wait3A_489, %dma_wait3A_490] : memref<65536x512xf32, #tpu.memory_space<hbm>> -> memref<65536x512xf32, #tpu.memory_space<hbm>>
      tpu.wait_indirect_dma semaphore(%arg9 : memref<!tpu.dma_semaphore, #tpu.memory_space<semaphore_mem>>) src(%dma_wait3A_491 : memref<65536x512xf32, #tpu.memory_space<hbm>>) dst(%dma_wait3A_487 : memref<32x512xf32, #tpu.memory_space<vmem>>)
      %jit3A_492 = arith.constant 6 : i32
      %eq3A_493 = arith.constant 0 : i32
      %eq3A_494 = arith.cmpi eq, %jit3A_492, %eq3A_493 : i32
      %jit3A_495 = arith.constant 1 : i32
      %select_n3A_496 = arith.select %eq3A_494, %jit3A_495, %jit3A_492 : i32
      %rem3A_497 = arith.remsi %scan3A_455, %select_n3A_496 : i32
      %ne3A_498 = arith.constant 0 : i32
      %ne3A_499 = arith.cmpi ne, %rem3A_497, %ne3A_498 : i32
      %lt3A_500 = arith.constant 0 : i32
      %lt3A_501 = arith.cmpi slt, %rem3A_497, %lt3A_500 : i32
      %lt3A_502 = arith.constant 0 : i32
      %lt3A_503 = arith.cmpi slt, %select_n3A_496, %lt3A_502 : i32
      %ne3A_504 = arith.xori %lt3A_501, %lt3A_503 : i1
      %and3A_505 = arith.andi %ne3A_504, %ne3A_499 : i1
      %add3A_506 = arith.addi %rem3A_497, %select_n3A_496 : i32
      %select_n3A_507 = arith.select %and3A_505, %add3A_506, %rem3A_497 : i32
      %add3A_508 = arith.addi %mul3A_34, %mul3A_32 : i32
      %mul3A_509 = arith.constant 32 : i32
      %mul3A_510 = arith.muli %scan3A_455, %mul3A_509 : i32
      %add3A_511 = arith.addi %add3A_508, %mul3A_510 : i32
      %dma_start3A_512 = arith.constant 0 : i32
      %dma_start3A_513 = arith.constant 0 : i32
      %dma_start3A_514 = tpu.memref_slice %arg8[%select_n3A_507, %dma_start3A_512, %dma_start3A_513] : memref<6x32x512xf32, #tpu.memory_space<vmem>> -> memref<1x32x512xf32, #tpu.memory_space<vmem>>
      %dma_start3A_515 = tpu.memref_squeeze %dma_start3A_514 : memref<1x32x512xf32, #tpu.memory_space<vmem>> -> memref<32x512xf32, #tpu.memory_space<vmem>>
      %dma_start3A_516 = arith.constant 0 : i32
      %dma_start3A_517 = tpu.memref_slice %arg4[%add3A_511, %dma_start3A_516] : memref<65536x512xf32, #tpu.memory_space<hbm>> -> memref<32x512xf32, #tpu.memory_space<hbm>>
      %dma_start3A_518 = arith.constant 0 : i32
      %dma_start3A_519 = tpu.memref_slice %arg4[%add3A_511, %dma_start3A_518] : memref<65536x512xf32, #tpu.memory_space<hbm>> -> memref<32x512xf32, #tpu.memory_space<hbm>>
      %dma_start3A_520 = arith.constant 0 : i32
      %dma_start3A_521 = arith.constant 0 : i32
      %dma_start3A_522 = tpu.memref_slice %arg8[%select_n3A_507, %dma_start3A_520, %dma_start3A_521] : memref<6x32x512xf32, #tpu.memory_space<vmem>> -> memref<1x32x512xf32, #tpu.memory_space<vmem>>
      %dma_start3A_523 = tpu.memref_squeeze %dma_start3A_522 : memref<1x32x512xf32, #tpu.memory_space<vmem>> -> memref<32x512xf32, #tpu.memory_space<vmem>>
      tpu.enqueue_dma source(%dma_start3A_523 : memref<32x512xf32, #tpu.memory_space<vmem>>) target(%dma_start3A_519 : memref<32x512xf32, #tpu.memory_space<hbm>>) target_semaphore(%arg10 : memref<!tpu.dma_semaphore, #tpu.memory_space<semaphore_mem>>)
    }
    %scan3A_422 = arith.constant 64 : i32
    %add3A_423 = arith.addi %mul3A_34, %mul3A_32 : i32
    %add3A_424 = arith.constant 1984 : i32
    %add3A_425 = arith.addi %add3A_423, %add3A_424 : i32
    %dma_wait3A_426 = arith.constant 2 : i32
    %dma_wait3A_427 = arith.constant 0 : i32
    %dma_wait3A_428 = arith.constant 0 : i32
    %dma_wait3A_429 = tpu.memref_slice %arg8[%dma_wait3A_426, %dma_wait3A_427, %dma_wait3A_428] : memref<6x32x512xf32, #tpu.memory_space<vmem>> -> memref<1x32x512xf32, #tpu.memory_space<vmem>>
    %dma_wait3A_430 = tpu.memref_squeeze %dma_wait3A_429 : memref<1x32x512xf32, #tpu.memory_space<vmem>> -> memref<32x512xf32, #tpu.memory_space<vmem>>
    %dma_wait3A_431 = arith.constant 0 : i32
    %dma_wait3A_432 = tpu.memref_slice %arg4[%add3A_425, %dma_wait3A_431] : memref<65536x512xf32, #tpu.memory_space<hbm>> -> memref<32x512xf32, #tpu.memory_space<hbm>>
    %dma_wait3A_433 = arith.constant 0 : i32
    %dma_wait3A_434 = tpu.memref_slice %arg4[%add3A_425, %dma_wait3A_433] : memref<65536x512xf32, #tpu.memory_space<hbm>> -> memref<32x512xf32, #tpu.memory_space<hbm>>
    %dma_wait3A_435 = arith.constant 0 : i32
    %dma_wait3A_436 = arith.constant 0 : i32
    %dma_wait3A_437 = tpu.memref_slice %arg8[%dma_wait3A_426, %dma_wait3A_435, %dma_wait3A_436] : memref<6x32x512xf32, #tpu.memory_space<vmem>> -> memref<1x32x512xf32, #tpu.memory_space<vmem>>
    %dma_wait3A_438 = tpu.memref_squeeze %dma_wait3A_437 : memref<1x32x512xf32, #tpu.memory_space<vmem>> -> memref<32x512xf32, #tpu.memory_space<vmem>>
    tpu.wait_dma2 semaphore(%arg10 : memref<!tpu.dma_semaphore, #tpu.memory_space<semaphore_mem>>) src(%dma_wait3A_438 : memref<32x512xf32, #tpu.memory_space<vmem>>) dst(%dma_wait3A_434 : memref<32x512xf32, #tpu.memory_space<hbm>>)
    %add3A_439 = arith.addi %mul3A_34, %mul3A_32 : i32
    %add3A_440 = arith.constant 2016 : i32
    %add3A_441 = arith.addi %add3A_439, %add3A_440 : i32
    %dma_wait3A_442 = arith.constant 3 : i32
    %dma_wait3A_443 = arith.constant 0 : i32
    %dma_wait3A_444 = arith.constant 0 : i32
    %dma_wait3A_445 = tpu.memref_slice %arg8[%dma_wait3A_442, %dma_wait3A_443, %dma_wait3A_444] : memref<6x32x512xf32, #tpu.memory_space<vmem>> -> memref<1x32x512xf32, #tpu.memory_space<vmem>>
    %dma_wait3A_446 = tpu.memref_squeeze %dma_wait3A_445 : memref<1x32x512xf32, #tpu.memory_space<vmem>> -> memref<32x512xf32, #tpu.memory_space<vmem>>
    %dma_wait3A_447 = arith.constant 0 : i32
    %dma_wait3A_448 = tpu.memref_slice %arg4[%add3A_441, %dma_wait3A_447] : memref<65536x512xf32, #tpu.memory_space<hbm>> -> memref<32x512xf32, #tpu.memory_space<hbm>>
    %dma_wait3A_449 = arith.constant 0 : i32
    %dma_wait3A_450 = tpu.memref_slice %arg4[%add3A_441, %dma_wait3A_449] : memref<65536x512xf32, #tpu.memory_space<hbm>> -> memref<32x512xf32, #tpu.memory_space<hbm>>
    %dma_wait3A_451 = arith.constant 0 : i32
    %dma_wait3A_452 = arith.constant 0 : i32
    %dma_wait3A_453 = tpu.memref_slice %arg8[%dma_wait3A_442, %dma_wait3A_451, %dma_wait3A_452] : memref<6x32x512xf32, #tpu.memory_space<vmem>> -> memref<1x32x512xf32, #tpu.memory_space<vmem>>
    %dma_wait3A_454 = tpu.memref_squeeze %dma_wait3A_453 : memref<1x32x512xf32, #tpu.memory_space<vmem>> -> memref<32x512xf32, #tpu.memory_space<vmem>>
    tpu.wait_dma2 semaphore(%arg10 : memref<!tpu.dma_semaphore, #tpu.memory_space<semaphore_mem>>) src(%dma_wait3A_454 : memref<32x512xf32, #tpu.memory_space<vmem>>) dst(%dma_wait3A_450 : memref<32x512xf32, #tpu.memory_space<hbm>>)
    return
  }
}

</mosaic_0001>

<sc_bundles>
// kernel: _length_regulate.3.cloned.1.call-start
scs
__scs_entry_jumppad:
0x0: {  	(pc) =	sbr.rel $0x88, $3  }
0x1: {  	(tag) =	ssettag $0x0;
	lr =	simm.s32 $0x1  }
0x2: {  	[smem:$0x3F9F] =	sst lr;
	_ =	strace $0xD0000000  }
0x3: {  	_ = 	snop  }
0x4: {  	_ = 	snop  }
0x5: {  	_ = 	snop  }
0x6: {  	_ = 	snop  }
0x7: {  	_ = 	snop  }
__scs_overlays_trampoline_lowered:
0x8: {  	[smem:$0x3FAE] =	sst s0  }
0x9: {  	[smem:$0x3FAF] =	sst s1  }
0xa: {  	[smem:$0x3FB0] =	sst s2  }
0xb: {  	[smem:$0x3FB1] =	sst s3  }
0xc: {  	[smem:$0x3FB2] =	sst s4  }
0xd: {  	[smem:$0x3FB3] =	sst s5  }
0xe: {  	[smem:$0x3FB4] =	sst s6  }
0xf: {  	[smem:$0x3FB5] =	sst s7  }
0x10: {  	[smem:$0x3FB6] =	sst s8  }
0x11: {  	[smem:$0x3FB7] =	sst s9;
	s0 =	simm.s32 @!p0 $0x0  }
0x12: {  	s1 =	sld [smem:$0x3F9D];
	s0 =	simm.s32 @p0 $0x1  }
0x13: {  	[smem:$0x3FB8] =	sst s0;
	s0 =	simm.s32 @!p1 $0x0  }
0x14: {  	s2 =	sld [smem:$0x3F9C];
	s0 =	simm.s32 @p1 $0x1  }
0x15: {  	[smem:$0x3FB9] =	sst s0;
	s0 =	simm.s32 @!p2 $0x0  }
0x16: {  	s3 =	sld [smem:$0x3FDB];
	s0 =	simm.s32 @p2 $0x1  }
0x17: {  	s4 =	simm.s32 $0x1BF5;
	[smem:$0x3FBB] =	sst s0  }
0x18: {  	s0 =	sld [smem:$0x3F9E];
	_ =	swait.ge [sflag:s4], $0x0  }
0x19: {  	s7 =	sld [smem:$0x3F9F]  }
0x1a: {  	s8 =	sadd.s32 $0xFFFFE003, lr  }
0x1b: {  	s9 =	sadd.s32 $0xFFFFFEF7, lr;
	s5 =	simm.s32 $0xFFFFFFFF;
	p2 =	slt.u32 s8, $0xFFFFF086  }
0x1c: {  	p1 =	slt.u32 s9, $0xF7A;
	s5 =	simm.s32 @!p2 $0x0  }
0x1d: {  	s5 =	simm.s32 @p1 $0x1;
	p0 =	seq.s32 s7, s2  }
0x1e: {  	s7 =	smul.u32 @!p0 $0xF7A, s2;
	p2 =	seq.s32 @!p0 s5, $0x0  }
0x1f: {  	s9 =	smul.u32 $0xF7A, s1;
	s8 =	simm.s32 @!p0 $0x1BF5;
	p2 =	por !p2, p0  }
0x20: {  	[sflag:s8] =	ssyncset.s32 @!p0 $0xFFFFF086;
	s6 =	sadd.s32 @!p0 s3, s7;
	s7 =	simm.s32 @!p0 $0x108  }
0x21: {  	s3 =	sadd.s32 s3, s9;
	s6 =	sadd.s32 @!p0 $0x88, s6;
	s7 =	simm.s32 @p2 $0x1082  }
0x22: {  	[simem:s7], [sflag:s8] =	dma.local @!p0 [hbm:s6], $0xF7A  }
0x23: {  	s9 =	sor.u32 $0xD0000000, s2;
	s6 =	simm.s32 $0x108;
	_ =	swait.ge @!p0 [sflag:s8], $0x0  }
0x24: {  	s3 =	sadd.s32 $0x88, s3;
	s6 =	simm.s32 @!p1 $0x1082;
	[sflag:s4] =	ssyncset.s32 $0xFFFFF086  }
0x25: {  	[simem:s6], [sflag:s4] =	dma.local [hbm:s3], $0xF7A  }
0x26: {  	[smem:$0x3F9F] =	sst s1;
	(tag) =	ssettag s2;
	_ =	strace s9  }
0x27: {  	s1 =	sld [smem:$0x3FAF]  }
0x28: {  	s2 =	sld [smem:$0x3FB0]  }
0x29: {  	s4 =	sld [smem:$0x3FB2]  }
0x2a: {  	p0 =	seq.s32 s5, $0x0;
	s5 =	sld [smem:$0x3FB3]  }
0x2b: {  	s6 =	sld [smem:$0x3FB4]  }
0x2c: {  	s7 =	sld [smem:$0x3FB5]  }
0x2d: {  	s3 =	simm.s32 $0x108;
	s8 =	sld [smem:$0x3FB6]  }
0x2e: {  	s3 =	simm.s32 @!p0 $0x1082;
	s9 =	sld [smem:$0x3FB7]  }
0x2f: {  	lr =	sadd.s32 s0, s3;
	s0 =	sld [smem:$0x3FAE]  }
0x30: {  	s3 =	sld [smem:$0x3FB1]  }
0x31: {  	[smem:$0x3FBA] =	sst s10  }
0x32: {  	s10 =	sld [smem:$0x3FB8];
	_ =	sdelay $0x3  }
0x33: {  	p0 =	seq.s32 s10, $0x1;
	s10 =	sld [smem:$0x3FBA];
	_ =	sdelay $0x3  }
0x34: {  	[smem:$0x3FBA] =	sst s10  }
0x35: {  	s10 =	sld [smem:$0x3FB9];
	_ =	sdelay $0x3  }
0x36: {  	p1 =	seq.s32 s10, $0x1;
	s10 =	sld [smem:$0x3FBA];
	_ =	sdelay $0x3  }
0x37: {  	[smem:$0x3FBA] =	sst s10  }
0x38: {  	s10 =	sld [smem:$0x3FBB]  }
0x39: {  	_ = 	snop;
	(pc) =	sbr.ind lr, $3  }
0x3a: {  	_ = 	snop  }
0x3b: {  	_ = 	snop  }
0x3c: {  	p2 =	seq.s32 s10, $0x1;
	s10 =	sld [smem:$0x3FBA]  }
0x3d: {  	_ =	shalt  }
0x3e: {  	_ =	shalt  }
0x3f: {  	_ =	shalt  }
0x40: {  	_ =	shalt  }
0x41: {  	_ =	shalt  }
0x42: {  	_ =	shalt  }
0x43: {  	_ =	shalt  }
0x44: {  	_ =	shalt  }
0x45: {  	_ =	shalt  }
0x46: {  	_ =	shalt  }
0x47: {  	_ =	shalt  }
0x48: {  	_ =	shalt  }
0x49: {  	_ =	shalt  }
0x4a: {  	_ =	shalt  }
0x4b: {  	_ =	shalt  }
0x4c: {  	_ =	shalt  }
0x4d: {  	_ =	shalt  }
0x4e: {  	_ =	shalt  }
0x4f: {  	_ =	shalt  }
0x50: {  	_ =	shalt  }
0x51: {  	_ =	shalt  }
0x52: {  	_ =	shalt  }
0x53: {  	_ =	shalt  }
0x54: {  	_ =	shalt  }
0x55: {  	_ =	shalt  }
0x56: {  	_ =	shalt  }
0x57: {  	_ =	shalt  }
0x58: {  	_ =	shalt  }
0x59: {  	_ =	shalt  }
0x5a: {  	_ =	shalt  }
0x5b: {  	_ =	shalt  }
0x5c: {  	_ =	shalt  }
0x5d: {  	_ =	shalt  }
0x5e: {  	_ =	shalt  }
0x5f: {  	_ =	shalt  }
0x60: {  	_ =	shalt  }
0x61: {  	_ =	shalt  }
0x62: {  	_ =	shalt  }
0x63: {  	_ =	shalt  }
0x64: {  	_ =	shalt  }
0x65: {  	_ =	shalt  }
0x66: {  	_ =	shalt  }
0x67: {  	_ =	shalt  }
0x68: {  	_ =	shalt  }
0x69: {  	_ =	shalt  }
0x6a: {  	_ =	shalt  }
0x6b: {  	_ =	shalt  }
0x6c: {  	_ =	shalt  }
0x6d: {  	_ =	shalt  }
0x6e: {  	_ =	shalt  }
0x6f: {  	_ =	shalt  }
0x70: {  	_ =	shalt  }
0x71: {  	_ =	shalt  }
0x72: {  	_ =	shalt  }
0x73: {  	_ =	shalt  }
0x74: {  	_ =	shalt  }
0x75: {  	_ =	shalt  }
0x76: {  	_ =	shalt  }
0x77: {  	_ =	shalt  }
0x78: {  	_ =	shalt  }
0x79: {  	_ =	shalt  }
0x7a: {  	_ =	shalt  }
0x7b: {  	_ =	shalt  }
0x7c: {  	_ =	shalt  }
0x7d: {  	_ =	shalt  }
0x7e: {  	_ =	shalt  }
0x7f: {  	_ =	shalt  }
0x80: {  	_ =	shalt  }
0x81: {  	_ =	shalt  }
0x82: {  	_ =	shalt  }
0x83: {  	_ =	shalt  }
0x84: {  	_ =	shalt  }
0x85: {  	_ =	shalt  }
0x86: {  	_ =	shalt  }
0x87: {  	_ =	shalt  }
.Lfunc_end0:
.L_simem_size_0:
called_computation_lowered:
.L_overlay_start_0:
0x88: {  	s2 =	sld [smem:$0x3FD9]  }
0x89: {  	s3 =	sld [smem:$0x3FFE];
	_ =	sdelay $0x1  }
0x8a: {  	s1 =	srdreg.scid  }
0x8b: {  	s0 =	sand.u32 $0x1, s1  }
0x8c: {  	s18 =	sshll.u32 s0, $0xA;
	s2 =	sadd.s32 s3, s2  }
0x8d: {  	s2 =	sadd.s32 s2, s18  }
0x8e: {  	[smem:$0x3FC6] =	sst s2  }
0x8f: {  	_ = 	snop  }
0x90: {  	s2 =	sld [smem:$0x3FC9]  }
0x91: {  	s19 =	sld [smem:$0x3FC8]  }
0x92: {  	s4 =	sld [smem:$0x3FD0];
	(tm) =	ssettm $0x1  }
0x93: {  	s5 =	sld [smem:$0x3FFB];
	_ =	sdelay $0x3  }
0x94: {  	_ =	strace s5  }
0x95: {  	s5 =	sld [smem:$0x3FFC];
	_ =	sdelay $0x3  }
0x96: {  	_ =	strace s5  }
0x97: {  	s5 =	sld [smem:$0x3FFD];
	_ =	sdelay $0x3  }
0x98: {  	_ =	strace s5  }
0x99: {  	_ =	strace $0x8FFFFFFF  }
0x9a: {  	s20 =	sld [smem:$0x3FDB];
	_ =	sdelay $0x1  }
0x9b: {  	s6 =	simm.s32 $_scs_section_size  }
0x9c: {  	s7 =	simm.s32 $_size__tile_overlayer_lowered;
	s8 =	simm.s32 $_tile_overlayer_lowered  }
0x9d: {  	s23 =	simm.s32 $0x1BFF;
	s22 =	sshll.u32 s8, $0x1;
	s5 =	sadd.s32 s6, s20  }
0x9e: {  	s9 =	simm.s32 $0x0;
	s21 =	sshll.u32 s7, $0x1;
	s7 =	sadd.s32 s22, s5  }
0x9f: {  	[timem:s9], [sflag:s23] =	dma.local [hbm:s7], s21  }
0xa0: {  	_ =	swait.ge [sflag:s23], s21  }
0xa1: {  	s6 =	ssub.s32 $0x0, s21;
	[sflag:s23] =	ssyncset.done $0x0  }
0xa2: {  	[sflag:s23] =	ssyncadd.s32 s6;
	_ =	sdelay $0x1  }
0xa3: {  	s24 =	simm.s32 $0x1B8B  }
0xa4: {  	_ =	swait.ge [sflag:s24], $0x1  }
0xa5: {  	[sflag:s24] =	ssyncset.done $0x0  }
0xa6: {  	s25 =	simm.s32 $0x1B8E;
	[sflag:s24] =	ssyncadd.s32 $0xFFFFFFFF  }
0xa7: {  	s26 =	simm.s32 $execute0_lowered;
	[smem:$0x3FD2] =	sst s25  }
0xa8: {  	s6 =	sshll.u32 s26, $0x1;
	_ =	strace $0x80000046;
	[dreg:$0x1] =	wrdreg $0xFFFFFFFF  }
0xa9: {  	s28 =	simm.s32 $_size_execute0_lowered;
	s5 =	sadd.s32 s5, s6;
	[dreg:$0x0] =	wrdreg $0x0  }
0xaa: {  	s6 =	sshll.u32 s28, $0x1;
	[dreg:$0x2] =	wrdreg s5  }
0xab: {  	[dreg:$0x3] =	wrdreg s6  }
0xac: {  	[dreg:$0x4] =	wrdreg $0xC0  }
0xad: {  	_ =	task [dreg:s9], $0x5FFFF  }
0xae: {  	[dreg:$0x1] =	wrdreg $0xFFFFFFFF  }
0xaf: {  	[dreg:$0x0] =	wrdreg $0x60  }
0xb0: {  	[dreg:$0x2] =	wrdreg s2  }
0xb1: {  	[dreg:$0x3] =	wrdreg s19  }
0xb2: {  	[dreg:$0x4] =	wrdreg s4  }
0xb3: {  	[dreg:$0x5] =	wrdreg $0x9  }
0xb4: {  	_ =	task.clear_ibuf [dreg:s9], $0x6FFFF;
	_ =	strace $0x90000046  }
0xb5: {  	s29 =	simm.s32 $0x9;
	_ =	strace $0x80000048  }
0xb6: {  	_ =	swait.ge [sflag:s29], $0x1  }
0xb7: {  	[sflag:s29] =	ssyncadd.s32 $0xFFFFFFFF  }
0xb8: {  	_ =	strace $0x90000048  }
0xb9: {  	_ =	sfence  }
0xba: {  	s30 =	sld [smem:$0x0];
	_ =	sdelay $0x2  }
0xbb: {  	s31 =	sshll.u32 s1, $0xD;
	s1 =	sshrl.u32 s1, $0x2  }
0xbc: {  	s3 =	sand.u32 $0x4000, s31;
	s1 =	sadd.s32 s1, s30  }
0xbd: {  	s0 =	sor.u32 s3, s0;
	s1 =	sshll.u32 s1, $0x11  }
0xbe: {  	s0 =	sor.u32 s1, s0  }
0xbf: {  	s0 =	sadd.s32 $0x8F2B, s0  }
0xc0: {  	[sflag:s0] =	ssyncadd.remote.s32 $0x1  }
0xc1: {  	_ =	sfence.sel $0xFFFF  }
0xc2: {  	[dreg:$0x0] =	wrdreg $0xFFFFFFFF;
	(pc) =	sbr.abs _section_cstart, $3  }
0xc3: {  	[dreg:$0x1] =	wrdreg $0xFFFFFFFF  }
0xc4: {  	_ =	task.clear_ibuf [dreg:s9], $0x2FFFF;
	_ =	strace $0x9FFFFFFF  }
0xc5: {  	(tm) =	ssettm $0x7FFFFFFF  }
tec
execute0_lowered:
.L_overlay_start_1:
0x0: {  	(tag) =	ssettag $0x1  }
0x1: {  	s0 =	srdreg.scid;
	s1 =	rddreg [dreg:$0x0]  }
0x2: {  	s6 =	stileid.u32;
	s23 =	rddreg [dreg:$0x1]  }
0x3: {  	s12 =	rddreg [dreg:$0x2];
	s4 =	simm.s32 $0x1;
	s3 =	simm.s32 $0x0  }
0x4: {  	s15 =	simm.s32 $0x1000;
	s28 =	simm.s32 $0x10000;
	s29 =	simm.s32 $0x10800  }
0x5: {  	s30 =	simm.s32 $0x11000;
	s31 =	simm.s32 $0x11800;
	s0 =	sand.u32 $0x1, s0  }
0x6: {  	[smem:$0x7FF] =	sst s3;
	s9 =	sadd.s32 $0x100, s1;
	s2 =	sor.u32 s0, s6  }
0x7: {  	p1 =	seq.s32 s0, $0x1;
	s5 =	ssub.s32 $0x2, s0;
	_ =	strace $0x80000047  }
0x8: {  	s7 =	sshll.u32 s0, $0x7;
	p0 =	seq.s32 s2, $0x0;
	s24 =	sshrl.u32 s5, $0x1  }
0x9: {  	s11 =	sshll.u32 s0, $0x14;
	p0 =	por !p0, !p1;
	s10 =	ssub.s32 s5, s24  }
0xa: {  	s5 =	sshll.u32 s0, $0xB;
	p0 =	por !p0, !p0;
	s10 =	smax.u32 s10, $0x1  }
0xb: {  	s18 =	sor.u32 $0x10F0, s5;
	s14 =	sor.u32 $0x1090, s5;
	s4 =	simm.s32 @!p0 $0x0  }
0xc: {  	p0 =	seq.s32 s0, $0x0;
	s0 =	simm.s32 $0x0;
	s8 =	ssub.s32 s6, s4  }
0xd: {  	v0 =	vlaneseq.u32;
	s4 =	simm.s32 $0x1;
	s16 =	sshll.u32 s8, $0xC;
	s26 =	sshll.u32 s8, $0x15  }
0xe: {  	v2 =	vimm.s32 $0xFFFFFFFF;
	vm0 =	vmmov $0xffff;
	v3 =	vmul.u32 $0xFFFFFFFF, v0;
	s8 =	smax.u32 s7, $0x1;
	s25 =	sshrl.u32 s16, $0x3;
	s2 =	sor.u32 s11, s26  }
0xf: {  	v5 =	vshrl.u32 v0, $0x3;
	v4 =	vand.u32 $0x7, v0;
	v6 =	vor.u32 $0x8, v0;
	s11 =	sor.u32 $0xE, s7;
	s26 =	simm.s32 $0xF800;
	s2 =	sshrl.u32 s2, $0x3  }
0x10: {  	v5 =	vmul.u32 $0x8, v5;
	v3 =	vadd.s32 $0xFFF, v3;
	v1 =	vmov s16;
	s6 =	sadd.s32 s23, s25;
	s13 =	sadd.s32 s2, s12;
	s2 =	simm.s32 $0x2  }
.LBB2_1:
0x11: {  	[tilespmem:s3], [sflag:$0x1] =	stream.linear.gather [hbm4b:s6+s3], $0x1000, $0x38;
	[tilespmem:$0x1A000] =	vst v63  }
0x12: {  	s12 =	simm.s32 $0x0;
	s16 =	simm.s32 $0x200  }
.LBB2_2:
0x13: {  	p1 =	sne.s32 s16, $0x3E00;
	[tilespmem:s12+$0x1070] =	vst v2  }
0x14: {  	[tilespmem:s12+$0x1000] =	vst v2  }
0x15: {  	[tilespmem:s12+$0x1010] =	vst v2  }
.Ltmp0:
0x16: {  	[tilespmem:s12+$0x1020] =	vst v2;
	(pc) =	sbr.rel @p1 .LBB2_2-.Ltmp0, $4  }
0x17: {  	[tilespmem:s12+$0x1030] =	vst v2  }
0x18: {  	[tilespmem:s12+$0x1040] =	vst v2  }
0x19: {  	[tilespmem:s12+$0x1050] =	vst v2  }
0x1a: {  	[tilespmem:s12+$0x1060] =	vst v2;
	s12 =	sshra.s32 s16, $0x2;
	s16 =	sadd.s32 $0x200, s16  }
0x1b: {  	[tilespmem:s12+$0x1070] =	vst v2  }
0x1c: {  	[tilespmem:s12+$0x1000] =	vst v2  }
0x1d: {  	[tilespmem:s12+$0x1010] =	vst v2  }
0x1e: {  	[tilespmem:s12+$0x1020] =	vst v2  }
0x1f: {  	[tilespmem:s12+$0x1030] =	vst v2  }
0x20: {  	[tilespmem:s12+$0x1040] =	vst v2  }
0x21: {  	[tilespmem:s12+$0x1050] =	vst v2  }
0x22: {  	[tilespmem:s12+$0x1060] =	vst v2  }
0x23: {  	_ =	swait.ge [sflag:s4], $0x1000  }
0x24: {  	[sflag:s4] =	ssyncset.done $0x0  }
0x25: {  	s16 =	simm.s32 $0x0;
	[sflag:s4] =	ssyncadd.s32 $0xFFFFF000  }
0x26: {  	v7 =	vld [tilespmem:s16+$0x0];
	_ =	sdelay $0x1  }
0x27: {  	v8 =	vld [tilespmem:s16+$0x10]  }
0x28: {  	v9 =	vld [tilespmem:s16+$0x20]  }
0x29: {  	v10 =	vld [tilespmem:s16+$0x30]  }
0x2a: {  	v11 =	vld [tilespmem:s16+$0x40];
	(xrf0) =	vadd.scan.msk.s32 $0xffff, v7  }
0x2b: {  	v12 =	vld [tilespmem:s16+$0x50]  }
0x2c: {  	v7 =	vld [tilespmem:s16+$0x60];
	(xrf0) =	vadd.scan.msk.s32 $0xffff, v8  }
0x2d: {  	s22 =	simm.s32 $0x80;
	v8 =	vld [tilespmem:s16+$0x70];
	(xrf0) =	vadd.scan.msk.s32 $0xffff, v9  }
0x2e: {  	v9 =	vld [tilespmem:s22+$0x0];
	(xrf0) =	vadd.scan.msk.s32 $0xffff, v10  }
0x2f: {  	v10 =	vld [tilespmem:s22+$0x10];
	(xrf0) =	vadd.scan.msk.s32 $0xffff, v11  }
0x30: {  	v11 =	vld [tilespmem:s22+$0x20];
	(xrf0) =	vadd.scan.msk.s32 $0xffff, v12;
	v12, _, _ =	vpop (xrf0)  }
0x31: {  	(xrf0) =	vadd.scan.msk.s32 $0xffff, v7;
	v7 =	vld [tilespmem:s22+$0x30];
	(v2sf) =	vpush v12, $0xF  }
0x32: {  	v12, _, _ =	vpop (xrf0);
	(xrf0) =	vadd.scan.msk.s32 $0xffff, v8;
	v8 =	vld [tilespmem:s22+$0x40]  }
0x33: {  	v13 =	vld [tilespmem:s22+$0x50];
	(v2sf) =	vpush v12, $0xF;
	v12, _, _ =	vpop (xrf0);
	(xrf0) =	vadd.scan.msk.s32 $0xffff, v9  }
0x34: {  	(v2sf) =	vpush v12, $0xF;
	v9, _, _ =	vpop (xrf0);
	v12 =	vld [tilespmem:s22+$0x60];
	(xrf0) =	vadd.scan.msk.s32 $0xffff, v10  }
0x35: {  	v10 =	vld [tilespmem:s22+$0x70];
	(v2sf) =	vpush v9, $0xF;
	v9, _, _ =	vpop (xrf0);
	(xrf0) =	vadd.scan.msk.s32 $0xffff, v11  }
0x36: {  	s23 =	simm.s32 $0x100;
	(v2sf) =	vpush v9, $0xF;
	v9, _, _ =	vpop (xrf0);
	(xrf0) =	vadd.scan.msk.s32 $0xffff, v7  }
0x37: {  	(v2sf) =	vpush v9, $0xF;
	v7, _, _ =	vpop (xrf0);
	v9 =	vld [tilespmem:s23+$0x0];
	(xrf0) =	vadd.scan.msk.s32 $0xffff, v8  }
0x38: {  	v8 =	vld [tilespmem:s23+$0x10];
	(v2sf) =	vpush v7, $0xF;
	v7, _, _ =	vpop (xrf0);
	(xrf0) =	vadd.scan.msk.s32 $0xffff, v13  }
0x39: {  	(v2sf) =	vpush v7, $0xF;
	v7 =	vld [tilespmem:s23+$0x20];
	v11, _, _ =	vpop (xrf0);
	(xrf0) =	vadd.scan.msk.s32 $0xffff, v12  }
0x3a: {  	v12 =	vld [tilespmem:s23+$0x30];
	(v2sf) =	vpush v11, $0xF;
	v11, _, _ =	vpop (xrf0);
	(xrf0) =	vadd.scan.msk.s32 $0xffff, v10  }
0x3b: {  	v10 =	vld [tilespmem:s23+$0x40];
	(v2sf) =	vpush v11, $0xF;
	v11, _, _ =	vpop (xrf0)  }
0x3c: {  	v13 =	vld [tilespmem:s23+$0x50];
	(xrf0) =	vadd.scan.msk.s32 $0xffff, v9;
	(v2sf) =	vpush v11, $0xF;
	v9, _, _ =	vpop (xrf0)  }
0x3d: {  	(xrf0) =	vadd.scan.msk.s32 $0xffff, v8;
	(v2sf) =	vpush v9, $0xF;
	v8, _, _ =	vpop (xrf0)  }
0x3e: {  	s24 =	simm.s32 $0x180;
	v9 =	vld [tilespmem:s23+$0x60];
	(xrf0) =	vadd.scan.msk.s32 $0xffff, v7;
	(v2sf) =	vpush v8, $0xF;
	v7, _, _ =	vpop (xrf0)  }
0x3f: {  	v14 =	vld [tilespmem:s24+$0x10];
	(xrf0) =	vadd.scan.msk.s32 $0xffff, v12;
	(v2sf) =	vpush v7, $0xF;
	v7, _, _ =	vpop (xrf0)  }
0x40: {  	v11 =	vld [tilespmem:s23+$0x70];
	(xrf0) =	vadd.scan.msk.s32 $0xffff, v10;
	(v2sf) =	vpush v7, $0xF;
	v7, _, _ =	vpop (xrf0);
	s17 =	spop (v2sf)  }
0x41: {  	v12 =	vld [tilespmem:s24+$0x0];
	(xrf0) =	vadd.scan.msk.s32 $0xffff, v13;
	(v2sf) =	vpush v7, $0xF;
	[smem:$0x0] =	sst s17  }
0x42: {  	s17 =	spop (v2sf)  }
0x43: {  	v13 =	vld [tilespmem:s24+$0x20];
	v7, _, _ =	vpop (xrf0);
	(xrf0) =	vadd.scan.msk.s32 $0xffff, v9;
	[smem:$0x1] =	sst s17  }
0x44: {  	s17 =	spop (v2sf)  }
0x45: {  	v8 =	vld [tilespmem:s24+$0x30];
	(v2sf) =	vpush v7, $0xF;
	v9, _, _ =	vpop (xrf0);
	(xrf0) =	vadd.scan.msk.s32 $0xffff, v11;
	[smem:$0x2] =	sst s17  }
0x46: {  	s17 =	spop (v2sf)  }
0x47: {  	v7 =	vld [tilespmem:s24+$0x40];
	(v2sf) =	vpush v9, $0xF;
	v10, _, _ =	vpop (xrf0);
	[smem:$0x3] =	sst s17  }
0x48: {  	s19 =	simm.s32 $0x4;
	s17 =	spop (v2sf)  }
0x49: {  	v9 =	vld [tilespmem:s24+$0x50];
	(xrf0) =	vadd.scan.msk.s32 $0xffff, v12;
	(v2sf) =	vpush v10, $0xF;
	v11, _, _ =	vpop (xrf0);
	[smem:s19] =	sst s17;
	s25 =	spop (v2sf)  }
0x4a: {  	v10 =	vld [tilespmem:s24+$0x60];
	(xrf0) =	vadd.scan.msk.s32 $0xffff, v14;
	(v2sf) =	vpush v11, $0xF;
	v12, _, _ =	vpop (xrf0);
	[smem:$0x5] =	sst s25  }
0x4b: {  	(v2sf) =	vpush v12, $0xF;
	_ =	sdelay $0x1  }
0x4c: {  	s21 =	spop (v2sf)  }
0x4d: {  	s20 =	simm.s32 $0x800;
	s12 =	simm.s32 $0xC;
	v11 =	vld [tilespmem:s24+$0x70];
	(xrf0) =	vadd.scan.msk.s32 $0xffff, v13;
	v12, _, _ =	vpop (xrf0);
	[smem:$0x6] =	sst s21  }
0x4e: {  	s22 =	simm.s32 $0xA00;
	s17 =	simm.s32 $0x0;
	s21 =	spop (v2sf)  }
.LBB2_4:
0x4f: {  	s23 =	sshra.s32 s20, $0x2;
	[smem:s19+$0x3] =	sst s21  }
0x50: {  	(xrf0) =	vadd.scan.msk.s32 $0xffff, v8;
	(v2sf) =	vpush v12, $0xF;
	v8, _, _ =	vpop (xrf0);
	s20 =	smov.u32 s22;
	s24 =	sadd.s32 $0x200, s22;
	s19 =	smov.u32 s12  }
0x51: {  	p1 =	sne.s32 s22, $0x3E00;
	v12 =	vld [tilespmem:s23+$0x0];
	(xrf0) =	vadd.scan.msk.s32 $0xffff, v7;
	(v2sf) =	vpush v8, $0xF;
	v7, _, _ =	vpop (xrf0);
	s21 =	spop (v2sf)  }
0x52: {  	v13 =	vld [tilespmem:s23+$0x10];
	(xrf0) =	vadd.scan.msk.s32 $0xffff, v9;
	(v2sf) =	vpush v7, $0xF;
	[smem:s12+$0xFFFFFFFC] =	sst s21;
	s21 =	spop (v2sf)  }
0x53: {  	v14 =	vld [tilespmem:s23+$0x20];
	v7, _, _ =	vpop (xrf0);
	(xrf0) =	vadd.scan.msk.s32 $0xffff, v10;
	[smem:s12+$0xFFFFFFFD] =	sst s21;
	s21 =	spop (v2sf)  }
0x54: {  	[smem:s12+$0xFFFFFFFE] =	sst s21  }
.Ltmp1:
0x55: {  	v8 =	vld [tilespmem:s23+$0x30];
	(v2sf) =	vpush v7, $0xF;
	v9, _, _ =	vpop (xrf0);
	(xrf0) =	vadd.scan.msk.s32 $0xffff, v11;
	s21 =	spop (v2sf);
	(pc) =	sbr.rel @p1 .LBB2_4-.Ltmp1, $4  }
0x56: {  	v7 =	vld [tilespmem:s23+$0x40];
	(v2sf) =	vpush v9, $0xF;
	v10, _, _ =	vpop (xrf0);
	[smem:s12+$0xFFFFFFFF] =	sst s21;
	s21 =	spop (v2sf)  }
0x57: {  	v9 =	vld [tilespmem:s23+$0x50];
	(xrf0) =	vadd.scan.msk.s32 $0xffff, v12;
	(v2sf) =	vpush v10, $0xF;
	v11, _, _ =	vpop (xrf0);
	[smem:s12] =	sst s21;
	s21 =	spop (v2sf)  }
0x58: {  	s22 =	smov.u32 s24;
	v10 =	vld [tilespmem:s23+$0x60];
	(xrf0) =	vadd.scan.msk.s32 $0xffff, v13;
	(v2sf) =	vpush v11, $0xF;
	v12, _, _ =	vpop (xrf0);
	[smem:s12+$0x1] =	sst s21;
	s21 =	spop (v2sf)  }
0x59: {  	s12 =	sadd.s32 $0x8, s12;
	v11 =	vld [tilespmem:s23+$0x70];
	(xrf0) =	vadd.scan.msk.s32 $0xffff, v14;
	(v2sf) =	vpush v12, $0xF;
	v12, _, _ =	vpop (xrf0);
	[smem:s19+$0x2] =	sst s21;
	s21 =	spop (v2sf)  }
0x5a: {  	s20 =	sshra.s32 s20, $0x2  }
0x5b: {  	(xrf0) =	vadd.scan.msk.s32 $0xffff, v8;
	v8 =	vld [tilespmem:s20+$0x0]  }
0x5c: {  	(v2sf) =	vpush v12, $0xF;
	v55, _, _ =	vpop (xrf0);
	(xrf0) =	vadd.scan.msk.s32 $0xffff, v7;
	v7 =	vld [tilespmem:s20+$0x10]  }
0x5d: {  	(v2sf) =	vpush v55, $0xF;
	v56, _, _ =	vpop (xrf0);
	v57 =	vld [tilespmem:s20+$0x20];
	(xrf0) =	vadd.scan.msk.s32 $0xffff, v9  }
0x5e: {  	[smem:s19+$0x3] =	sst s21;
	s23 =	spop (v2sf);
	v59 =	vld [tilespmem:s20+$0x30];
	(v2sf) =	vpush v56, $0xF;
	v58, _, _ =	vpop (xrf0);
	(xrf0) =	vadd.scan.msk.s32 $0xffff, v10  }
0x5f: {  	[smem:s12+$0xFFFFFFFC] =	sst s23;
	s24 =	spop (v2sf);
	v61 =	vld [tilespmem:s20+$0x40];
	(v2sf) =	vpush v58, $0xF;
	v60, _, _ =	vpop (xrf0);
	(xrf0) =	vadd.scan.msk.s32 $0xffff, v11  }
0x60: {  	v13 =	vld [tilespmem:s20+$0x50];
	[smem:s12+$0xFFFFFFFD] =	sst s24;
	s25 =	spop (v2sf);
	(v2sf) =	vpush v60, $0xF;
	v62, _, _ =	vpop (xrf0);
	(xrf0) =	vadd.scan.msk.s32 $0xffff, v8  }
0x61: {  	v63 =	vld [tilespmem:s20+$0x60];
	[smem:s12+$0xFFFFFFFE] =	sst s25;
	s21 =	spop (v2sf);
	(v2sf) =	vpush v62, $0xF;
	v8, _, _ =	vpop (xrf0);
	(xrf0) =	vadd.scan.msk.s32 $0xffff, v7  }
0x62: {  	[smem:s12+$0xFFFFFFFF] =	sst s21;
	s22 =	spop (v2sf);
	(v2sf) =	vpush v8, $0xF;
	v7, _, _ =	vpop (xrf0);
	v8 =	vld [tilespmem:s20+$0x70];
	(xrf0) =	vadd.scan.msk.s32 $0xffff, v57  }
0x63: {  	[smem:s12] =	sst s22;
	s23 =	spop (v2sf);
	(v2sf) =	vpush v7, $0xF;
	v7, _, _ =	vpop (xrf0);
	(xrf0) =	vadd.scan.msk.s32 $0xffff, v59  }
0x64: {  	[smem:s12+$0x1] =	sst s23;
	s24 =	spop (v2sf);
	(v2sf) =	vpush v7, $0xF;
	v7, _, _ =	vpop (xrf0);
	(xrf0) =	vadd.scan.msk.s32 $0xffff, v61  }
0x65: {  	[smem:s12+$0x2] =	sst s24;
	s25 =	spop (v2sf);
	(v2sf) =	vpush v7, $0xF;
	v7, _, _ =	vpop (xrf0);
	(xrf0) =	vadd.scan.msk.s32 $0xffff, v13  }
0x66: {  	s20 =	sadd.s32 $0x8, s12;
	[smem:s12+$0x3] =	sst s25;
	s21 =	spop (v2sf);
	(v2sf) =	vpush v7, $0xF;
	v7, _, _ =	vpop (xrf0);
	(xrf0) =	vadd.scan.msk.s32 $0xffff, v63  }
0x67: {  	[smem:s20+$0xFFFFFFFC] =	sst s21;
	s22 =	spop (v2sf);
	(v2sf) =	vpush v7, $0xF;
	v7, _, _ =	vpop (xrf0);
	(xrf0) =	vadd.scan.msk.s32 $0xffff, v8  }
0x68: {  	[smem:s20+$0xFFFFFFFD] =	sst s22;
	s23 =	spop (v2sf);
	(v2sf) =	vpush v7, $0xF;
	v7, _, _ =	vpop (xrf0)  }
0x69: {  	[smem:s20+$0xFFFFFFFE] =	sst s23;
	s24 =	spop (v2sf);
	(v2sf) =	vpush v7, $0xF;
	v7, _, _ =	vpop (xrf0)  }
0x6a: {  	[smem:s20+$0xFFFFFFFF] =	sst s24;
	s25 =	spop (v2sf);
	(v2sf) =	vpush v7, $0xF;
	v7, _, _ =	vpop (xrf0)  }
0x6b: {  	[smem:s20] =	sst s25;
	s19 =	spop (v2sf);
	(v2sf) =	vpush v7, $0xF;
	v7, _, _ =	vpop (xrf0)  }
0x6c: {  	[smem:s20+$0x1] =	sst s19;
	s21 =	spop (v2sf);
	(v2sf) =	vpush v7, $0xF;
	v7, _, _ =	vpop (xrf0)  }
0x6d: {  	[smem:s20+$0x2] =	sst s21;
	s22 =	spop (v2sf);
	(v2sf) =	vpush v7, $0xF;
	v7, _, _ =	vpop (xrf0)  }
0x6e: {  	s19 =	sadd.s32 $0x8, s20;
	[smem:s20+$0x3] =	sst s22;
	s23 =	spop (v2sf);
	(v2sf) =	vpush v7, $0xF  }
0x6f: {  	[smem:s19+$0xFFFFFFFC] =	sst s23;
	s24 =	spop (v2sf)  }
0x70: {  	[smem:s19+$0xFFFFFFFD] =	sst s24;
	s25 =	spop (v2sf)  }
0x71: {  	[smem:s19+$0xFFFFFFFE] =	sst s25;
	s20 =	spop (v2sf)  }
0x72: {  	[smem:s19+$0xFFFFFFFF] =	sst s20;
	s21 =	spop (v2sf)  }
0x73: {  	[smem:s19] =	sst s21;
	s22 =	spop (v2sf)  }
0x74: {  	[smem:s19+$0x1] =	sst s22;
	s23 =	spop (v2sf)  }
0x75: {  	[smem:s19+$0x2] =	sst s23;
	s24 =	spop (v2sf)  }
0x76: {  	s20 =	sadd.s32 $0x8, s19;
	[smem:s19+$0x3] =	sst s24;
	s25 =	spop (v2sf)  }
0x77: {  	[smem:s20+$0xFFFFFFFC] =	sst s25;
	s19 =	spop (v2sf)  }
0x78: {  	[smem:s20+$0xFFFFFFFD] =	sst s19;
	s21 =	spop (v2sf)  }
0x79: {  	[smem:s20+$0xFFFFFFFE] =	sst s21;
	s22 =	spop (v2sf)  }
0x7a: {  	[smem:s20+$0xFFFFFFFF] =	sst s22;
	s23 =	spop (v2sf)  }
0x7b: {  	[smem:s20] =	sst s23;
	s24 =	spop (v2sf)  }
0x7c: {  	[smem:s20+$0x1] =	sst s24;
	s25 =	spop (v2sf)  }
0x7d: {  	[smem:s20+$0x2] =	sst s25;
	s19 =	spop (v2sf)  }
0x7e: {  	[smem:s20+$0x3] =	sst s19  }
0x7f: {  	s12 =	sld [smem:$0x0];
	_ =	sdelay $0x1  }
0x80: {  	[smem:s16] =	sst s17  }
0x81: {  	s16 =	sld [smem:$0x1];
	s12 =	sadd.s32 $0x0, s12  }
0x82: {  	[smem:$0x1] =	sst s12  }
0x83: {  	s21 =	sld [smem:$0x2]  }
0x84: {  	s12 =	sadd.s32 s12, s16  }
0x85: {  	[smem:$0x2] =	sst s12  }
0x86: {  	s22 =	sld [smem:$0x3];
	s12 =	sadd.s32 s12, s21  }
0x87: {  	[smem:$0x3] =	sst s12  }
0x88: {  	s23 =	sld [smem:$0x4]  }
0x89: {  	s12 =	sadd.s32 s12, s22  }
0x8a: {  	[smem:$0x4] =	sst s12  }
0x8b: {  	s24 =	sld [smem:$0x5];
	s12 =	sadd.s32 s12, s23  }
0x8c: {  	[smem:$0x5] =	sst s12  }
0x8d: {  	s25 =	sld [smem:$0x6]  }
0x8e: {  	s12 =	sadd.s32 s12, s24  }
0x8f: {  	[smem:$0x6] =	sst s12  }
0x90: {  	s16 =	sld [smem:$0x7];
	s17 =	sadd.s32 s12, s25  }
0x91: {  	s19 =	simm.s32 $0x40;
	s12 =	simm.s32 $0x8;
	[smem:$0x7] =	sst s17  }
.LBB2_6:
0x92: {  	s20 =	sld [smem:s12+$0x0]  }
0x93: {  	s16 =	sadd.s32 s17, s16;
	s21 =	smov.u32 s19;
	s22 =	sadd.s32 $0x20, s19  }
0x94: {  	p1 =	sne.s32 s19, $0x3E0;
	[smem:s12] =	sst s16  }
0x95: {  	s17 =	sld [smem:s12+$0x1]  }
0x96: {  	s16 =	sadd.s32 s16, s20  }
0x97: {  	[smem:s12+$0x1] =	sst s16  }
0x98: {  	s16 =	sadd.s32 s16, s17;
	s17 =	sld [smem:s12+$0x2]  }
0x99: {  	[smem:s12+$0x2] =	sst s16  }
0x9a: {  	s19 =	sld [smem:s12+$0x3]  }
0x9b: {  	s16 =	sadd.s32 s16, s17  }
0x9c: {  	[smem:s12+$0x3] =	sst s16  }
0x9d: {  	s16 =	sadd.s32 s16, s19;
	s17 =	sld [smem:s12+$0x4]  }
0x9e: {  	[smem:s12+$0x4] =	sst s16  }
0x9f: {  	s19 =	sld [smem:s12+$0x5]  }
0xa0: {  	s16 =	sadd.s32 s16, s17  }
0xa1: {  	[smem:s12+$0x5] =	sst s16  }
.Ltmp2:
0xa2: {  	s17 =	sadd.s32 s16, s19;
	s19 =	sld [smem:s12+$0x6];
	(pc) =	sbr.rel @p1 .LBB2_6-.Ltmp2, $4  }
0xa3: {  	[smem:s12+$0x6] =	sst s17  }
0xa4: {  	s16 =	sld [smem:s12+$0x7]  }
0xa5: {  	s17 =	sadd.s32 s17, s19  }
0xa6: {  	s19 =	smov.u32 s22;
	[smem:s12+$0x7] =	sst s17;
	s12 =	sshra.s32 s21, $0x2  }
0xa7: {  	s19 =	sld [smem:s12+$0x0]  }
0xa8: {  	s16 =	sadd.s32 s17, s16  }
0xa9: {  	[smem:s12] =	sst s16  }
0xaa: {  	s20 =	sld [smem:s12+$0x1];
	s16 =	sadd.s32 s16, s19  }
0xab: {  	[smem:s12+$0x1] =	sst s16  }
0xac: {  	s21 =	sld [smem:s12+$0x2]  }
0xad: {  	s16 =	sadd.s32 s16, s20  }
0xae: {  	[smem:s12+$0x2] =	sst s16  }
0xaf: {  	s22 =	sld [smem:s12+$0x3];
	s16 =	sadd.s32 s16, s21  }
0xb0: {  	[smem:s12+$0x3] =	sst s16  }
0xb1: {  	s23 =	sld [smem:s12+$0x4]  }
0xb2: {  	s16 =	sadd.s32 s16, s22  }
0xb3: {  	[smem:s12+$0x4] =	sst s16  }
0xb4: {  	s24 =	sld [smem:s12+$0x5];
	s16 =	sadd.s32 s16, s23  }
0xb5: {  	[smem:s12+$0x5] =	sst s16  }
0xb6: {  	s25 =	sld [smem:s12+$0x6];
	_ =	sdelay $0x1  }
0xb7: {  	s17 =	simm.s32 $0x4;
	s16 =	sadd.s32 s16, s24  }
0xb8: {  	s19 =	simm.s32 $0x4;
	[smem:s12+$0x6] =	sst s16;
	s16 =	sadd.s32 s16, s25  }
0xb9: {  	[smem:s12+$0x7] =	sst s16;
	s12 =	simm.s32 $0x70;
	s16 =	simm.s32 $0x40  }
.LBB2_8:
0xba: {  	v7 =	vld [tilespmem:s16+$0xFFFFFFC0];
	_ =	sdelay $0x4  }
0xbb: {  	(xrf0) =	vadd.scan.msk.s32 $0xffff, v7;
	_ =	sdelay $0x4  }
0xbc: {  	s20 =	sld [smem:s19+$0xFFFFFFFC]  }
0xbd: {  	v8, _, _ =	vpop (xrf0)  }
0xbe: {  	v8 =	vsub.s32 v8, v7  }
0xbf: {  	v8 =	vadd.s32 s20, v8  }
0xc0: {  	vm2 =	vgt.s32 v7, $0x0;
	vm1 =	vlt.s32 v8, $0x1000  }
0xc1: {  	vm1 =	vmand vm2, vm1;
	_ =	sdelay $0x3  }
0xc2: {  	s22 =	sadd.s32 $0xFFFFFF90, s12  }
0xc3: {  	v7 =	vor.u32 s22, v0  }
0xc4: {  	[tilespmem:v8+s15+$0x0] =	vst.idx.msk vm1, v7  }
0xc5: {  	v7 =	vld [tilespmem:s16+$0xFFFFFFD0];
	_ =	sdelay $0x4  }
0xc6: {  	(xrf0) =	vadd.scan.msk.s32 $0xffff, v7;
	_ =	sdelay $0x4  }
0xc7: {  	s23 =	sld [smem:s19+$0xFFFFFFFD]  }
0xc8: {  	v8, _, _ =	vpop (xrf0)  }
0xc9: {  	v8 =	vsub.s32 v8, v7  }
0xca: {  	v8 =	vadd.s32 s23, v8  }
0xcb: {  	vm2 =	vgt.s32 v7, $0x0;
	vm1 =	vlt.s32 v8, $0x1000  }
0xcc: {  	vm1 =	vmand vm2, vm1;
	_ =	sdelay $0x3  }
0xcd: {  	s24 =	sadd.s32 $0xFFFFFFA0, s12  }
0xce: {  	v7 =	vor.u32 s24, v0  }
0xcf: {  	[tilespmem:v8+s15+$0x0] =	vst.idx.msk vm1, v7  }
0xd0: {  	v7 =	vld [tilespmem:s16+$0xFFFFFFE0];
	_ =	sdelay $0x4  }
0xd1: {  	(xrf0) =	vadd.scan.msk.s32 $0xffff, v7;
	_ =	sdelay $0x4  }
0xd2: {  	s25 =	sld [smem:s19+$0xFFFFFFFE]  }
0xd3: {  	v8, _, _ =	vpop (xrf0)  }
0xd4: {  	v8 =	vsub.s32 v8, v7  }
0xd5: {  	v8 =	vadd.s32 s25, v8  }
0xd6: {  	vm2 =	vgt.s32 v7, $0x0;
	vm1 =	vlt.s32 v8, $0x1000  }
0xd7: {  	vm1 =	vmand vm2, vm1;
	_ =	sdelay $0x3  }
0xd8: {  	s21 =	sadd.s32 $0xFFFFFFB0, s12  }
0xd9: {  	v7 =	vor.u32 s21, v0  }
0xda: {  	[tilespmem:v8+s15+$0x0] =	vst.idx.msk vm1, v7  }
0xdb: {  	v7 =	vld [tilespmem:s16+$0xFFFFFFF0];
	_ =	sdelay $0x4  }
0xdc: {  	(xrf0) =	vadd.scan.msk.s32 $0xffff, v7;
	_ =	sdelay $0x4  }
0xdd: {  	s22 =	sld [smem:s19+$0xFFFFFFFF]  }
0xde: {  	v8, _, _ =	vpop (xrf0)  }
0xdf: {  	v8 =	vsub.s32 v8, v7  }
0xe0: {  	v8 =	vadd.s32 s22, v8  }
0xe1: {  	vm2 =	vgt.s32 v7, $0x0;
	vm1 =	vlt.s32 v8, $0x1000  }
0xe2: {  	vm1 =	vmand vm2, vm1;
	_ =	sdelay $0x3  }
0xe3: {  	s23 =	sadd.s32 $0xFFFFFFC0, s12  }
0xe4: {  	v7 =	vor.u32 s23, v0  }
0xe5: {  	[tilespmem:v8+s15+$0x0] =	vst.idx.msk vm1, v7  }
0xe6: {  	v7 =	vld [tilespmem:s16+$0x0];
	_ =	sdelay $0x4  }
0xe7: {  	(xrf0) =	vadd.scan.msk.s32 $0xffff, v7;
	_ =	sdelay $0x4  }
0xe8: {  	s24 =	sld [smem:s19+$0x0]  }
0xe9: {  	v8, _, _ =	vpop (xrf0)  }
0xea: {  	v8 =	vsub.s32 v8, v7  }
0xeb: {  	v8 =	vadd.s32 s24, v8  }
0xec: {  	vm2 =	vgt.s32 v7, $0x0;
	vm1 =	vlt.s32 v8, $0x1000  }
0xed: {  	vm1 =	vmand vm2, vm1;
	_ =	sdelay $0x3  }
0xee: {  	s25 =	sadd.s32 $0xFFFFFFD0, s12  }
0xef: {  	v7 =	vor.u32 s25, v0  }
0xf0: {  	[tilespmem:v8+s15+$0x0] =	vst.idx.msk vm1, v7  }
0xf1: {  	v7 =	vld [tilespmem:s16+$0x10];
	_ =	sdelay $0x4  }
0xf2: {  	(xrf0) =	vadd.scan.msk.s32 $0xffff, v7;
	_ =	sdelay $0x4  }
0xf3: {  	s21 =	sld [smem:s19+$0x1]  }
0xf4: {  	v8, _, _ =	vpop (xrf0)  }
0xf5: {  	v8 =	vsub.s32 v8, v7  }
0xf6: {  	v8 =	vadd.s32 s21, v8  }
0xf7: {  	vm2 =	vgt.s32 v7, $0x0;
	vm1 =	vlt.s32 v8, $0x1000  }
0xf8: {  	vm1 =	vmand vm2, vm1;
	_ =	sdelay $0x3  }
0xf9: {  	s22 =	sadd.s32 $0xFFFFFFE0, s12  }
0xfa: {  	v7 =	vor.u32 s22, v0  }
0xfb: {  	[tilespmem:v8+s15+$0x0] =	vst.idx.msk vm1, v7  }
0xfc: {  	v7 =	vld [tilespmem:s16+$0x20];
	_ =	sdelay $0x4  }
0xfd: {  	(xrf0) =	vadd.scan.msk.s32 $0xffff, v7;
	_ =	sdelay $0x4  }
0xfe: {  	s23 =	sld [smem:s19+$0x2]  }
0xff: {  	v8, _, _ =	vpop (xrf0)  }
0x100: {  	v8 =	vsub.s32 v8, v7  }
0x101: {  	v8 =	vadd.s32 s23, v8  }
0x102: {  	vm2 =	vgt.s32 v7, $0x0;
	vm1 =	vlt.s32 v8, $0x1000  }
0x103: {  	vm1 =	vmand vm2, vm1;
	_ =	sdelay $0x3  }
0x104: {  	s24 =	sadd.s32 $0xFFFFFFF0, s12  }
0x105: {  	v7 =	vor.u32 s24, v0  }
0x106: {  	[tilespmem:v8+s15+$0x0] =	vst.idx.msk vm1, v7  }
0x107: {  	v7 =	vld [tilespmem:s16+$0x30];
	_ =	sdelay $0x4  }
0x108: {  	(xrf0) =	vadd.scan.msk.s32 $0xffff, v7;
	_ =	sdelay $0x4  }
0x109: {  	s25 =	sld [smem:s19+$0x3]  }
0x10a: {  	v8, _, _ =	vpop (xrf0)  }
0x10b: {  	v9 =	vmov s12;
	v8 =	vsub.s32 v8, v7  }
0x10c: {  	vm2 =	veq.s32 v9, v3;
	vm1 =	vgt.s32 v7, $0x0;
	v8 =	vadd.s32 s25, v8  }
0x10d: {  	vm1 =	vmor vm2, vm1;
	vm3 =	vlt.s32 v8, $0x1000  }
0x10e: {  	vm1 =	vmand vm1, vm3  }
0x10f: {  	p1 =	sne.s32 s12, $0xFF0  }
.Ltmp3:
0x110: {  	_ = 	snop;
	(pc) =	sbr.rel @p1 .LBB2_8-.Ltmp3, $3  }
0x111: {  	_ =	sdelay $0x1  }
0x112: {  	v7 =	vor.u32 s12, v0  }
0x113: {  	s19 =	sadd.s32 $0x8, s19;
	s16 =	sadd.s32 $0x80, s16;
	s12 =	sadd.s32 $0x80, s12;
	[tilespmem:v8+s15+$0x0] =	vst.idx.msk vm1, v7  }
0x114: {  	s16 =	simm.s32 $0x0  }
0x115: {  	v7 =	vld [tilespmem:s16+$0x1000]  }
0x116: {  	v8 =	vld [tilespmem:s16+$0x1010]  }
0x117: {  	v9 =	vld [tilespmem:s16+$0x1020]  }
0x118: {  	v10 =	vld [tilespmem:s16+$0x1030]  }
0x119: {  	v11 =	vld [tilespmem:s16+$0x1040]  }
0x11a: {  	v12 =	vld [tilespmem:s16+$0x1050];
	v7 =	vxor.u32 $0x80000000, v7  }
0x11b: {  	(xrf0) =	vmax.scan.msk.u32 $0xffff, v7;
	v7 =	vld [tilespmem:s16+$0x1060]  }
0x11c: {  	v8 =	vxor.u32 $0x80000000, v8  }
0x11d: {  	(xrf0) =	vmax.scan.msk.u32 $0xffff, v8  }
0x11e: {  	s12 =	simm.s32 $0x80;
	v8 =	vxor.u32 $0x80000000, v9;
	v9 =	vld [tilespmem:s16+$0x1070]  }
0x11f: {  	v10 =	vxor.u32 $0x80000000, v10;
	v12 =	vxor.u32 $0x80000000, v12;
	(xrf0) =	vmax.scan.msk.u32 $0xffff, v8;
	v8 =	vld [tilespmem:s12+$0x1000]  }
0x120: {  	v11 =	vxor.u32 $0x80000000, v11;
	(xrf0) =	vmax.scan.msk.u32 $0xffff, v10;
	v7 =	vxor.u32 $0x80000000, v7  }
0x121: {  	(xrf0) =	vmax.scan.msk.u32 $0xffff, v11  }
0x122: {  	v10 =	vld [tilespmem:s12+$0x1010];
	(xrf0) =	vmax.scan.msk.u32 $0xffff, v12;
	v12, _, _ =	vpop (xrf0)  }
0x123: {  	v11 =	vld [tilespmem:s12+$0x1020];
	v9 =	vxor.u32 $0x80000000, v9;
	(xrf0) =	vmax.scan.msk.u32 $0xffff, v7;
	(v2sf) =	vpush v12, $0xF;
	v7, _, _ =	vpop (xrf0)  }
0x124: {  	v13 =	vld [tilespmem:s12+$0x1030];
	(v2sf) =	vpush v7, $0xF;
	v7 =	vxor.u32 $0x80000000, v8  }
0x125: {  	v12 =	vld [tilespmem:s12+$0x1040];
	(xrf0) =	vmax.scan.msk.u32 $0xffff, v9  }
0x126: {  	v9, _, _ =	vpop (xrf0)  }
0x127: {  	v10 =	vxor.u32 $0x80000000, v10;
	v8 =	vld [tilespmem:s12+$0x1050];
	(xrf0) =	vmax.scan.msk.u32 $0xffff, v7;
	(v2sf) =	vpush v9, $0xF;
	v7, _, _ =	vpop (xrf0)  }
0x128: {  	v14 =	vld [tilespmem:s12+$0x1060];
	v9 =	vxor.u32 $0x80000000, v11;
	(xrf0) =	vmax.scan.msk.u32 $0xffff, v10;
	(v2sf) =	vpush v7, $0xF;
	v7, _, _ =	vpop (xrf0)  }
0x129: {  	s19 =	simm.s32 $0x100;
	v11 =	vld [tilespmem:s12+$0x1070];
	v10 =	vxor.u32 $0x80000000, v13;
	(xrf0) =	vmax.scan.msk.u32 $0xffff, v9;
	(v2sf) =	vpush v7, $0xF;
	v7, _, _ =	vpop (xrf0)  }
0x12a: {  	v9 =	vxor.u32 $0x80000000, v12;
	(xrf0) =	vmax.scan.msk.u32 $0xffff, v10;
	v10 =	vld [tilespmem:s19+$0x1000];
	(v2sf) =	vpush v7, $0xF;
	v7, _, _ =	vpop (xrf0)  }
0x12b: {  	(xrf0) =	vmax.scan.msk.u32 $0xffff, v9;
	v9 =	vld [tilespmem:s19+$0x1010];
	(v2sf) =	vpush v7, $0xF;
	v7, _, _ =	vpop (xrf0)  }
0x12c: {  	v8 =	vxor.u32 $0x80000000, v8;
	(v2sf) =	vpush v7, $0xF;
	v7 =	vld [tilespmem:s19+$0x1020]  }
0x12d: {  	v12 =	vxor.u32 $0x80000000, v14;
	(xrf0) =	vmax.scan.msk.u32 $0xffff, v8  }
0x12e: {  	v8 =	vxor.u32 $0x80000000, v11;
	v11, _, _ =	vpop (xrf0);
	(xrf0) =	vmax.scan.msk.u32 $0xffff, v12  }
0x12f: {  	v12 =	vld [tilespmem:s19+$0x1030];
	(v2sf) =	vpush v11, $0xF;
	v11, _, _ =	vpop (xrf0);
	(xrf0) =	vmax.scan.msk.u32 $0xffff, v8;
	v10 =	vxor.u32 $0x80000000, v10  }
0x130: {  	v8 =	vld [tilespmem:s19+$0x1040];
	(v2sf) =	vpush v11, $0xF;
	v11, _, _ =	vpop (xrf0);
	v9 =	vxor.u32 $0x80000000, v9  }
0x131: {  	v13 =	vld [tilespmem:s19+$0x1050];
	(v2sf) =	vpush v11, $0xF;
	v11, _, _ =	vpop (xrf0);
	v7 =	vxor.u32 $0x80000000, v7  }
0x132: {  	(xrf0) =	vmax.scan.msk.u32 $0xffff, v10;
	(v2sf) =	vpush v11, $0xF;
	v10, _, _ =	vpop (xrf0)  }
0x133: {  	(xrf0) =	vmax.scan.msk.u32 $0xffff, v9;
	(v2sf) =	vpush v10, $0xF;
	v9, _, _ =	vpop (xrf0);
	v10 =	vld [tilespmem:s19+$0x1060]  }
0x134: {  	v11 =	vxor.u32 $0x80000000, v12;
	(xrf0) =	vmax.scan.msk.u32 $0xffff, v7;
	(v2sf) =	vpush v9, $0xF;
	v9 =	vld [tilespmem:s19+$0x1070];
	s19 =	spop (v2sf);
	v7, _, _ =	vpop (xrf0)  }
0x135: {  	s12 =	simm.s32 $0x180;
	v8 =	vxor.u32 $0x80000000, v8;
	(xrf0) =	vmax.scan.msk.u32 $0xffff, v11;
	s19 =	sxor.u32 $0x80000000, s19;
	s20 =	spop (v2sf);
	(v2sf) =	vpush v7, $0xF;
	v7, _, _ =	vpop (xrf0)  }
0x136: {  	v11 =	vld [tilespmem:s12+$0x1000];
	(xrf0) =	vmax.scan.msk.u32 $0xffff, v8;
	s20 =	sxor.u32 $0x80000000, s20;
	(v2sf) =	vpush v7, $0xF;
	v7 =	vxor.u32 $0x80000000, v13;
	[smem:$0x0] =	sst s19  }
0x137: {  	s21 =	spop (v2sf);
	v12 =	vld [tilespmem:s12+$0x1010];
	(xrf0) =	vmax.scan.msk.u32 $0xffff, v7;
	[smem:$0x1] =	sst s20  }
0x138: {  	v7 =	vxor.u32 $0x80000000, v10;
	s22 =	sxor.u32 $0x80000000, s21;
	s23 =	spop (v2sf)  }
0x139: {  	v8 =	vld [tilespmem:s12+$0x1020];
	v10, _, _ =	vpop (xrf0);
	(xrf0) =	vmax.scan.msk.u32 $0xffff, v7;
	v9 =	vxor.u32 $0x80000000, v9;
	[smem:$0x2] =	sst s22;
	s24 =	sxor.u32 $0x80000000, s23  }
0x13a: {  	s25 =	spop (v2sf);
	v7 =	vld [tilespmem:s12+$0x1030];
	(v2sf) =	vpush v10, $0xF;
	v10, _, _ =	vpop (xrf0);
	(xrf0) =	vmax.scan.msk.u32 $0xffff, v9;
	[smem:$0x3] =	sst s24  }
0x13b: {  	s20 =	sxor.u32 $0x80000000, s25;
	s21 =	spop (v2sf)  }
0x13c: {  	v9 =	vld [tilespmem:s12+$0x1040];
	(v2sf) =	vpush v10, $0xF;
	v13, _, _ =	vpop (xrf0);
	[smem:s17] =	sst s20;
	s22 =	sxor.u32 $0x80000000, s21  }
0x13d: {  	v10 =	vld [tilespmem:s12+$0x1050];
	s23 =	spop (v2sf);
	(v2sf) =	vpush v13, $0xF;
	v13, _, _ =	vpop (xrf0);
	[smem:$0x5] =	sst s22  }
0x13e: {  	(v2sf) =	vpush v13, $0xF;
	_ =	sdelay $0x1  }
0x13f: {  	v14 =	vxor.u32 $0x80000000, v11;
	s24 =	sxor.u32 $0x80000000, s23;
	s25 =	spop (v2sf)  }
0x140: {  	s21 =	simm.s32 $0x800;
	v12 =	vxor.u32 $0x80000000, v12;
	v11 =	vld [tilespmem:s12+$0x1060];
	(xrf0) =	vmax.scan.msk.u32 $0xffff, v14;
	v13, _, _ =	vpop (xrf0);
	[smem:$0x6] =	sst s24;
	s20 =	sxor.u32 $0x80000000, s25  }
.LBB2_10:
0x141: {  	[smem:s17+$0x3] =	sst s20  }
0x142: {  	v15 =	vxor.u32 $0x80000000, v8;
	v14 =	vld [tilespmem:s12+$0x1070];
	(xrf0) =	vmax.scan.msk.u32 $0xffff, v12;
	(v2sf) =	vpush v13, $0xF;
	v12, _, _ =	vpop (xrf0);
	s17 =	sadd.s32 $0x8, s17;
	s12 =	smov.u32 s21;
	s19 =	sadd.s32 $0x200, s21  }
0x143: {  	p1 =	sne.s32 s21, $0x3E00;
	v13 =	vxor.u32 $0x80000000, v7;
	(xrf0) =	vmax.scan.msk.u32 $0xffff, v15;
	(v2sf) =	vpush v12, $0xF;
	v8, _, _ =	vpop (xrf0);
	s20 =	spop (v2sf)  }
0x144: {  	s12 =	sshra.s32 s12, $0x2;
	v9 =	vxor.u32 $0x80000000, v9;
	(xrf0) =	vmax.scan.msk.u32 $0xffff, v13;
	(v2sf) =	vpush v8, $0xF;
	v7, _, _ =	vpop (xrf0);
	s20 =	sxor.u32 $0x80000000, s20;
	s21 =	spop (v2sf)  }
0x145: {  	v12 =	vld [tilespmem:s12+$0x1000];
	v8 =	vxor.u32 $0x80000000, v10;
	(xrf0) =	vmax.scan.msk.u32 $0xffff, v9;
	(v2sf) =	vpush v7, $0xF;
	[smem:s17+$0xFFFFFFFC] =	sst s20;
	s20 =	sxor.u32 $0x80000000, s21;
	s21 =	spop (v2sf)  }
0x146: {  	v13 =	vld [tilespmem:s12+$0x1010];
	v7 =	vxor.u32 $0x80000000, v11;
	(xrf0) =	vmax.scan.msk.u32 $0xffff, v8;
	[smem:s17+$0xFFFFFFFD] =	sst s20;
	s20 =	sxor.u32 $0x80000000, s21;
	s21 =	spop (v2sf)  }
0x147: {  	[smem:s17+$0xFFFFFFFE] =	sst s20  }
.Ltmp4:
0x148: {  	v8 =	vld [tilespmem:s12+$0x1020];
	v9 =	vxor.u32 $0x80000000, v14;
	v10, _, _ =	vpop (xrf0);
	(xrf0) =	vmax.scan.msk.u32 $0xffff, v7;
	s20 =	sxor.u32 $0x80000000, s21;
	s21 =	spop (v2sf);
	(pc) =	sbr.rel @p1 .LBB2_10-.Ltmp4, $4  }
0x149: {  	v7 =	vld [tilespmem:s12+$0x1030];
	(v2sf) =	vpush v10, $0xF;
	v10, _, _ =	vpop (xrf0);
	(xrf0) =	vmax.scan.msk.u32 $0xffff, v9;
	[smem:s17+$0xFFFFFFFF] =	sst s20;
	s20 =	sxor.u32 $0x80000000, s21;
	s21 =	spop (v2sf)  }
0x14a: {  	v9 =	vld [tilespmem:s12+$0x1040];
	(v2sf) =	vpush v10, $0xF;
	v11, _, _ =	vpop (xrf0);
	[smem:s17] =	sst s20;
	s20 =	sxor.u32 $0x80000000, s21;
	s21 =	spop (v2sf)  }
0x14b: {  	v14 =	vxor.u32 $0x80000000, v12;
	v10 =	vld [tilespmem:s12+$0x1050];
	(v2sf) =	vpush v11, $0xF;
	v15, _, _ =	vpop (xrf0);
	[smem:s17+$0x1] =	sst s20;
	s20 =	sxor.u32 $0x80000000, s21;
	s21 =	spop (v2sf)  }
0x14c: {  	v12 =	vxor.u32 $0x80000000, v13;
	v11 =	vld [tilespmem:s12+$0x1060];
	(xrf0) =	vmax.scan.msk.u32 $0xffff, v14;
	(v2sf) =	vpush v15, $0xF;
	v13, _, _ =	vpop (xrf0);
	[smem:s17+$0x2] =	sst s20;
	s20 =	sxor.u32 $0x80000000, s21;
	s21 =	smov.u32 s19  }
0x14d: {  	v8 =	vxor.u32 $0x80000000, v8  }
0x14e: {  	v7 =	vxor.u32 $0x80000000, v7  }
0x14f: {  	v14 =	vld [tilespmem:s12+$0x1070];
	(xrf0) =	vmax.scan.msk.u32 $0xffff, v12;
	(v2sf) =	vpush v13, $0xF;
	v62, _, _ =	vpop (xrf0)  }
0x150: {  	(xrf0) =	vmax.scan.msk.u32 $0xffff, v8;
	(v2sf) =	vpush v62, $0xF;
	v8, _, _ =	vpop (xrf0)  }
0x151: {  	s21 =	spop (v2sf);
	v9 =	vxor.u32 $0x80000000, v9;
	(xrf0) =	vmax.scan.msk.u32 $0xffff, v7;
	(v2sf) =	vpush v8, $0xF;
	v7, _, _ =	vpop (xrf0)  }
0x152: {  	s19 =	spop (v2sf);
	v8 =	vxor.u32 $0x80000000, v10;
	(xrf0) =	vmax.scan.msk.u32 $0xffff, v9;
	(v2sf) =	vpush v7, $0xF;
	v7 =	vxor.u32 $0x80000000, v11  }
0x153: {  	[smem:s17+$0x3] =	sst s20;
	s17 =	sadd.s32 $0x8, s17;
	s12 =	sxor.u32 $0x80000000, s21;
	(xrf0) =	vmax.scan.msk.u32 $0xffff, v8  }
0x154: {  	[smem:s17+$0xFFFFFFFC] =	sst s12;
	s22 =	sxor.u32 $0x80000000, s19;
	s23 =	spop (v2sf);
	v8 =	vxor.u32 $0x80000000, v14;
	v63, _, _ =	vpop (xrf0);
	(xrf0) =	vmax.scan.msk.u32 $0xffff, v7  }
0x155: {  	[smem:s17+$0xFFFFFFFD] =	sst s22;
	s24 =	sxor.u32 $0x80000000, s23;
	s25 =	spop (v2sf);
	(v2sf) =	vpush v63, $0xF;
	v7, _, _ =	vpop (xrf0);
	(xrf0) =	vmax.scan.msk.u32 $0xffff, v8  }
0x156: {  	[smem:s17+$0xFFFFFFFE] =	sst s24;
	s20 =	sxor.u32 $0x80000000, s25;
	s21 =	spop (v2sf);
	(v2sf) =	vpush v7, $0xF;
	v7, _, _ =	vpop (xrf0)  }
0x157: {  	[smem:s17+$0xFFFFFFFF] =	sst s20;
	s22 =	sxor.u32 $0x80000000, s21;
	s23 =	spop (v2sf);
	(v2sf) =	vpush v7, $0xF;
	v7, _, _ =	vpop (xrf0)  }
0x158: {  	[smem:s17] =	sst s22;
	s24 =	sxor.u32 $0x80000000, s23;
	s25 =	spop (v2sf);
	(v2sf) =	vpush v7, $0xF;
	v7, _, _ =	vpop (xrf0)  }
0x159: {  	[smem:s17+$0x1] =	sst s24;
	s19 =	sxor.u32 $0x80000000, s25;
	s20 =	spop (v2sf);
	(v2sf) =	vpush v7, $0xF;
	v7, _, _ =	vpop (xrf0)  }
0x15a: {  	[smem:s17+$0x2] =	sst s19;
	s21 =	sxor.u32 $0x80000000, s20;
	(v2sf) =	vpush v7, $0xF;
	v7, _, _ =	vpop (xrf0)  }
0x15b: {  	[smem:s17+$0x3] =	sst s21;
	s22 =	spop (v2sf);
	(v2sf) =	vpush v7, $0xF;
	v7, _, _ =	vpop (xrf0)  }
0x15c: {  	s17 =	sadd.s32 $0x8, s17;
	s12 =	sxor.u32 $0x80000000, s22;
	s23 =	spop (v2sf);
	(v2sf) =	vpush v7, $0xF  }
0x15d: {  	[smem:s17+$0xFFFFFFFC] =	sst s12;
	s24 =	sxor.u32 $0x80000000, s23;
	s25 =	spop (v2sf)  }
0x15e: {  	[smem:s17+$0xFFFFFFFD] =	sst s24;
	s20 =	sxor.u32 $0x80000000, s25;
	s21 =	spop (v2sf)  }
0x15f: {  	[smem:s17+$0xFFFFFFFE] =	sst s20;
	s22 =	sxor.u32 $0x80000000, s21;
	s23 =	spop (v2sf)  }
0x160: {  	[smem:s17+$0xFFFFFFFF] =	sst s22;
	s24 =	sxor.u32 $0x80000000, s23;
	s25 =	spop (v2sf)  }
0x161: {  	[smem:s17] =	sst s24;
	s19 =	sxor.u32 $0x80000000, s25;
	s20 =	spop (v2sf)  }
0x162: {  	[smem:s17+$0x1] =	sst s19;
	s21 =	sxor.u32 $0x80000000, s20;
	s22 =	spop (v2sf)  }
0x163: {  	[smem:s17+$0x2] =	sst s21;
	s23 =	sxor.u32 $0x80000000, s22  }
0x164: {  	s24 =	spop (v2sf);
	[smem:s17+$0x3] =	sst s23  }
0x165: {  	s17 =	sadd.s32 $0x8, s17;
	s12 =	sxor.u32 $0x80000000, s24;
	s25 =	spop (v2sf)  }
0x166: {  	[smem:s17+$0xFFFFFFFC] =	sst s12;
	s20 =	sxor.u32 $0x80000000, s25;
	s21 =	spop (v2sf)  }
0x167: {  	[smem:s17+$0xFFFFFFFD] =	sst s20;
	s22 =	sxor.u32 $0x80000000, s21;
	s23 =	spop (v2sf)  }
0x168: {  	[smem:s17+$0xFFFFFFFE] =	sst s22;
	s24 =	sxor.u32 $0x80000000, s23;
	s25 =	spop (v2sf)  }
0x169: {  	[smem:s17+$0xFFFFFFFF] =	sst s24;
	s19 =	sxor.u32 $0x80000000, s25;
	s20 =	spop (v2sf)  }
0x16a: {  	[smem:s17] =	sst s19;
	s21 =	sxor.u32 $0x80000000, s20;
	s22 =	spop (v2sf)  }
0x16b: {  	[smem:s17+$0x1] =	sst s21;
	s23 =	sxor.u32 $0x80000000, s22;
	s24 =	spop (v2sf)  }
0x16c: {  	[smem:s17+$0x2] =	sst s23;
	s25 =	sxor.u32 $0x80000000, s24  }
0x16d: {  	[smem:s17+$0x3] =	sst s25  }
0x16e: {  	s12 =	sld [smem:$0x0];
	_ =	sdelay $0x2  }
0x16f: {  	s17 =	simm.s32 $0xFFFFFFFF;
	p1 =	slt.s32 s12, $0xFFFFFFFF  }
0x170: {  	s12 =	smov.u32 @p1 s17  }
0x171: {  	[smem:s16] =	sst s12  }
0x172: {  	s17 =	sld [smem:$0x1];
	_ =	sdelay $0x2  }
0x173: {  	p1 =	sgt.s32 s12, s17  }
0x174: {  	s17 =	smov.u32 @p1 s12  }
0x175: {  	[smem:$0x1] =	sst s17  }
0x176: {  	s12 =	sld [smem:$0x2];
	_ =	sdelay $0x2  }
0x177: {  	p1 =	sgt.s32 s17, s12  }
0x178: {  	s12 =	smov.u32 @p1 s17  }
0x179: {  	[smem:$0x2] =	sst s12  }
0x17a: {  	s17 =	sld [smem:$0x3];
	_ =	sdelay $0x2  }
0x17b: {  	p1 =	sgt.s32 s12, s17  }
0x17c: {  	s17 =	smov.u32 @p1 s12  }
0x17d: {  	[smem:$0x3] =	sst s17  }
0x17e: {  	s12 =	sld [smem:$0x4];
	_ =	sdelay $0x2  }
0x17f: {  	p1 =	sgt.s32 s17, s12  }
0x180: {  	s12 =	smov.u32 @p1 s17  }
0x181: {  	[smem:$0x4] =	sst s12  }
0x182: {  	s17 =	sld [smem:$0x5];
	_ =	sdelay $0x2  }
0x183: {  	p1 =	sgt.s32 s12, s17  }
0x184: {  	s17 =	smov.u32 @p1 s12  }
0x185: {  	[smem:$0x5] =	sst s17  }
0x186: {  	s21 =	sld [smem:$0x6];
	_ =	sdelay $0x2  }
0x187: {  	p1 =	sgt.s32 s17, s21  }
0x188: {  	s21 =	smov.u32 @p1 s17  }
0x189: {  	[smem:$0x6] =	sst s21  }
0x18a: {  	s19 =	sld [smem:$0x7];
	_ =	sdelay $0x2  }
0x18b: {  	p1 =	sgt.s32 s21, s19  }
0x18c: {  	s20 =	simm.s32 $0x40;
	s12 =	simm.s32 $0x20;
	s19 =	smov.u32 @p1 s21  }
.LBB2_12:
0x18d: {  	[smem:s16+$0x7] =	sst s19  }
0x18e: {  	s16 =	sshra.s32 s12, $0x2;
	s12 =	smov.u32 s20;
	s17 =	sadd.s32 $0x20, s20  }
0x18f: {  	p1 =	sne.s32 s20, $0x3E0;
	s20 =	sld [smem:s16+$0x0];
	_ =	sdelay $0x2  }
0x190: {  	p2 =	sgt.s32 s19, s20  }
0x191: {  	s20 =	smov.u32 @p2 s19  }
0x192: {  	[smem:s16] =	sst s20  }
0x193: {  	s19 =	sld [smem:s16+$0x1];
	_ =	sdelay $0x2  }
0x194: {  	p2 =	sgt.s32 s20, s19  }
0x195: {  	s19 =	smov.u32 @p2 s20  }
0x196: {  	[smem:s16+$0x1] =	sst s19  }
0x197: {  	s20 =	sld [smem:s16+$0x2];
	_ =	sdelay $0x2  }
0x198: {  	p2 =	sgt.s32 s19, s20  }
0x199: {  	s20 =	smov.u32 @p2 s19  }
0x19a: {  	[smem:s16+$0x2] =	sst s20  }
0x19b: {  	s19 =	sld [smem:s16+$0x3];
	_ =	sdelay $0x2  }
0x19c: {  	p2 =	sgt.s32 s20, s19  }
0x19d: {  	s19 =	smov.u32 @p2 s20  }
0x19e: {  	[smem:s16+$0x3] =	sst s19  }
0x19f: {  	s20 =	sld [smem:s16+$0x4];
	_ =	sdelay $0x2  }
0x1a0: {  	p2 =	sgt.s32 s19, s20  }
0x1a1: {  	s20 =	smov.u32 @p2 s19  }
0x1a2: {  	[smem:s16+$0x4] =	sst s20  }
0x1a3: {  	s19 =	sld [smem:s16+$0x5];
	_ =	sdelay $0x2  }
0x1a4: {  	p2 =	sgt.s32 s20, s19  }
0x1a5: {  	s19 =	smov.u32 @p2 s20  }
0x1a6: {  	[smem:s16+$0x5] =	sst s19  }
0x1a7: {  	s20 =	sld [smem:s16+$0x6];
	_ =	sdelay $0x2  }
0x1a8: {  	p2 =	sgt.s32 s19, s20  }
0x1a9: {  	s20 =	smov.u32 @p2 s19  }
0x1aa: {  	[smem:s16+$0x6] =	sst s20  }
.Ltmp5:
0x1ab: {  	s19 =	sld [smem:s16+$0x7];
	(pc) =	sbr.rel @p1 .LBB2_12-.Ltmp5, $3  }
0x1ac: {  	_ =	sdelay $0x1  }
0x1ad: {  	p2 =	sgt.s32 s20, s19  }
0x1ae: {  	s19 =	smov.u32 @p2 s20;
	s20 =	smov.u32 s17  }
0x1af: {  	s12 =	sshra.s32 s12, $0x2;
	[smem:s16+$0x7] =	sst s19  }
0x1b0: {  	s16 =	sld [smem:s12+$0x0];
	_ =	sdelay $0x2  }
0x1b1: {  	p1 =	sgt.s32 s19, s16  }
0x1b2: {  	s16 =	smov.u32 @p1 s19  }
0x1b3: {  	[smem:s12] =	sst s16  }
0x1b4: {  	s17 =	sld [smem:s12+$0x1];
	_ =	sdelay $0x2  }
0x1b5: {  	p1 =	sgt.s32 s16, s17  }
0x1b6: {  	s17 =	smov.u32 @p1 s16  }
0x1b7: {  	[smem:s12+$0x1] =	sst s17  }
0x1b8: {  	s16 =	sld [smem:s12+$0x2];
	_ =	sdelay $0x2  }
0x1b9: {  	p1 =	sgt.s32 s17, s16  }
0x1ba: {  	s16 =	smov.u32 @p1 s17  }
0x1bb: {  	[smem:s12+$0x2] =	sst s16  }
0x1bc: {  	s17 =	sld [smem:s12+$0x3];
	_ =	sdelay $0x2  }
0x1bd: {  	p1 =	sgt.s32 s16, s17  }
0x1be: {  	s17 =	smov.u32 @p1 s16  }
0x1bf: {  	[smem:s12+$0x3] =	sst s17  }
0x1c0: {  	s16 =	sld [smem:s12+$0x4];
	_ =	sdelay $0x2  }
0x1c1: {  	p1 =	sgt.s32 s17, s16  }
0x1c2: {  	s16 =	smov.u32 @p1 s17  }
0x1c3: {  	[smem:s12+$0x4] =	sst s16  }
0x1c4: {  	s17 =	sld [smem:s12+$0x5];
	_ =	sdelay $0x2  }
0x1c5: {  	v7 =	vld [tilespmem:s5+$0x1000];
	p1 =	sgt.s32 s16, s17  }
0x1c6: {  	v8 =	vld [tilespmem:s5+$0x1010];
	s17 =	smov.u32 @p1 s16  }
0x1c7: {  	v9 =	vld [tilespmem:s5+$0x1020];
	[smem:s12+$0x5] =	sst s17  }
0x1c8: {  	v10 =	vld [tilespmem:s5+$0x1030];
	s16 =	sld [smem:s12+$0x6];
	_ =	sdelay $0x1  }
0x1c9: {  	v7 =	vxor.u32 $0x80000000, v7  }
0x1ca: {  	(xrf0) =	vmax.scan.msk.u32 $0xffff, v7;
	v7 =	vxor.u32 $0x80000000, v8;
	p1 =	sgt.s32 s17, s16  }
0x1cb: {  	v8 =	vld [tilespmem:s5+$0x1040];
	(xrf0) =	vmax.scan.msk.u32 $0xffff, v7;
	v7 =	vxor.u32 $0x80000000, v9;
	s16 =	smov.u32 @p1 s17  }
0x1cc: {  	v9 =	vld [tilespmem:s5+$0x1050];
	(xrf0) =	vmax.scan.msk.u32 $0xffff, v7;
	v7 =	vxor.u32 $0x80000000, v10;
	[smem:s12+$0x6] =	sst s16  }
0x1cd: {  	(xrf0) =	vmax.scan.msk.u32 $0xffff, v7;
	v7 =	vld [tilespmem:s5+$0x1060];
	s17 =	sld [smem:s12+$0x7]  }
0x1ce: {  	v11 =	vld [tilespmem:s5+$0x1070];
	_ =	sdelay $0x1  }
0x1cf: {  	v8 =	vxor.u32 $0x80000000, v8;
	v10, _, _ =	vpop (xrf0);
	p1 =	sgt.s32 s16, s17  }
0x1d0: {  	v12, _, _ =	vpop (xrf0);
	(xrf0) =	vmax.scan.msk.u32 $0xffff, v8;
	v8 =	vxor.u32 $0x80000000, v9;
	s17 =	smov.u32 @p1 s16  }
0x1d1: {  	v57, _, _ =	vpop (xrf0);
	(xrf0) =	vmax.scan.msk.u32 $0xffff, v8;
	v7 =	vxor.u32 $0x80000000, v7;
	[smem:s12+$0x7] =	sst s17  }
0x1d2: {  	v13, _, _ =	vpop (xrf0);
	(xrf0) =	vmax.scan.msk.u32 $0xffff, v7;
	v7 =	vxor.u32 $0x80000000, v11;
	s12 =	sld [smem:s8+$0xFFFFFFFF]  }
0x1d3: {  	(xrf0) =	vmax.scan.msk.u32 $0xffff, v7;
	s25 =	sld [smem:s7+$0x2];
	_ =	sdelay $0x1  }
0x1d4: {  	v13 =	vxor.u32 $0x80000000, v13  }
0x1d5: {  	v10 =	vxor.u32 $0x80000000, v10;
	v58, _, _ =	vpop (xrf0);
	s24 =	sld [smem:s7+$0x0];
	s12 =	simm.s32 @p0 $0xFFFFFFFF;
	vm2 =	vgt.s32 v13, s25  }
0x1d6: {  	v14, _, _ =	vpop (xrf0);
	vm1 =	vgt.s32 v10, s12;
	v11 =	vnsel vm2, s25, v13  }
0x1d7: {  	v60, _, _ =	vpop (xrf0);
	s17 =	sld [smem:s7+$0x1];
	v9 =	vnsel vm1, s12, v10;
	v10 =	vxor.u32 $0x80000000, v12;
	v12 =	vxor.u32 $0x80000000, v57  }
0x1d8: {  	v61, _, _ =	vpop (xrf0);
	v11 =	vadd.s32 v1, v11;
	v8 =	vadd.s32 v1, v9;
	vm1 =	vgt.s32 v10, s24  }
0x1d9: {  	s16 =	sld [smem:s7+$0x3];
	v9 =	vand.u32 $0x7, v9;
	[tilespmem:s5+$0x1030] =	vst v11;
	v11 =	vxor.u32 $0x80000000, v61;
	v10 =	vnsel vm1, s24, v10  }
0x1da: {  	vm1 =	vgt.s32 v12, s17;
	v59 =	vshll.u32 v8, $0x2;
	v7 =	vadd.s32 v1, v10  }
0x1db: {  	v10 =	vnsel vm1, s17, v12;
	s17 =	sld [smem:s7+$0x4];
	v12 =	vxor.u32 $0x80000000, v58;
	v13 =	vand.u32 $0xFFFFFFE0, v59  }
0x1dc: {  	s19 =	sld [smem:s7+$0x5];
	[tilespmem:s5+$0x1000] =	vst v8;
	v8 =	vxor.u32 $0x80000000, v14;
	vm1 =	vgt.s32 v12, s16;
	v9 =	vor.u32 v9, v13  }
0x1dd: {  	s20 =	sld [smem:s7+$0x6];
	v10 =	vadd.s32 v1, v10;
	[tilespmem:s5+$0x1010] =	vst v7;
	v7 =	vnsel vm1, s16, v12;
	v13 =	vperm.xlane v9, v4  }
0x1de: {  	[tilespmem:s5+$0x1020] =	vst v10;
	v10 =	vxor.u32 $0x80000000, v60;
	vm1 =	vgt.s32 v8, s17;
	v7 =	vadd.s32 v1, v7  }
0x1df: {  	v8 =	vnsel vm1, s17, v8;
	vm1 =	vgt.s32 v10, s19;
	v62 =	vadd.s32 v5, v13  }
0x1e0: {  	[tilespmem:s5+$0x1040] =	vst v7;
	v7 =	vadd.s32 v1, v8;
	v8 =	vnsel vm1, s19, v10;
	vm1 =	vgt.s32 v11, s20  }
0x1e1: {  	v9 =	vperm.xlane v9, v6;
	[tilespmem:s5+$0x1050] =	vst v7;
	v7 =	vadd.s32 v1, v8;
	v8 =	vnsel vm1, s20, v11  }
0x1e2: {  	[tilespmem:s5+$0x1060] =	vst v7;
	v7 =	vadd.s32 v1, v8  }
0x1e3: {  	s21 =	simm.s32 $0x2000;
	s16 =	simm.s32 $0x0;
	[tilespmem:s5+$0x1070] =	vst v7;
	v7 =	vadd.s32 v5, v9  }
0x1e4: {  	[tilespmem:s21], [sflag:$0x1] =	stream.indirect_vreg.gather [hbm4b:s1+s16], $0x80, v62, vm0, $0xb8;
	[tilespmem:$0x1A000] =	vst v63  }
0x1e5: {  	s22 =	simm.s32 $0x2800  }
0x1e6: {  	[tilespmem:s22], [sflag:$0x1] =	stream.indirect_vreg.gather [hbm4b:s9+s16], $0x80, v62, vm0, $0xb8;
	[tilespmem:$0x1A000] =	vst v63  }
0x1e7: {  	s23 =	simm.s32 $0x3000  }
0x1e8: {  	[tilespmem:s23], [sflag:$0x1] =	stream.indirect_vreg.gather [hbm4b:s1+s16], $0x80, v7, vm0, $0xb8;
	[tilespmem:$0x1A000] =	vst v63  }
0x1e9: {  	s24 =	simm.s32 $0x3800  }
0x1ea: {  	[tilespmem:s24], [sflag:$0x1] =	stream.indirect_vreg.gather [hbm4b:s9+s16], $0x80, v7, vm0, $0xb8;
	[tilespmem:$0x1A000] =	vst v63  }
0x1eb: {  	v7 =	vld [tilespmem:s5+$0x1010];
	_ =	sdelay $0x4  }
0x1ec: {  	v8 =	vshll.u32 v7, $0x2  }
0x1ed: {  	v7 =	vand.u32 $0x7, v7;
	v8 =	vand.u32 $0xFFFFFFE0, v8  }
0x1ee: {  	v7 =	vor.u32 v7, v8  }
0x1ef: {  	v8 =	vperm.xlane v7, v4;
	_ =	sdelay $0x1  }
0x1f0: {  	v8 =	vadd.s32 v5, v8;
	_ =	sdelay $0x1  }
0x1f1: {  	v7 =	vperm.xlane v7, v6;
	_ =	sdelay $0x1  }
0x1f2: {  	s25 =	simm.s32 $0x4000;
	v7 =	vadd.s32 v5, v7  }
0x1f3: {  	[tilespmem:s25], [sflag:$0x1] =	stream.indirect_vreg.gather [hbm4b:s1+s16], $0x80, v8, vm0, $0xb8;
	[tilespmem:$0x1A000] =	vst v63  }
0x1f4: {  	s17 =	simm.s32 $0x4800  }
0x1f5: {  	[tilespmem:s17], [sflag:$0x1] =	stream.indirect_vreg.gather [hbm4b:s9+s16], $0x80, v8, vm0, $0xb8;
	[tilespmem:$0x1A000] =	vst v63  }
0x1f6: {  	s19 =	simm.s32 $0x5000  }
0x1f7: {  	[tilespmem:s19], [sflag:$0x1] =	stream.indirect_vreg.gather [hbm4b:s1+s16], $0x80, v7, vm0, $0xb8;
	[tilespmem:$0x1A000] =	vst v63  }
0x1f8: {  	s20 =	simm.s32 $0x5800  }
0x1f9: {  	[tilespmem:s20], [sflag:$0x1] =	stream.indirect_vreg.gather [hbm4b:s9+s16], $0x80, v7, vm0, $0xb8;
	[tilespmem:$0x1A000] =	vst v63  }
0x1fa: {  	v7 =	vld [tilespmem:s5+$0x1020];
	_ =	sdelay $0x4  }
0x1fb: {  	v8 =	vshll.u32 v7, $0x2  }
0x1fc: {  	v7 =	vand.u32 $0x7, v7;
	v8 =	vand.u32 $0xFFFFFFE0, v8  }
0x1fd: {  	v7 =	vor.u32 v7, v8  }
0x1fe: {  	v8 =	vperm.xlane v7, v4;
	_ =	sdelay $0x1  }
0x1ff: {  	v8 =	vadd.s32 v5, v8;
	_ =	sdelay $0x1  }
0x200: {  	v7 =	vperm.xlane v7, v6;
	_ =	sdelay $0x1  }
0x201: {  	s21 =	simm.s32 $0x6000;
	v7 =	vadd.s32 v5, v7  }
0x202: {  	[tilespmem:s21], [sflag:$0x1] =	stream.indirect_vreg.gather [hbm4b:s1+s16], $0x80, v8, vm0, $0xb8;
	[tilespmem:$0x1A000] =	vst v63  }
0x203: {  	s22 =	simm.s32 $0x6800  }
0x204: {  	[tilespmem:s22], [sflag:$0x1] =	stream.indirect_vreg.gather [hbm4b:s9+s16], $0x80, v8, vm0, $0xb8;
	[tilespmem:$0x1A000] =	vst v63  }
0x205: {  	s23 =	simm.s32 $0x7000  }
0x206: {  	[tilespmem:s23], [sflag:$0x1] =	stream.indirect_vreg.gather [hbm4b:s1+s16], $0x80, v7, vm0, $0xb8;
	[tilespmem:$0x1A000] =	vst v63  }
0x207: {  	s24 =	simm.s32 $0x7800  }
0x208: {  	[tilespmem:s24], [sflag:$0x1] =	stream.indirect_vreg.gather [hbm4b:s9+s16], $0x80, v7, vm0, $0xb8;
	[tilespmem:$0x1A000] =	vst v63  }
0x209: {  	v7 =	vld [tilespmem:s5+$0x1030];
	_ =	sdelay $0x4  }
0x20a: {  	v8 =	vshll.u32 v7, $0x2  }
0x20b: {  	v7 =	vand.u32 $0x7, v7;
	v8 =	vand.u32 $0xFFFFFFE0, v8  }
0x20c: {  	v7 =	vor.u32 v7, v8  }
0x20d: {  	v8 =	vperm.xlane v7, v4;
	_ =	sdelay $0x1  }
0x20e: {  	v8 =	vadd.s32 v5, v8;
	_ =	sdelay $0x1  }
0x20f: {  	v7 =	vperm.xlane v7, v6;
	_ =	sdelay $0x1  }
0x210: {  	s25 =	simm.s32 $0x8000;
	v7 =	vadd.s32 v5, v7  }
0x211: {  	[tilespmem:s25], [sflag:$0x1] =	stream.indirect_vreg.gather [hbm4b:s1+s16], $0x80, v8, vm0, $0xb8;
	[tilespmem:$0x1A000] =	vst v63  }
0x212: {  	s17 =	simm.s32 $0x8800  }
0x213: {  	[tilespmem:s17], [sflag:$0x1] =	stream.indirect_vreg.gather [hbm4b:s9+s16], $0x80, v8, vm0, $0xb8;
	[tilespmem:$0x1A000] =	vst v63  }
0x214: {  	s19 =	simm.s32 $0x9000  }
0x215: {  	[tilespmem:s19], [sflag:$0x1] =	stream.indirect_vreg.gather [hbm4b:s1+s16], $0x80, v7, vm0, $0xb8;
	[tilespmem:$0x1A000] =	vst v63  }
0x216: {  	s20 =	simm.s32 $0x9800  }
0x217: {  	[tilespmem:s20], [sflag:$0x1] =	stream.indirect_vreg.gather [hbm4b:s9+s16], $0x80, v7, vm0, $0xb8;
	[tilespmem:$0x1A000] =	vst v63  }
0x218: {  	v7 =	vld [tilespmem:s5+$0x1040];
	_ =	sdelay $0x4  }
0x219: {  	v8 =	vshll.u32 v7, $0x2  }
0x21a: {  	v7 =	vand.u32 $0x7, v7;
	v8 =	vand.u32 $0xFFFFFFE0, v8  }
0x21b: {  	v7 =	vor.u32 v7, v8  }
0x21c: {  	v8 =	vperm.xlane v7, v4;
	_ =	sdelay $0x1  }
0x21d: {  	v8 =	vadd.s32 v5, v8;
	_ =	sdelay $0x1  }
0x21e: {  	v7 =	vperm.xlane v7, v6;
	_ =	sdelay $0x1  }
0x21f: {  	s21 =	simm.s32 $0xA000;
	v7 =	vadd.s32 v5, v7  }
0x220: {  	[tilespmem:s21], [sflag:$0x1] =	stream.indirect_vreg.gather [hbm4b:s1+s16], $0x80, v8, vm0, $0xb8;
	[tilespmem:$0x1A000] =	vst v63  }
0x221: {  	s22 =	simm.s32 $0xA800  }
0x222: {  	[tilespmem:s22], [sflag:$0x1] =	stream.indirect_vreg.gather [hbm4b:s9+s16], $0x80, v8, vm0, $0xb8;
	[tilespmem:$0x1A000] =	vst v63  }
0x223: {  	s23 =	simm.s32 $0xB000  }
0x224: {  	[tilespmem:s23], [sflag:$0x1] =	stream.indirect_vreg.gather [hbm4b:s1+s16], $0x80, v7, vm0, $0xb8;
	[tilespmem:$0x1A000] =	vst v63  }
0x225: {  	s24 =	simm.s32 $0xB800  }
0x226: {  	[tilespmem:s24], [sflag:$0x1] =	stream.indirect_vreg.gather [hbm4b:s9+s16], $0x80, v7, vm0, $0xb8;
	[tilespmem:$0x1A000] =	vst v63  }
0x227: {  	v7 =	vld [tilespmem:s5+$0x1050];
	_ =	sdelay $0x4  }
0x228: {  	v8 =	vshll.u32 v7, $0x2  }
0x229: {  	v7 =	vand.u32 $0x7, v7;
	v8 =	vand.u32 $0xFFFFFFE0, v8  }
0x22a: {  	v7 =	vor.u32 v7, v8  }
0x22b: {  	v8 =	vperm.xlane v7, v4;
	_ =	sdelay $0x1  }
0x22c: {  	v8 =	vadd.s32 v5, v8;
	_ =	sdelay $0x1  }
0x22d: {  	v7 =	vperm.xlane v7, v6;
	_ =	sdelay $0x1  }
0x22e: {  	s25 =	simm.s32 $0xC000;
	v7 =	vadd.s32 v5, v7  }
0x22f: {  	[tilespmem:s25], [sflag:$0x1] =	stream.indirect_vreg.gather [hbm4b:s1+s16], $0x80, v8, vm0, $0xb8;
	[tilespmem:$0x1A000] =	vst v63  }
0x230: {  	s17 =	simm.s32 $0xC800  }
0x231: {  	[tilespmem:s17], [sflag:$0x1] =	stream.indirect_vreg.gather [hbm4b:s9+s16], $0x80, v8, vm0, $0xb8;
	[tilespmem:$0x1A000] =	vst v63  }
0x232: {  	s19 =	simm.s32 $0xD000  }
0x233: {  	[tilespmem:s19], [sflag:$0x1] =	stream.indirect_vreg.gather [hbm4b:s1+s16], $0x80, v7, vm0, $0xb8;
	[tilespmem:$0x1A000] =	vst v63  }
0x234: {  	s20 =	simm.s32 $0xD800  }
0x235: {  	[tilespmem:s20], [sflag:$0x1] =	stream.indirect_vreg.gather [hbm4b:s9+s16], $0x80, v7, vm0, $0xb8;
	[tilespmem:$0x1A000] =	vst v63  }
0x236: {  	v7 =	vld [tilespmem:s5+$0x1060];
	_ =	sdelay $0x4  }
0x237: {  	v8 =	vshll.u32 v7, $0x2  }
0x238: {  	v7 =	vand.u32 $0x7, v7;
	v8 =	vand.u32 $0xFFFFFFE0, v8  }
0x239: {  	v7 =	vor.u32 v7, v8  }
0x23a: {  	v8 =	vperm.xlane v7, v4;
	_ =	sdelay $0x1  }
0x23b: {  	v8 =	vadd.s32 v5, v8;
	_ =	sdelay $0x1  }
0x23c: {  	v7 =	vperm.xlane v7, v6;
	_ =	sdelay $0x1  }
0x23d: {  	s21 =	simm.s32 $0xE000;
	v7 =	vadd.s32 v5, v7  }
0x23e: {  	[tilespmem:s21], [sflag:$0x1] =	stream.indirect_vreg.gather [hbm4b:s1+s16], $0x80, v8, vm0, $0xb8;
	[tilespmem:$0x1A000] =	vst v63  }
0x23f: {  	s22 =	simm.s32 $0xE800  }
0x240: {  	[tilespmem:s22], [sflag:$0x1] =	stream.indirect_vreg.gather [hbm4b:s9+s16], $0x80, v8, vm0, $0xb8;
	[tilespmem:$0x1A000] =	vst v63  }
0x241: {  	s23 =	simm.s32 $0xF000  }
0x242: {  	[tilespmem:s23], [sflag:$0x1] =	stream.indirect_vreg.gather [hbm4b:s1+s16], $0x80, v7, vm0, $0xb8;
	[tilespmem:$0x1A000] =	vst v63  }
0x243: {  	_ = 	snop  }
0x244: {  	[tilespmem:s26], [sflag:$0x1] =	stream.indirect_vreg.gather [hbm4b:s9+s16], $0x80, v7, vm0, $0xb8;
	[tilespmem:$0x1A000] =	vst v63  }
0x245: {  	v7 =	vld [tilespmem:s5+$0x1070];
	_ =	sdelay $0x4  }
0x246: {  	v8 =	vshll.u32 v7, $0x2  }
0x247: {  	v7 =	vand.u32 $0x7, v7;
	v8 =	vand.u32 $0xFFFFFFE0, v8  }
0x248: {  	v7 =	vor.u32 v7, v8  }
0x249: {  	v8 =	vperm.xlane v7, v4;
	_ =	sdelay $0x1  }
0x24a: {  	v8 =	vadd.s32 v5, v8;
	_ =	sdelay $0x1  }
0x24b: {  	v7 =	vperm.xlane v7, v6;
	_ =	sdelay $0x1  }
0x24c: {  	v7 =	vadd.s32 v5, v7  }
0x24d: {  	[tilespmem:s28], [sflag:$0x1] =	stream.indirect_vreg.gather [hbm4b:s1+s16], $0x80, v8, vm0, $0xb8;
	[tilespmem:$0x1A000] =	vst v63  }
0x24e: {  	_ = 	snop  }
0x24f: {  	[tilespmem:s29], [sflag:$0x1] =	stream.indirect_vreg.gather [hbm4b:s9+s16], $0x80, v8, vm0, $0xb8;
	[tilespmem:$0x1A000] =	vst v63  }
0x250: {  	_ = 	snop  }
0x251: {  	[tilespmem:s30], [sflag:$0x1] =	stream.indirect_vreg.gather [hbm4b:s1+s16], $0x80, v7, vm0, $0xb8;
	[tilespmem:$0x1A000] =	vst v63  }
0x252: {  	_ = 	snop  }
0x253: {  	[tilespmem:s31], [sflag:$0x1] =	stream.indirect_vreg.gather [hbm4b:s9+s16], $0x80, v7, vm0, $0xb8;
	[tilespmem:$0x1A000] =	vst v63  }
0x254: {  	v7 =	vld [tilespmem:s18+$0xFFFFFFB0];
	_ =	sdelay $0x2  }
0x255: {  	v8 =	vld [tilespmem:s18+$0xFFFFFFE0]  }
0x256: {  	v9 =	vld [tilespmem:s18+$0xFFFFFF90]  }
0x257: {  	v7 =	vxor.u32 $0x80000000, v7  }
0x258: {  	v10 =	vld [tilespmem:s18+$0xFFFFFFF0];
	(xrf0) =	vmax.scan.msk.u32 $0xffff, v7  }
0x259: {  	v7 =	vld [tilespmem:s18+$0x0]  }
0x25a: {  	v8 =	vxor.u32 $0x80000000, v8  }
0x25b: {  	v9 =	vxor.u32 $0x80000000, v9;
	(xrf0) =	vmax.scan.msk.u32 $0xffff, v8;
	v8 =	vld [tilespmem:s18+$0xFFFFFFD0]  }
0x25c: {  	(xrf0) =	vmax.scan.msk.u32 $0xffff, v9  }
0x25d: {  	s21 =	sadd.s32 $0x0, s11;
	v9 =	vld [tilespmem:s18+$0xFFFFFFA0]  }
0x25e: {  	s24 =	sld [smem:s21+$0xFFFFFFFB];
	v10 =	vxor.u32 $0x80000000, v10;
	v7 =	vxor.u32 $0x80000000, v7;
	v63, _, _ =	vpop (xrf0)  }
0x25f: {  	v11 =	vld [tilespmem:s18+$0xFFFFFFC0];
	(xrf0) =	vmax.scan.msk.u32 $0xffff, v7;
	v7 =	vxor.u32 $0x80000000, v63  }
0x260: {  	s20 =	sld [smem:s21+$0xFFFFFFFE];
	v8 =	vxor.u32 $0x80000000, v8;
	(xrf0) =	vmax.scan.msk.u32 $0xffff, v10  }
0x261: {  	s23 =	sld [smem:s21+$0xFFFFFFF9];
	v10, _, _ =	vpop (xrf0);
	vm1 =	vgt.s32 v7, s24;
	(xrf0) =	vmax.scan.msk.u32 $0xffff, v8  }
0x262: {  	s17 =	sld [smem:s21+$0xFFFFFFFC];
	v8 =	vxor.u32 $0x80000000, v9;
	v10 =	vxor.u32 $0x80000000, v10;
	v9 =	vnsel vm1, s24, v7;
	v7, _, _ =	vpop (xrf0)  }
0x263: {  	s12 =	smov.u32 s18;
	s25 =	simm.s32 $0x0;
	s22 =	sld [smem:s21+$0xFFFFFFFF];
	vm2 =	vgt.s32 v10, s20;
	(xrf0) =	vmax.scan.msk.u32 $0xffff, v8;
	v9 =	vadd.s32 v1, v9;
	v7 =	vxor.u32 $0x80000000, v7  }
0x264: {  	s19 =	simm.s32 $0x20;
	s24 =	sld [smem:s11+s25];
	v8 =	vnsel vm2, s20, v10;
	s20 =	sadd.s32 $0x80, s18;
	[tilespmem:s18+$0xFFFFFFB0] =	vst v9;
	v9 =	vxor.u32 $0x80000000, v11;
	vm1 =	vgt.s32 v7, s23  }
.LBB2_14:
0x265: {  	v10 =	vld [tilespmem:s20+$0xFFFFFFB0];
	p1 =	sne.s32 s19, $0x1C0;
	v7 =	vnsel vm1, s23, v7;
	v8 =	vadd.s32 v1, v8;
	(xrf0) =	vmax.scan.msk.u32 $0xffff, v9;
	v9, _, _ =	vpop (xrf0);
	s23 =	smov.u32 s19;
	s19 =	sadd.s32 $0x20, s19  }
0x266: {  	v7 =	vadd.s32 v1, v7;
	s25 =	sld [smem:s21+$0xFFFFFFFD];
	[tilespmem:s12+$0xFFFFFFE0] =	vst v8;
	v8 =	vxor.u32 $0x80000000, v9;
	v9, _, _ =	vpop (xrf0)  }
0x267: {  	v11 =	vld [tilespmem:s20+$0xFFFFFFE0];
	[tilespmem:s12+$0xFFFFFF90] =	vst v7;
	s21 =	sld [smem:s21+$0xFFFFFFFA];
	v7 =	vxor.u32 $0x80000000, v9;
	vm1 =	vgt.s32 v8, s24;
	v9, _, _ =	vpop (xrf0)  }
0x268: {  	v12 =	vld [tilespmem:s20+$0xFFFFFF90];
	v9 =	vxor.u32 $0x80000000, v9;
	vm2 =	vgt.s32 v7, s22;
	v8 =	vnsel vm1, s24, v8  }
0x269: {  	vm1 =	vgt.s32 v9, s25;
	v7 =	vnsel vm2, s22, v7;
	v8 =	vadd.s32 v1, v8;
	v13, _, _ =	vpop (xrf0)  }
0x26a: {  	v14 =	vxor.u32 $0x80000000, v10;
	v13 =	vxor.u32 $0x80000000, v13;
	v9 =	vnsel vm1, s25, v9;
	[tilespmem:s12+$0x0] =	vst v8  }
0x26b: {  	v7 =	vadd.s32 v1, v7;
	v8 =	vld [tilespmem:s20+$0x0];
	(xrf0) =	vmax.scan.msk.u32 $0xffff, v14;
	vm1 =	vgt.s32 v13, s21;
	v9 =	vadd.s32 v1, v9;
	v10, _, _ =	vpop (xrf0)  }
0x26c: {  	v11 =	vxor.u32 $0x80000000, v11;
	v14 =	vld [tilespmem:s20+$0xFFFFFFF0];
	v13 =	vnsel vm1, s21, v13;
	v10 =	vxor.u32 $0x80000000, v10;
	[tilespmem:s12+$0xFFFFFFD0] =	vst v9  }
0x26d: {  	v9 =	vxor.u32 $0x80000000, v12;
	v12 =	vld [tilespmem:s20+$0xFFFFFFD0];
	(xrf0) =	vmax.scan.msk.u32 $0xffff, v11;
	v11 =	vadd.s32 v1, v13;
	vm1 =	vgt.s32 v10, s17  }
0x26e: {  	s24 =	sshra.s32 s23, $0x2;
	(xrf0) =	vmax.scan.msk.u32 $0xffff, v9;
	[tilespmem:s12+$0xFFFFFFA0] =	vst v11;
	v9 =	vnsel vm1, s17, v10  }
0x26f: {  	s21 =	sadd.s32 s24, s11;
	v10 =	vld [tilespmem:s20+$0xFFFFFFA0];
	v9 =	vadd.s32 v1, v9;
	[tilespmem:s12+$0xFFFFFFF0] =	vst v7  }
0x270: {  	s22 =	sld [smem:s21+$0xFFFFFFFB];
	v7 =	vxor.u32 $0x80000000, v8;
	[tilespmem:s12+$0xFFFFFFC0] =	vst v9;
	s12 =	smov.u32 s20  }
0x271: {  	v8 =	vld [tilespmem:s20+$0xFFFFFFC0];
	s17 =	sld [smem:s21+$0xFFFFFFFC];
	v13 =	vxor.u32 $0x80000000, v14;
	v11, _, _ =	vpop (xrf0);
	(xrf0) =	vmax.scan.msk.u32 $0xffff, v7  }
.Ltmp6:
0x272: {  	v14 =	vxor.u32 $0x80000000, v11;
	v11 =	vxor.u32 $0x80000000, v12;
	s25 =	sld [smem:s21+$0xFFFFFFFE];
	(xrf0) =	vmax.scan.msk.u32 $0xffff, v13;
	(pc) =	sbr.rel @p1 .LBB2_14-.Ltmp6, $4  }
0x273: {  	s23 =	sld [smem:s21+$0xFFFFFFF9];
	vm1 =	vgt.s32 v14, s22;
	(xrf0) =	vmax.scan.msk.u32 $0xffff, v11;
	v9, _, _ =	vpop (xrf0)  }
0x274: {  	v10 =	vxor.u32 $0x80000000, v10;
	v11 =	vnsel vm1, s22, v14;
	v12 =	vxor.u32 $0x80000000, v9;
	s22 =	sld [smem:s21+$0xFFFFFFFF];
	v7, _, _ =	vpop (xrf0)  }
0x275: {  	v7 =	vxor.u32 $0x80000000, v7;
	v9 =	vadd.s32 v1, v11;
	vm2 =	vgt.s32 v12, s25;
	(xrf0) =	vmax.scan.msk.u32 $0xffff, v10  }
0x276: {  	s20 =	sadd.s32 $0x80, s20;
	vm1 =	vgt.s32 v7, s23;
	[tilespmem:s12+$0xFFFFFFB0] =	vst v9;
	v9 =	vxor.u32 $0x80000000, v8;
	v8 =	vnsel vm2, s25, v12;
	s24 =	sld [smem:s11+s24]  }
0x277: {  	(xrf0) =	vmax.scan.msk.u32 $0xffff, v9;
	v60, _, _ =	vpop (xrf0)  }
0x278: {  	s19 =	sld [smem:s21+$0xFFFFFFFD];
	v10, _, _ =	vpop (xrf0)  }
0x279: {  	v7 =	vnsel vm1, s23, v7;
	v9 =	vxor.u32 $0x80000000, v60;
	v11, _, _ =	vpop (xrf0)  }
0x27a: {  	s20 =	sld [smem:s21+$0xFFFFFFFA];
	v8 =	vadd.s32 v1, v8;
	vm1 =	vgt.s32 v9, s24;
	v11 =	vxor.u32 $0x80000000, v11  }
0x27b: {  	[tilespmem:s12+$0xFFFFFFE0] =	vst v8;
	v7 =	vadd.s32 v1, v7;
	v9 =	vnsel vm1, s24, v9;
	v12, _, _ =	vpop (xrf0);
	vm1 =	vgt.s32 v11, s19  }
0x27c: {  	[tilespmem:s12+$0xFFFFFF90] =	vst v7;
	v7 =	vxor.u32 $0x80000000, v10;
	v12 =	vxor.u32 $0x80000000, v12;
	v8 =	vnsel vm1, s19, v11  }
0x27d: {  	v9 =	vadd.s32 v1, v9;
	vm1 =	vgt.s32 v12, s20;
	v62, _, _ =	vpop (xrf0);
	v8 =	vadd.s32 v1, v8  }
0x27e: {  	[tilespmem:s12+$0x0] =	vst v9;
	v61 =	vnsel vm1, s20, v12;
	vm1 =	vgt.s32 v7, s22;
	v63 =	vxor.u32 $0x80000000, v62  }
0x27f: {  	[tilespmem:s12+$0xFFFFFFD0] =	vst v8;
	v7 =	vnsel vm1, s22, v7;
	v8 =	vadd.s32 v1, v61;
	vm1 =	vgt.s32 v63, s17  }
0x280: {  	v7 =	vadd.s32 v1, v7;
	[tilespmem:s12+$0xFFFFFFA0] =	vst v8;
	v8 =	vnsel vm1, s17, v63  }
0x281: {  	v8 =	vadd.s32 v1, v8;
	[tilespmem:s12+$0xFFFFFFF0] =	vst v7  }
0x282: {  	s17 =	smov.u32 s13;
	[tilespmem:s12+$0xFFFFFFC0] =	vst v8;
	s12 =	smov.u32 s14  }
.LBB2_16:
0x283: {  	p1 =	slt.u32 s16, $0x2  }
0x284: {  	s19 =	simm.s32 @!p1 $0x2  }
0x285: {  	_ =	swait.ge @!p1 [sflag:s19], $0x4000  }
0x286: {  	p2 =	sgt.u32 @!p1 s16, $0x3B;
	[sflag:s19] =	ssyncset.done @!p1 $0x0  }
0x287: {  	p2 =	por p1, !p2;
	[sflag:s19] =	ssyncadd.s32 @!p1 $0xFFFFC000  }
0x288: {  	v7 =	vld @p2 [tilespmem:s12+$0xFFFFFFF0];
	_ =	sdelay $0x3  }
0x289: {  	s19 =	sadd.s32 @p2 $0x4, s16  }
0x28a: {  	s20 =	smul.u32 @p2 $0xAB, s19;
	v8 =	vshll.u32 @p2 v7, $0x2  }
0x28b: {  	v7 =	vand.u32 @p2 $0x7, v7;
	v8 =	vand.u32 @p2 $0xFFFFFFE0, v8  }
0x28c: {  	s20 =	sshrl.u32 @p2 s20, $0xA;
	v7 =	vor.u32 @p2 v7, v8  }
0x28d: {  	s20 =	sand.u32 @p2 $0x3F, s20;
	v8 =	vperm.xlane @p2 v7, v4  }
0x28e: {  	s20 =	smul.u32 @p2 $0x6, s20  }
0x28f: {  	v8 =	vadd.s32 @p2 v5, v8  }
0x290: {  	s19 =	ssub.s32 @p2 s19, s20  }
0x291: {  	s19 =	sand.u32 @p2 $0xFF, s19;
	v7 =	vperm.xlane @p2 v7, v6  }
0x292: {  	s19 =	sshll.u32 @p2 s19, $0xE  }
0x293: {  	s20 =	sor.u32 @p2 $0x2000, s19;
	v7 =	vadd.s32 @p2 v5, v7  }
0x294: {  	[tilespmem:s20], [sflag:$0x1] =	stream.indirect_vreg.gather @p2 [hbm4b:s1+s3], $0x80, v8, vm0, $0xb8;
	[tilespmem:$0x1A000] =	vst v63  }
0x295: {  	s20 =	sor.u32 @p2 $0x2800, s19  }
0x296: {  	[tilespmem:s20], [sflag:$0x1] =	stream.indirect_vreg.gather @p2 [hbm4b:s9+s3], $0x80, v8, vm0, $0xb8;
	[tilespmem:$0x1A000] =	vst v63  }
0x297: {  	s20 =	sor.u32 @p2 $0x3000, s19  }
0x298: {  	[tilespmem:s20], [sflag:$0x1] =	stream.indirect_vreg.gather @p2 [hbm4b:s1+s3], $0x80, v7, vm0, $0xb8;
	[tilespmem:$0x1A000] =	vst v63  }
0x299: {  	s20 =	sor.u32 @p2 $0x3800, s19  }
0x29a: {  	[tilespmem:s20], [sflag:$0x1] =	stream.indirect_vreg.gather @p2 [hbm4b:s9+s3], $0x80, v7, vm0, $0xb8;
	[tilespmem:$0x1A000] =	vst v63  }
0x29b: {  	v7 =	vld @p2 [tilespmem:s12+$0x0];
	_ =	sdelay $0x4  }
0x29c: {  	v8 =	vshll.u32 @p2 v7, $0x2  }
0x29d: {  	v7 =	vand.u32 @p2 $0x7, v7;
	v8 =	vand.u32 @p2 $0xFFFFFFE0, v8  }
0x29e: {  	v7 =	vor.u32 @p2 v7, v8  }
0x29f: {  	v8 =	vperm.xlane @p2 v7, v4;
	_ =	sdelay $0x1  }
0x2a0: {  	v8 =	vadd.s32 @p2 v5, v8;
	_ =	sdelay $0x1  }
0x2a1: {  	v7 =	vperm.xlane @p2 v7, v6;
	_ =	sdelay $0x1  }
0x2a2: {  	s20 =	sadd.s32 @p2 $0x4000, s19;
	v7 =	vadd.s32 @p2 v5, v7  }
0x2a3: {  	[tilespmem:s20], [sflag:$0x1] =	stream.indirect_vreg.gather @p2 [hbm4b:s1+s3], $0x80, v8, vm0, $0xb8;
	[tilespmem:$0x1A000] =	vst v63  }
0x2a4: {  	s20 =	sadd.s32 @p2 $0x4800, s19  }
0x2a5: {  	[tilespmem:s20], [sflag:$0x1] =	stream.indirect_vreg.gather @p2 [hbm4b:s9+s3], $0x80, v8, vm0, $0xb8;
	[tilespmem:$0x1A000] =	vst v63  }
0x2a6: {  	s20 =	sadd.s32 @p2 $0x5000, s19  }
0x2a7: {  	[tilespmem:s20], [sflag:$0x1] =	stream.indirect_vreg.gather @p2 [hbm4b:s1+s3], $0x80, v7, vm0, $0xb8;
	[tilespmem:$0x1A000] =	vst v63  }
0x2a8: {  	s25 =	smul.u32 $0xAB, s16;
	s19 =	sadd.s32 @p2 $0x5800, s19  }
0x2a9: {  	[tilespmem:s19], [sflag:$0x1] =	stream.indirect_vreg.gather @p2 [hbm4b:s9+s3], $0x80, v7, vm0, $0xb8;
	[tilespmem:$0x1A000] =	vst v63  }
0x2aa: {  	s19 =	sshrl.u32 s25, $0xA  }
0x2ab: {  	s19 =	sand.u32 $0x3F, s19  }
0x2ac: {  	s19 =	smul.u32 $0x6, s19;
	_ =	sdelay $0x1  }
0x2ad: {  	s19 =	ssub.s32 s16, s19;
	s16 =	sadd.s32 $0x1, s16  }
0x2ae: {  	p1 =	sne.s32 s16, $0x40  }
.Ltmp7:
0x2af: {  	_ =	swait.ge [sflag:s4], $0x4000;
	s19 =	sand.u32 $0xFF, s19;
	(pc) =	sbr.rel @p1 .LBB2_16-.Ltmp7, $4  }
0x2b0: {  	[sflag:s4] =	ssyncset.done $0x0;
	s19 =	sshll.u32 s19, $0xE  }
0x2b1: {  	[sflag:s4] =	ssyncadd.s32 $0xFFFFC000;
	s19 =	sor.u32 $0x2000, s19  }
0x2b2: {  	[hbm4b:s17+s3] =	stream.linear.scatter [tilespmem:s19], [sflag:$0x2], $0x4000, $0x38;
	[tilespmem:$0x1A000] =	vst v63  }
0x2b3: {  	s12 =	sadd.s32 $0x20, s12;
	s17 =	sadd.s32 $0x800, s17  }
0x2b4: {  	s0 =	sadd.s32 $0x1, s0  }
0x2b5: {  	_ =	swait.ge [sflag:s2], $0x4000;
	p1 =	sne.s32 s0, s10  }
.Ltmp8:
0x2b6: {  	[sflag:s2] =	ssyncset.done $0x0;
	(pc) =	sbr.rel @p1 .LBB2_1-.Ltmp8, $4  }
0x2b7: {  	[sflag:s2] =	ssyncadd.s32 $0xFFFFC000  }
0x2b8: {  	_ =	swait.ge [sflag:s2], $0x4000  }
0x2b9: {  	[sflag:s2] =	ssyncset.done $0x0  }
0x2ba: {  	[sflag:s2] =	ssyncadd.s32 $0xFFFFC000  }
0x2bb: {  	_ =	sfence.sel $0x180000  }
0x2bc: {  	[bflag:$0x0] =	sbarrier.arrive $0xFFFF  }
0x2bd: {  	_ =	strace $0x90000047  }
0x2be: {  	s0 =	stileid.u32;
	[bflag:$0x2] =	sbarrier.arrive $0xFFFF  }
0x2bf: {  	p0 =	sne.s32 s0, $0x0;
	s0 =	rddreg [dreg:$0x3]  }
0x2c0: {  	s0 =	sadd.s32 @!p0 $0x100000, s0  }
0x2c1: {  	[sflag:s0] =	ssyncadd.tile.s32 @!p0 $0x1;
	_ =	shalt  }
.Lfunc_end2:
_tile_overlayer_lowered:
.L_overlay_start_2:
0x2c2: {  	(tag) =	ssettag $0x2  }
0x2c3: {  	s0 =	rddreg [dreg:$0x0];
	s2 =	stileid.u32  }
0x2c4: {  	s1 =	rddreg [dreg:$0x1];
	p0 =	sne.s32 s2, $0x0  }
0x2c5: {  	s3 =	rddreg [dreg:$0x2];
	[bflag:$0x3] =	sbarrier.arrive $0xFFFF;
	s2 =	simm.s32 @!p0 $0x1C03  }
0x2c6: {  	[timem:s3], [sflag:s2] =	dma.local @!p0 [hbm:s0], s1  }
0x2c7: {  	s0 =	simm.s32 @!p0 $0x3  }
0x2c8: {  	_ =	swait.ge @!p0 [sflag:s0], s1  }
0x2c9: {  	s1 =	ssub.s32 @!p0 $0x0, s1;
	[sflag:s0] =	ssyncset.done @!p0 $0x0  }
0x2ca: {  	[sflag:s0] =	ssyncadd.s32 @!p0 s1  }
0x2cb: {  	[bflag:$0x3] =	sbarrier.arrive $0xFFFF  }
0x2cc: {  	_ =	shalt  }

</sc_bundles>
